<compile_context>
chip_gen: v7x
topology: tpu7x:2x2x1
jax: 0.10.2.dev20260603
libtpu: 0.0.44.dev20260713+nightly
codegen_flags: <defaults>
</compile_context>

<pallas_src>
import functools

import jax
import jax.numpy as jnp
from jax import lax
from jax.experimental import pallas as pl
from jax.experimental.pallas import tpu as pltpu
from jax.experimental.pallas import tpu_sc as plsc

N = 10000
E = 320000
D_IN = 128
H1 = 128
H2 = 128
D_OUT = 64

NSC = 2
NTILE = 16
RPT = 632
NR = NTILE * RPT
DUMMY = N
K = 112
CROWS = 2880
CPT = CROWS // (NSC * NTILE)
CPA = CROWS // NTILE
EPAD = CROWS * K

RB = 632
RB3 = 1000

_MESH = plsc.VectorSubcoreMesh(core_axis_name="c", subcore_axis_name="s")


@functools.partial(
    pl.kernel,
    out_type=(
        jax.ShapeDtypeStruct((NSC, NR, 16), jnp.float32),
        jax.ShapeDtypeStruct((NSC, NR, 16), jnp.float32),
    ),
    mesh=_MESH,
    scratch_types=[
        pltpu.VMEM((CPT, K), jnp.int32),
        pltpu.VMEM((CPT, K), jnp.int32),
        pltpu.VMEM((K, 16), jnp.float32),
        pltpu.VMEM_SHARED((NR, 16), jnp.float32),
        pltpu.VMEM_SHARED((NR, 16), jnp.float32),
    ],
    compiler_params=pltpu.CompilerParams(use_tc_tiling_on_sc=False),
)
def _deg_kernel(srcp2, dstp2, z16, dego, degi, sidx, didx, ones, acc_o, acc_i):
    c = lax.axis_index("c")
    s = lax.axis_index("s")
    tid = c * NTILE + s

    pltpu.sync_copy(srcp2.at[pl.ds(tid * CPT, CPT)], sidx)
    pltpu.sync_copy(dstp2.at[pl.ds(tid * CPT, CPT)], didx)
    pltpu.sync_copy(z16, acc_o.at[pl.ds(s * RPT, RPT)])
    pltpu.sync_copy(z16, acc_i.at[pl.ds(s * RPT, RPT)])

    for r in range(K):
        ones[r] = jnp.ones((16,), jnp.float32)

    plsc.subcore_barrier()

    @pl.loop(0, CPT)
    def _(i):
        pltpu.sync_copy(ones, acc_o.at[sidx.at[i]], add=True)
        pltpu.sync_copy(ones, acc_i.at[didx.at[i]], add=True)

    plsc.subcore_barrier()
    off = s * RPT
    pltpu.sync_copy(acc_o.at[pl.ds(off, RPT)], dego.at[c, pl.ds(off, RPT)])
    pltpu.sync_copy(acc_i.at[pl.ds(off, RPT)], degi.at[c, pl.ds(off, RPT)])


def _make_agg(D):
    @functools.partial(
        pl.kernel,
        out_type=jax.ShapeDtypeStruct((NSC, NR, D), jnp.float32),
        mesh=_MESH,
        scratch_types=[
            pltpu.VMEM((CPA, K), jnp.int32),
            pltpu.VMEM((K,), jnp.int32),
            pltpu.VMEM((K,), jnp.int32),
            pltpu.VMEM((K, D), jnp.float32),
            pltpu.VMEM((K, D), jnp.float32),
            pltpu.VMEM_SHARED((NR, D), jnp.float32),
            pltpu.SemaphoreType.DMA,
            pltpu.SemaphoreType.DMA,
            pltpu.SemaphoreType.DMA,
            pltpu.SemaphoreType.DMA,
        ],
        compiler_params=pltpu.CompilerParams(use_tc_tiling_on_sc=False),
    )
    def agg(srcp2, dstp2, zrows, y, out, sidx, d0b, d1b, r0, r1, acc,
            g0, g1, dm0, dm1):
        rows = [r0, r1]
        gsem = [g0, g1]
        dbuf = [d0b, d1b]
        dsem = [dm0, dm1]
        c = lax.axis_index("c")
        s = lax.axis_index("s")

        base = s * CPA

        pltpu.sync_copy(srcp2.at[pl.ds(base, CPA)], sidx)
        pltpu.sync_copy(zrows, acc.at[pl.ds(s * RPT, RPT)])

        plsc.subcore_barrier()

        @pl.when(c == 0)
        def _():
            pltpu.async_copy(dstp2.at[base], dbuf[0], dsem[0])
            pltpu.async_copy(y.at[sidx.at[0]], rows[0], gsem[0])
            pltpu.async_copy(y.at[sidx.at[1]], rows[1], gsem[1])

            @pl.loop(0, CPA // 2)
            def _(j):
                i0 = j * 2
                for b in range(2):
                    i = i0 + b

                    @pl.when(i + 1 < CPA)
                    def _():
                        pltpu.async_copy(dstp2.at[base + i + 1], dbuf[1 - b],
                                         dsem[1 - b])

                    pltpu.make_async_copy(y.at[sidx.at[i]], rows[b],
                                          gsem[b]).wait()
                    pltpu.make_async_copy(dstp2.at[base + i], dbuf[b],
                                          dsem[b]).wait()
                    pltpu.sync_copy(rows[b], acc.at[dbuf[b]], add=True)

                    @pl.when(i + 2 < CPA)
                    def _():
                        pltpu.async_copy(y.at[sidx.at[i + 2]], rows[b],
                                         gsem[b])

        plsc.subcore_barrier()
        pltpu.sync_copy(acc.at[pl.ds(s * RPT, RPT)],
                        out.at[c, pl.ds(s * RPT, RPT)])

    return agg


_agg128 = _make_agg(128)
_agg64 = _make_agg(64)


def _norm(deg):
    return jnp.where(deg > 0, lax.rsqrt(jnp.maximum(deg, 1.0)), 0.0)


def _stage0_body(x_ref, dego_ref, w_ref, o_ref):
    deg = dego_ref[0, :, 0:1] + dego_ref[1, :, 0:1]
    h = x_ref[...] * _norm(deg)
    o_ref[...] = jnp.dot(h, w_ref[...], preferred_element_type=jnp.float32,
                         precision=lax.Precision.HIGHEST)


def _stage0(x, dego, w):
    return pl.pallas_call(
        _stage0_body,
        grid=(NR // RB,),
        in_specs=[
            pl.BlockSpec((RB, D_IN), lambda i: (i, 0)),
            pl.BlockSpec((NSC, RB, 16), lambda i: (0, i, 0)),
            pl.BlockSpec((D_IN, H1), lambda i: (0, 0)),
        ],
        out_specs=pl.BlockSpec((RB, H1), lambda i: (i, 0)),
        out_shape=jax.ShapeDtypeStruct((NR, H1), jnp.float32),
    )(x, dego, w)


def _stage_mid_body(p_ref, degi_ref, dego_ref, b_ref, w_ref, o_ref):
    di = degi_ref[0, :, 0:1] + degi_ref[1, :, 0:1]
    do = dego_ref[0, :, 0:1] + dego_ref[1, :, 0:1]
    agg = (p_ref[0] + p_ref[1]) * _norm(di) + b_ref[...]
    h = jnp.where(agg >= 0, agg, 0.1 * agg) * _norm(do)
    o_ref[...] = jnp.dot(h, w_ref[...], preferred_element_type=jnp.float32,
                         precision=lax.Precision.HIGHEST)


def _stage_mid(p, degi, dego, b, w):
    d = p.shape[-1]
    h = w.shape[-1]
    return pl.pallas_call(
        _stage_mid_body,
        grid=(NR // RB,),
        in_specs=[
            pl.BlockSpec((NSC, RB, d), lambda i: (0, i, 0)),
            pl.BlockSpec((NSC, RB, 16), lambda i: (0, i, 0)),
            pl.BlockSpec((NSC, RB, 16), lambda i: (0, i, 0)),
            pl.BlockSpec((1, d), lambda i: (0, 0)),
            pl.BlockSpec((d, h), lambda i: (0, 0)),
        ],
        out_specs=pl.BlockSpec((RB, h), lambda i: (i, 0)),
        out_shape=jax.ShapeDtypeStruct((NR, h), jnp.float32),
    )(p, degi, dego, b, w)


def _stage3_body(p_ref, degi_ref, b_ref, o_ref):
    di = degi_ref[0, :, 0:1] + degi_ref[1, :, 0:1]
    t = (p_ref[0] + p_ref[1]) * _norm(di) + b_ref[...]
    t = t - jnp.max(t, axis=1, keepdims=True)
    e = jnp.exp(t)
    o_ref[...] = e / jnp.sum(e, axis=1, keepdims=True)


def _stage3(p, degi, b):
    return pl.pallas_call(
        _stage3_body,
        grid=(N // RB3,),
        in_specs=[
            pl.BlockSpec((NSC, RB3, D_OUT), lambda i: (0, i, 0)),
            pl.BlockSpec((NSC, RB3, 16), lambda i: (0, i, 0)),
            pl.BlockSpec((1, D_OUT), lambda i: (0, 0)),
        ],
        out_specs=pl.BlockSpec((RB3, D_OUT), lambda i: (i, 0)),
        out_shape=jax.ShapeDtypeStruct((N, D_OUT), jnp.float32),
    )(p, degi, b)


def kernel(x, edge_index, W1, b1, W2, b2, W3, b3):
    src = edge_index[0]
    dst = edge_index[1]
    pad = jnp.full((CROWS * K - E,), DUMMY, jnp.int32)
    srcp2 = jnp.concatenate([src, pad]).reshape(CROWS, K)
    dstp2 = jnp.concatenate([dst, pad]).reshape(CROWS, K)
    z16 = jnp.zeros((RPT, 16), jnp.float32)
    z128 = jnp.zeros((RPT, 128), jnp.float32)
    z64 = jnp.zeros((RPT, 64), jnp.float32)

    dego, degi = _deg_kernel(srcp2, dstp2, z16)

    y1 = _stage0(x, dego, W1)
    p1 = _agg128(srcp2, dstp2, z128, y1)
    y2 = _stage_mid(p1, degi, dego, b1.reshape(1, -1), W2)
    p2 = _agg128(srcp2, dstp2, z128, y2)
    y3 = _stage_mid(p2, degi, dego, b2.reshape(1, -1), W3)
    p3 = _agg64(srcp2, dstp2, z64, y3)
    return _stage3(p3, degi, b3.reshape(1, -1))

# --- scband reference (transcript-rebuilt; emitter-appended) ---
"""Pipeline reference for scband-gcn-3-layers-31860067401788 (READ-ONLY COPY).

The authoritative reference and input builder live on the scoring server;
editing this copy changes nothing except your own understanding.
"""

import jax, jax.numpy as jnp
import numpy as np

N, E, D_IN, H1, H2, D_OUT = 10000, 320000, 128, 128, 128, 64


def setup_inputs(seed: int = 0) -> dict:
    key = jax.random.key(seed)
    ks = jax.random.split(key, 9)
    x = jax.random.normal(ks[0], (N, D_IN), dtype=jnp.float32)
    edge_index = jax.random.randint(ks[1], (2, E), 0, N, dtype=jnp.int32)
    def glorot(k, fin, fout):
        s = jnp.sqrt(2.0 / (fin + fout))
        return jax.random.normal(k, (fin, fout), dtype=jnp.float32) * s
    W1 = glorot(ks[2], D_IN, H1)
    b1 = jnp.zeros((H1,), dtype=jnp.float32)
    W2 = glorot(ks[3], H1, H2)
    b2 = jnp.zeros((H2,), dtype=jnp.float32)
    W3 = glorot(ks[4], H2, D_OUT)
    b3 = jnp.zeros((D_OUT,), dtype=jnp.float32)
    return {"x": x, "edge_index": edge_index, "W1": W1, "b1": b1, "W2": W2, "b2": b2, "W3": W3, "b3": b3}


def _graph_conv(x, src, dst, n_nodes, W, b):
    # DGL GraphConv with norm='both': h = D_in^{-1/2} * A^T * (D_out^{-1/2} * x) @ W + b
    ones = jnp.ones((src.shape[0],), dtype=x.dtype)
    deg_out = jax.ops.segment_sum(ones, src, num_segments=n_nodes)
    deg_in = jax.ops.segment_sum(ones, dst, num_segments=n_nodes)
    norm_out = jnp.where(deg_out > 0, jax.lax.rsqrt(jnp.maximum(deg_out, 1.0)), 0.0)
    norm_in = jnp.where(deg_in > 0, jax.lax.rsqrt(jnp.maximum(deg_in, 1.0)), 0.0)
    h = x * norm_out[:, None]
    msg = jnp.take(h, src, axis=0)
    agg = jax.ops.segment_sum(msg, dst, num_segments=n_nodes)
    agg = agg * norm_in[:, None]
    return agg @ W + b


def reference(x, edge_index, W1, b1, W2, b2, W3, b3):
    src = edge_index[0]
    dst = edge_index[1]
    n_nodes = x.shape[0]
    h = _graph_conv(x, src, dst, n_nodes, W1, b1)
    h = jnp.where(h >= 0, h, 0.1 * h)
    h = _graph_conv(h, src, dst, n_nodes, W2, b2)
    h = jnp.where(h >= 0, h, 0.1 * h)
    h = _graph_conv(h, src, dst, n_nodes, W3, b3)
    return jax.nn.softmax(h, axis=1)

if __name__ == "__main__":
    import jax
    _d = setup_inputs()
    print(jax.jit(kernel)(*tuple(_d.values())))

</pallas_src>

<mosaic_0001>
#map = affine_map<(d0, d1) -> (0, 0)>
#map1 = affine_map<(d0, d1) -> (0, 0, 0)>
module attributes {stable_mosaic.version = 14 : i64} {
  func.func @_deg_kernel(%arg0: i32, %arg1: i32, %arg2: memref<2880x112xi32, #tpu.memory_space<hbm>>, %arg3: memref<2880x112xi32, #tpu.memory_space<hbm>>, %arg4: memref<632x16xf32, #tpu.memory_space<hbm>>, %arg5: memref<2x10112x16xf32, #tpu.memory_space<hbm>>, %arg6: memref<2x10112x16xf32, #tpu.memory_space<hbm>>, %arg7: memref<90x112xi32, #tpu.memory_space<vmem>>, %arg8: memref<90x112xi32, #tpu.memory_space<vmem>>, %arg9: memref<112x16xf32, #tpu.memory_space<vmem>>, %arg10: memref<10112x16xf32, #tpu.memory_space<vmem_shared>>, %arg11: memref<10112x16xf32, #tpu.memory_space<vmem_shared>>) attributes {dimension_semantics = [#tpu.dimension_semantics<core_parallel>, #tpu.dimension_semantics<subcore_parallel>], iteration_bounds = array<i64: 2, 16>, scalar_prefetch = 0 : i64, scratch_operands = 5 : i64, tpu.core_type = #tpu.core_type<sc_vector_subcore>, window_params = [{transform_indices = #map}, {transform_indices = #map}, {transform_indices = #map}, {transform_indices = #map1}, {transform_indices = #map1}]} {
    %mul3A = arith.constant 16 : i32
    %mul3A_0 = arith.muli %arg0, %mul3A : i32
    %add3A = arith.addi %mul3A_0, %arg1 : i32
    %mul3A_1 = arith.constant 90 : i32
    %mul3A_2 = arith.muli %add3A, %mul3A_1 : i32
    "tpu.region"() ({
      %run_scoped3A = tpu.sem_alloc : memref<!tpu.dma_semaphore, #tpu.memory_space<semaphore_mem>>
      %dma_start3A = arith.constant 0 : i32
      %dma_start3A_910 = tpu.memref_slice %arg2[%mul3A_2, %dma_start3A] : memref<2880x112xi32, #tpu.memory_space<hbm>> -> memref<90x112xi32, #tpu.memory_space<hbm>>
      %dma_start3A_911 = arith.constant 0 : i32
      %dma_start3A_912 = tpu.memref_slice %arg2[%mul3A_2, %dma_start3A_911] : memref<2880x112xi32, #tpu.memory_space<hbm>> -> memref<90x112xi32, #tpu.memory_space<hbm>>
      tpu.enqueue_dma source(%dma_start3A_912 : memref<90x112xi32, #tpu.memory_space<hbm>>) target(%arg7 : memref<90x112xi32, #tpu.memory_space<vmem>>) target_semaphore(%run_scoped3A : memref<!tpu.dma_semaphore, #tpu.memory_space<semaphore_mem>>)
      %dma_wait3A = arith.constant 0 : i32
      %dma_wait3A_913 = tpu.memref_slice %arg2[%mul3A_2, %dma_wait3A] : memref<2880x112xi32, #tpu.memory_space<hbm>> -> memref<90x112xi32, #tpu.memory_space<hbm>>
      %dma_wait3A_914 = arith.constant 0 : i32
      %dma_wait3A_915 = tpu.memref_slice %arg2[%mul3A_2, %dma_wait3A_914] : memref<2880x112xi32, #tpu.memory_space<hbm>> -> memref<90x112xi32, #tpu.memory_space<hbm>>
      tpu.wait_dma2 semaphore(%run_scoped3A : memref<!tpu.dma_semaphore, #tpu.memory_space<semaphore_mem>>) src(%dma_wait3A_915 : memref<90x112xi32, #tpu.memory_space<hbm>>) dst(%arg7 : memref<90x112xi32, #tpu.memory_space<vmem>>)
      tpu.yield
    }) : () -> ()
    %mul3A_3 = arith.constant 90 : i32
    %mul3A_4 = arith.muli %add3A, %mul3A_3 : i32
    "tpu.region"() ({
      %run_scoped3A = tpu.sem_alloc : memref<!tpu.dma_semaphore, #tpu.memory_space<semaphore_mem>>
      %dma_start3A = arith.constant 0 : i32
      %dma_start3A_910 = tpu.memref_slice %arg3[%mul3A_4, %dma_start3A] : memref<2880x112xi32, #tpu.memory_space<hbm>> -> memref<90x112xi32, #tpu.memory_space<hbm>>
      %dma_start3A_911 = arith.constant 0 : i32
      %dma_start3A_912 = tpu.memref_slice %arg3[%mul3A_4, %dma_start3A_911] : memref<2880x112xi32, #tpu.memory_space<hbm>> -> memref<90x112xi32, #tpu.memory_space<hbm>>
      tpu.enqueue_dma source(%dma_start3A_912 : memref<90x112xi32, #tpu.memory_space<hbm>>) target(%arg8 : memref<90x112xi32, #tpu.memory_space<vmem>>) target_semaphore(%run_scoped3A : memref<!tpu.dma_semaphore, #tpu.memory_space<semaphore_mem>>)
      %dma_wait3A = arith.constant 0 : i32
      %dma_wait3A_913 = tpu.memref_slice %arg3[%mul3A_4, %dma_wait3A] : memref<2880x112xi32, #tpu.memory_space<hbm>> -> memref<90x112xi32, #tpu.memory_space<hbm>>
      %dma_wait3A_914 = arith.constant 0 : i32
      %dma_wait3A_915 = tpu.memref_slice %arg3[%mul3A_4, %dma_wait3A_914] : memref<2880x112xi32, #tpu.memory_space<hbm>> -> memref<90x112xi32, #tpu.memory_space<hbm>>
      tpu.wait_dma2 semaphore(%run_scoped3A : memref<!tpu.dma_semaphore, #tpu.memory_space<semaphore_mem>>) src(%dma_wait3A_915 : memref<90x112xi32, #tpu.memory_space<hbm>>) dst(%arg8 : memref<90x112xi32, #tpu.memory_space<vmem>>)
      tpu.yield
    }) : () -> ()
    %mul3A_5 = arith.constant 632 : i32
    %mul3A_6 = arith.muli %arg1, %mul3A_5 : i32
    "tpu.region"() ({
      %run_scoped3A = tpu.sem_alloc : memref<!tpu.dma_semaphore, #tpu.memory_space<semaphore_mem>>
      %dma_start3A = arith.constant 0 : i32
      %dma_start3A_910 = tpu.memref_slice %arg10[%mul3A_6, %dma_start3A] : memref<10112x16xf32, #tpu.memory_space<vmem_shared>> -> memref<632x16xf32, #tpu.memory_space<vmem_shared>>
      tpu.enqueue_dma source(%arg4 : memref<632x16xf32, #tpu.memory_space<hbm>>) target(%dma_start3A_910 : memref<632x16xf32, #tpu.memory_space<vmem_shared>>) target_semaphore(%run_scoped3A : memref<!tpu.dma_semaphore, #tpu.memory_space<semaphore_mem>>)
      %dma_wait3A = arith.constant 0 : i32
      %dma_wait3A_911 = tpu.memref_slice %arg10[%mul3A_6, %dma_wait3A] : memref<10112x16xf32, #tpu.memory_space<vmem_shared>> -> memref<632x16xf32, #tpu.memory_space<vmem_shared>>
      tpu.wait_dma2 semaphore(%run_scoped3A : memref<!tpu.dma_semaphore, #tpu.memory_space<semaphore_mem>>) src(%arg4 : memref<632x16xf32, #tpu.memory_space<hbm>>) dst(%dma_wait3A_911 : memref<632x16xf32, #tpu.memory_space<vmem_shared>>)
      tpu.yield
    }) : () -> ()
    %mul3A_7 = arith.constant 632 : i32
    %mul3A_8 = arith.muli %arg1, %mul3A_7 : i32
    "tpu.region"() ({
      %run_scoped3A = tpu.sem_alloc : memref<!tpu.dma_semaphore, #tpu.memory_space<semaphore_mem>>
      %dma_start3A = arith.constant 0 : i32
      %dma_start3A_910 = tpu.memref_slice %arg11[%mul3A_8, %dma_start3A] : memref<10112x16xf32, #tpu.memory_space<vmem_shared>> -> memref<632x16xf32, #tpu.memory_space<vmem_shared>>
      tpu.enqueue_dma source(%arg4 : memref<632x16xf32, #tpu.memory_space<hbm>>) target(%dma_start3A_910 : memref<632x16xf32, #tpu.memory_space<vmem_shared>>) target_semaphore(%run_scoped3A : memref<!tpu.dma_semaphore, #tpu.memory_space<semaphore_mem>>)
      %dma_wait3A = arith.constant 0 : i32
      %dma_wait3A_911 = tpu.memref_slice %arg11[%mul3A_8, %dma_wait3A] : memref<10112x16xf32, #tpu.memory_space<vmem_shared>> -> memref<632x16xf32, #tpu.memory_space<vmem_shared>>
      tpu.wait_dma2 semaphore(%run_scoped3A : memref<!tpu.dma_semaphore, #tpu.memory_space<semaphore_mem>>) src(%arg4 : memref<632x16xf32, #tpu.memory_space<hbm>>) dst(%dma_wait3A_911 : memref<632x16xf32, #tpu.memory_space<vmem_shared>>)
      tpu.yield
    }) : () -> ()
    %broadcast_in_dim3A = arith.constant 1.000000e+00 : f32
    %broadcast_in_dim3A_9 = vector.broadcast %broadcast_in_dim3A : f32 to vector<16xf32>
    %swap3A = arith.constant 0 : i32
    %swap3A_10 = arith.index_cast %swap3A : i32 to index
    %swap3A_11 = arith.constant 0 : index
    %swap3A_12 = tpu.vector_load %arg9[%swap3A_10, %swap3A_11] {strides = array<i32>} : memref<112x16xf32, #tpu.memory_space<vmem>>, vector<1x16xf32>,
    %swap3A_13 = vector.shape_cast %swap3A_12 : vector<1x16xf32> to vector<16xf32>
    %swap3A_14 = vector.shape_cast %broadcast_in_dim3A_9 : vector<16xf32> to vector<1x16xf32>
    tpu.vector_store %arg9[%swap3A_10, %swap3A_11], %swap3A_14 {strides = array<i32>} : memref<112x16xf32, #tpu.memory_space<vmem>>, vector<1x16xf32>,
    %broadcast_in_dim3A_15 = arith.constant 1.000000e+00 : f32
    %broadcast_in_dim3A_16 = vector.broadcast %broadcast_in_dim3A_15 : f32 to vector<16xf32>
    %swap3A_17 = arith.constant 1 : i32
    %swap3A_18 = arith.index_cast %swap3A_17 : i32 to index
    %swap3A_19 = arith.constant 0 : index
    %swap3A_20 = tpu.vector_load %arg9[%swap3A_18, %swap3A_19] {strides = array<i32>} : memref<112x16xf32, #tpu.memory_space<vmem>>, vector<1x16xf32>,
    %swap3A_21 = vector.shape_cast %swap3A_20 : vector<1x16xf32> to vector<16xf32>
    %swap3A_22 = vector.shape_cast %broadcast_in_dim3A_16 : vector<16xf32> to vector<1x16xf32>
    tpu.vector_store %arg9[%swap3A_18, %swap3A_19], %swap3A_22 {strides = array<i32>} : memref<112x16xf32, #tpu.memory_space<vmem>>, vector<1x16xf32>,
    %broadcast_in_dim3A_23 = arith.constant 1.000000e+00 : f32
    %broadcast_in_dim3A_24 = vector.broadcast %broadcast_in_dim3A_23 : f32 to vector<16xf32>
    %swap3A_25 = arith.constant 2 : i32
    %swap3A_26 = arith.index_cast %swap3A_25 : i32 to index
    %swap3A_27 = arith.constant 0 : index
    %swap3A_28 = tpu.vector_load %arg9[%swap3A_26, %swap3A_27] {strides = array<i32>} : memref<112x16xf32, #tpu.memory_space<vmem>>, vector<1x16xf32>,
    %swap3A_29 = vector.shape_cast %swap3A_28 : vector<1x16xf32> to vector<16xf32>
    %swap3A_30 = vector.shape_cast %broadcast_in_dim3A_24 : vector<16xf32> to vector<1x16xf32>
    tpu.vector_store %arg9[%swap3A_26, %swap3A_27], %swap3A_30 {strides = array<i32>} : memref<112x16xf32, #tpu.memory_space<vmem>>, vector<1x16xf32>,
    %broadcast_in_dim3A_31 = arith.constant 1.000000e+00 : f32
    %broadcast_in_dim3A_32 = vector.broadcast %broadcast_in_dim3A_31 : f32 to vector<16xf32>
    %swap3A_33 = arith.constant 3 : i32
    %swap3A_34 = arith.index_cast %swap3A_33 : i32 to index
    %swap3A_35 = arith.constant 0 : index
    %swap3A_36 = tpu.vector_load %arg9[%swap3A_34, %swap3A_35] {strides = array<i32>} : memref<112x16xf32, #tpu.memory_space<vmem>>, vector<1x16xf32>,
    %swap3A_37 = vector.shape_cast %swap3A_36 : vector<1x16xf32> to vector<16xf32>
    %swap3A_38 = vector.shape_cast %broadcast_in_dim3A_32 : vector<16xf32> to vector<1x16xf32>
    tpu.vector_store %arg9[%swap3A_34, %swap3A_35], %swap3A_38 {strides = array<i32>} : memref<112x16xf32, #tpu.memory_space<vmem>>, vector<1x16xf32>,
    %broadcast_in_dim3A_39 = arith.constant 1.000000e+00 : f32
    %broadcast_in_dim3A_40 = vector.broadcast %broadcast_in_dim3A_39 : f32 to vector<16xf32>
    %swap3A_41 = arith.constant 4 : i32
    %swap3A_42 = arith.index_cast %swap3A_41 : i32 to index
    %swap3A_43 = arith.constant 0 : index
    %swap3A_44 = tpu.vector_load %arg9[%swap3A_42, %swap3A_43] {strides = array<i32>} : memref<112x16xf32, #tpu.memory_space<vmem>>, vector<1x16xf32>,
    %swap3A_45 = vector.shape_cast %swap3A_44 : vector<1x16xf32> to vector<16xf32>
    %swap3A_46 = vector.shape_cast %broadcast_in_dim3A_40 : vector<16xf32> to vector<1x16xf32>
    tpu.vector_store %arg9[%swap3A_42, %swap3A_43], %swap3A_46 {strides = array<i32>} : memref<112x16xf32, #tpu.memory_space<vmem>>, vector<1x16xf32>,
    %broadcast_in_dim3A_47 = arith.constant 1.000000e+00 : f32
    %broadcast_in_dim3A_48 = vector.broadcast %broadcast_in_dim3A_47 : f32 to vector<16xf32>
    %swap3A_49 = arith.constant 5 : i32
    %swap3A_50 = arith.index_cast %swap3A_49 : i32 to index
    %swap3A_51 = arith.constant 0 : index
    %swap3A_52 = tpu.vector_load %arg9[%swap3A_50, %swap3A_51] {strides = array<i32>} : memref<112x16xf32, #tpu.memory_space<vmem>>, vector<1x16xf32>,
    %swap3A_53 = vector.shape_cast %swap3A_52 : vector<1x16xf32> to vector<16xf32>
    %swap3A_54 = vector.shape_cast %broadcast_in_dim3A_48 : vector<16xf32> to vector<1x16xf32>
    tpu.vector_store %arg9[%swap3A_50, %swap3A_51], %swap3A_54 {strides = array<i32>} : memref<112x16xf32, #tpu.memory_space<vmem>>, vector<1x16xf32>,
    %broadcast_in_dim3A_55 = arith.constant 1.000000e+00 : f32
    %broadcast_in_dim3A_56 = vector.broadcast %broadcast_in_dim3A_55 : f32 to vector<16xf32>
    %swap3A_57 = arith.constant 6 : i32
    %swap3A_58 = arith.index_cast %swap3A_57 : i32 to index
    %swap3A_59 = arith.constant 0 : index
    %swap3A_60 = tpu.vector_load %arg9[%swap3A_58, %swap3A_59] {strides = array<i32>} : memref<112x16xf32, #tpu.memory_space<vmem>>, vector<1x16xf32>,
    %swap3A_61 = vector.shape_cast %swap3A_60 : vector<1x16xf32> to vector<16xf32>
    %swap3A_62 = vector.shape_cast %broadcast_in_dim3A_56 : vector<16xf32> to vector<1x16xf32>
    tpu.vector_store %arg9[%swap3A_58, %swap3A_59], %swap3A_62 {strides = array<i32>} : memref<112x16xf32, #tpu.memory_space<vmem>>, vector<1x16xf32>,
    %broadcast_in_dim3A_63 = arith.constant 1.000000e+00 : f32
    %broadcast_in_dim3A_64 = vector.broadcast %broadcast_in_dim3A_63 : f32 to vector<16xf32>
    %swap3A_65 = arith.constant 7 : i32
    %swap3A_66 = arith.index_cast %swap3A_65 : i32 to index
    %swap3A_67 = arith.constant 0 : index
    %swap3A_68 = tpu.vector_load %arg9[%swap3A_66, %swap3A_67] {strides = array<i32>} : memref<112x16xf32, #tpu.memory_space<vmem>>, vector<1x16xf32>,
    %swap3A_69 = vector.shape_cast %swap3A_68 : vector<1x16xf32> to vector<16xf32>
    %swap3A_70 = vector.shape_cast %broadcast_in_dim3A_64 : vector<16xf32> to vector<1x16xf32>
    tpu.vector_store %arg9[%swap3A_66, %swap3A_67], %swap3A_70 {strides = array<i32>} : memref<112x16xf32, #tpu.memory_space<vmem>>, vector<1x16xf32>,
    %broadcast_in_dim3A_71 = arith.constant 1.000000e+00 : f32
    %broadcast_in_dim3A_72 = vector.broadcast %broadcast_in_dim3A_71 : f32 to vector<16xf32>
    %swap3A_73 = arith.constant 8 : i32
    %swap3A_74 = arith.index_cast %swap3A_73 : i32 to index
    %swap3A_75 = arith.constant 0 : index
    %swap3A_76 = tpu.vector_load %arg9[%swap3A_74, %swap3A_75] {strides = array<i32>} : memref<112x16xf32, #tpu.memory_space<vmem>>, vector<1x16xf32>,
    %swap3A_77 = vector.shape_cast %swap3A_76 : vector<1x16xf32> to vector<16xf32>
    %swap3A_78 = vector.shape_cast %broadcast_in_dim3A_72 : vector<16xf32> to vector<1x16xf32>
    tpu.vector_store %arg9[%swap3A_74, %swap3A_75], %swap3A_78 {strides = array<i32>} : memref<112x16xf32, #tpu.memory_space<vmem>>, vector<1x16xf32>,
    %broadcast_in_dim3A_79 = arith.constant 1.000000e+00 : f32
    %broadcast_in_dim3A_80 = vector.broadcast %broadcast_in_dim3A_79 : f32 to vector<16xf32>
    %swap3A_81 = arith.constant 9 : i32
    %swap3A_82 = arith.index_cast %swap3A_81 : i32 to index
    %swap3A_83 = arith.constant 0 : index
    %swap3A_84 = tpu.vector_load %arg9[%swap3A_82, %swap3A_83] {strides = array<i32>} : memref<112x16xf32, #tpu.memory_space<vmem>>, vector<1x16xf32>,
    %swap3A_85 = vector.shape_cast %swap3A_84 : vector<1x16xf32> to vector<16xf32>
    %swap3A_86 = vector.shape_cast %broadcast_in_dim3A_80 : vector<16xf32> to vector<1x16xf32>
    tpu.vector_store %arg9[%swap3A_82, %swap3A_83], %swap3A_86 {strides = array<i32>} : memref<112x16xf32, #tpu.memory_space<vmem>>, vector<1x16xf32>,
    %broadcast_in_dim3A_87 = arith.constant 1.000000e+00 : f32
    %broadcast_in_dim3A_88 = vector.broadcast %broadcast_in_dim3A_87 : f32 to vector<16xf32>
    %swap3A_89 = arith.constant 10 : i32
    %swap3A_90 = arith.index_cast %swap3A_89 : i32 to index
    %swap3A_91 = arith.constant 0 : index
    %swap3A_92 = tpu.vector_load %arg9[%swap3A_90, %swap3A_91] {strides = array<i32>} : memref<112x16xf32, #tpu.memory_space<vmem>>, vector<1x16xf32>,
    %swap3A_93 = vector.shape_cast %swap3A_92 : vector<1x16xf32> to vector<16xf32>
    %swap3A_94 = vector.shape_cast %broadcast_in_dim3A_88 : vector<16xf32> to vector<1x16xf32>
    tpu.vector_store %arg9[%swap3A_90, %swap3A_91], %swap3A_94 {strides = array<i32>} : memref<112x16xf32, #tpu.memory_space<vmem>>, vector<1x16xf32>,
    %broadcast_in_dim3A_95 = arith.constant 1.000000e+00 : f32
    %broadcast_in_dim3A_96 = vector.broadcast %broadcast_in_dim3A_95 : f32 to vector<16xf32>
    %swap3A_97 = arith.constant 11 : i32
    %swap3A_98 = arith.index_cast %swap3A_97 : i32 to index
    %swap3A_99 = arith.constant 0 : index
    %swap3A_100 = tpu.vector_load %arg9[%swap3A_98, %swap3A_99] {strides = array<i32>} : memref<112x16xf32, #tpu.memory_space<vmem>>, vector<1x16xf32>,
    %swap3A_101 = vector.shape_cast %swap3A_100 : vector<1x16xf32> to vector<16xf32>
    %swap3A_102 = vector.shape_cast %broadcast_in_dim3A_96 : vector<16xf32> to vector<1x16xf32>
    tpu.vector_store %arg9[%swap3A_98, %swap3A_99], %swap3A_102 {strides = array<i32>} : memref<112x16xf32, #tpu.memory_space<vmem>>, vector<1x16xf32>,
    %broadcast_in_dim3A_103 = arith.constant 1.000000e+00 : f32
    %broadcast_in_dim3A_104 = vector.broadcast %broadcast_in_dim3A_103 : f32 to vector<16xf32>
    %swap3A_105 = arith.constant 12 : i32
    %swap3A_106 = arith.index_cast %swap3A_105 : i32 to index
    %swap3A_107 = arith.constant 0 : index
    %swap3A_108 = tpu.vector_load %arg9[%swap3A_106, %swap3A_107] {strides = array<i32>} : memref<112x16xf32, #tpu.memory_space<vmem>>, vector<1x16xf32>,
    %swap3A_109 = vector.shape_cast %swap3A_108 : vector<1x16xf32> to vector<16xf32>
    %swap3A_110 = vector.shape_cast %broadcast_in_dim3A_104 : vector<16xf32> to vector<1x16xf32>
    tpu.vector_store %arg9[%swap3A_106, %swap3A_107], %swap3A_110 {strides = array<i32>} : memref<112x16xf32, #tpu.memory_space<vmem>>, vector<1x16xf32>,
    %broadcast_in_dim3A_111 = arith.constant 1.000000e+00 : f32
    %broadcast_in_dim3A_112 = vector.broadcast %broadcast_in_dim3A_111 : f32 to vector<16xf32>
    %swap3A_113 = arith.constant 13 : i32
    %swap3A_114 = arith.index_cast %swap3A_113 : i32 to index
    %swap3A_115 = arith.constant 0 : index
    %swap3A_116 = tpu.vector_load %arg9[%swap3A_114, %swap3A_115] {strides = array<i32>} : memref<112x16xf32, #tpu.memory_space<vmem>>, vector<1x16xf32>,
    %swap3A_117 = vector.shape_cast %swap3A_116 : vector<1x16xf32> to vector<16xf32>
    %swap3A_118 = vector.shape_cast %broadcast_in_dim3A_112 : vector<16xf32> to vector<1x16xf32>
    tpu.vector_store %arg9[%swap3A_114, %swap3A_115], %swap3A_118 {strides = array<i32>} : memref<112x16xf32, #tpu.memory_space<vmem>>, vector<1x16xf32>,
    %broadcast_in_dim3A_119 = arith.constant 1.000000e+00 : f32
    %broadcast_in_dim3A_120 = vector.broadcast %broadcast_in_dim3A_119 : f32 to vector<16xf32>
    %swap3A_121 = arith.constant 14 : i32
    %swap3A_122 = arith.index_cast %swap3A_121 : i32 to index
    %swap3A_123 = arith.constant 0 : index
    %swap3A_124 = tpu.vector_load %arg9[%swap3A_122, %swap3A_123] {strides = array<i32>} : memref<112x16xf32, #tpu.memory_space<vmem>>, vector<1x16xf32>,
    %swap3A_125 = vector.shape_cast %swap3A_124 : vector<1x16xf32> to vector<16xf32>
    %swap3A_126 = vector.shape_cast %broadcast_in_dim3A_120 : vector<16xf32> to vector<1x16xf32>
    tpu.vector_store %arg9[%swap3A_122, %swap3A_123], %swap3A_126 {strides = array<i32>} : memref<112x16xf32, #tpu.memory_space<vmem>>, vector<1x16xf32>,
    %broadcast_in_dim3A_127 = arith.constant 1.000000e+00 : f32
    %broadcast_in_dim3A_128 = vector.broadcast %broadcast_in_dim3A_127 : f32 to vector<16xf32>
    %swap3A_129 = arith.constant 15 : i32
    %swap3A_130 = arith.index_cast %swap3A_129 : i32 to index
    %swap3A_131 = arith.constant 0 : index
    %swap3A_132 = tpu.vector_load %arg9[%swap3A_130, %swap3A_131] {strides = array<i32>} : memref<112x16xf32, #tpu.memory_space<vmem>>, vector<1x16xf32>,
    %swap3A_133 = vector.shape_cast %swap3A_132 : vector<1x16xf32> to vector<16xf32>
    %swap3A_134 = vector.shape_cast %broadcast_in_dim3A_128 : vector<16xf32> to vector<1x16xf32>
    tpu.vector_store %arg9[%swap3A_130, %swap3A_131], %swap3A_134 {strides = array<i32>} : memref<112x16xf32, #tpu.memory_space<vmem>>, vector<1x16xf32>,
    %broadcast_in_dim3A_135 = arith.constant 1.000000e+00 : f32
    %broadcast_in_dim3A_136 = vector.broadcast %broadcast_in_dim3A_135 : f32 to vector<16xf32>
    %swap3A_137 = arith.constant 16 : i32
    %swap3A_138 = arith.index_cast %swap3A_137 : i32 to index
    %swap3A_139 = arith.constant 0 : index
    %swap3A_140 = tpu.vector_load %arg9[%swap3A_138, %swap3A_139] {strides = array<i32>} : memref<112x16xf32, #tpu.memory_space<vmem>>, vector<1x16xf32>,
    %swap3A_141 = vector.shape_cast %swap3A_140 : vector<1x16xf32> to vector<16xf32>
    %swap3A_142 = vector.shape_cast %broadcast_in_dim3A_136 : vector<16xf32> to vector<1x16xf32>
    tpu.vector_store %arg9[%swap3A_138, %swap3A_139], %swap3A_142 {strides = array<i32>} : memref<112x16xf32, #tpu.memory_space<vmem>>, vector<1x16xf32>,
    %broadcast_in_dim3A_143 = arith.constant 1.000000e+00 : f32
    %broadcast_in_dim3A_144 = vector.broadcast %broadcast_in_dim3A_143 : f32 to vector<16xf32>
    %swap3A_145 = arith.constant 17 : i32
    %swap3A_146 = arith.index_cast %swap3A_145 : i32 to index
    %swap3A_147 = arith.constant 0 : index
    %swap3A_148 = tpu.vector_load %arg9[%swap3A_146, %swap3A_147] {strides = array<i32>} : memref<112x16xf32, #tpu.memory_space<vmem>>, vector<1x16xf32>,
    %swap3A_149 = vector.shape_cast %swap3A_148 : vector<1x16xf32> to vector<16xf32>
    %swap3A_150 = vector.shape_cast %broadcast_in_dim3A_144 : vector<16xf32> to vector<1x16xf32>
    tpu.vector_store %arg9[%swap3A_146, %swap3A_147], %swap3A_150 {strides = array<i32>} : memref<112x16xf32, #tpu.memory_space<vmem>>, vector<1x16xf32>,
    %broadcast_in_dim3A_151 = arith.constant 1.000000e+00 : f32
    %broadcast_in_dim3A_152 = vector.broadcast %broadcast_in_dim3A_151 : f32 to vector<16xf32>
    %swap3A_153 = arith.constant 18 : i32
    %swap3A_154 = arith.index_cast %swap3A_153 : i32 to index
    %swap3A_155 = arith.constant 0 : index
    %swap3A_156 = tpu.vector_load %arg9[%swap3A_154, %swap3A_155] {strides = array<i32>} : memref<112x16xf32, #tpu.memory_space<vmem>>, vector<1x16xf32>,
    %swap3A_157 = vector.shape_cast %swap3A_156 : vector<1x16xf32> to vector<16xf32>
    %swap3A_158 = vector.shape_cast %broadcast_in_dim3A_152 : vector<16xf32> to vector<1x16xf32>
    tpu.vector_store %arg9[%swap3A_154, %swap3A_155], %swap3A_158 {strides = array<i32>} : memref<112x16xf32, #tpu.memory_space<vmem>>, vector<1x16xf32>,
    %broadcast_in_dim3A_159 = arith.constant 1.000000e+00 : f32
    %broadcast_in_dim3A_160 = vector.broadcast %broadcast_in_dim3A_159 : f32 to vector<16xf32>
    %swap3A_161 = arith.constant 19 : i32
    %swap3A_162 = arith.index_cast %swap3A_161 : i32 to index
    %swap3A_163 = arith.constant 0 : index
    %swap3A_164 = tpu.vector_load %arg9[%swap3A_162, %swap3A_163] {strides = array<i32>} : memref<112x16xf32, #tpu.memory_space<vmem>>, vector<1x16xf32>,
    %swap3A_165 = vector.shape_cast %swap3A_164 : vector<1x16xf32> to vector<16xf32>
    %swap3A_166 = vector.shape_cast %broadcast_in_dim3A_160 : vector<16xf32> to vector<1x16xf32>
    tpu.vector_store %arg9[%swap3A_162, %swap3A_163], %swap3A_166 {strides = array<i32>} : memref<112x16xf32, #tpu.memory_space<vmem>>, vector<1x16xf32>,
    %broadcast_in_dim3A_167 = arith.constant 1.000000e+00 : f32
    %broadcast_in_dim3A_168 = vector.broadcast %broadcast_in_dim3A_167 : f32 to vector<16xf32>
    %swap3A_169 = arith.constant 20 : i32
    %swap3A_170 = arith.index_cast %swap3A_169 : i32 to index
    %swap3A_171 = arith.constant 0 : index
    %swap3A_172 = tpu.vector_load %arg9[%swap3A_170, %swap3A_171] {strides = array<i32>} : memref<112x16xf32, #tpu.memory_space<vmem>>, vector<1x16xf32>,
    %swap3A_173 = vector.shape_cast %swap3A_172 : vector<1x16xf32> to vector<16xf32>
    %swap3A_174 = vector.shape_cast %broadcast_in_dim3A_168 : vector<16xf32> to vector<1x16xf32>
    tpu.vector_store %arg9[%swap3A_170, %swap3A_171], %swap3A_174 {strides = array<i32>} : memref<112x16xf32, #tpu.memory_space<vmem>>, vector<1x16xf32>,
    %broadcast_in_dim3A_175 = arith.constant 1.000000e+00 : f32
    %broadcast_in_dim3A_176 = vector.broadcast %broadcast_in_dim3A_175 : f32 to vector<16xf32>
    %swap3A_177 = arith.constant 21 : i32
    %swap3A_178 = arith.index_cast %swap3A_177 : i32 to index
    %swap3A_179 = arith.constant 0 : index
    %swap3A_180 = tpu.vector_load %arg9[%swap3A_178, %swap3A_179] {strides = array<i32>} : memref<112x16xf32, #tpu.memory_space<vmem>>, vector<1x16xf32>,
    %swap3A_181 = vector.shape_cast %swap3A_180 : vector<1x16xf32> to vector<16xf32>
    %swap3A_182 = vector.shape_cast %broadcast_in_dim3A_176 : vector<16xf32> to vector<1x16xf32>
    tpu.vector_store %arg9[%swap3A_178, %swap3A_179], %swap3A_182 {strides = array<i32>} : memref<112x16xf32, #tpu.memory_space<vmem>>, vector<1x16xf32>,
    %broadcast_in_dim3A_183 = arith.constant 1.000000e+00 : f32
    %broadcast_in_dim3A_184 = vector.broadcast %broadcast_in_dim3A_183 : f32 to vector<16xf32>
    %swap3A_185 = arith.constant 22 : i32
    %swap3A_186 = arith.index_cast %swap3A_185 : i32 to index
    %swap3A_187 = arith.constant 0 : index
    %swap3A_188 = tpu.vector_load %arg9[%swap3A_186, %swap3A_187] {strides = array<i32>} : memref<112x16xf32, #tpu.memory_space<vmem>>, vector<1x16xf32>,
    %swap3A_189 = vector.shape_cast %swap3A_188 : vector<1x16xf32> to vector<16xf32>
    %swap3A_190 = vector.shape_cast %broadcast_in_dim3A_184 : vector<16xf32> to vector<1x16xf32>
    tpu.vector_store %arg9[%swap3A_186, %swap3A_187], %swap3A_190 {strides = array<i32>} : memref<112x16xf32, #tpu.memory_space<vmem>>, vector<1x16xf32>,
    %broadcast_in_dim3A_191 = arith.constant 1.000000e+00 : f32
    %broadcast_in_dim3A_192 = vector.broadcast %broadcast_in_dim3A_191 : f32 to vector<16xf32>
    %swap3A_193 = arith.constant 23 : i32
    %swap3A_194 = arith.index_cast %swap3A_193 : i32 to index
    %swap3A_195 = arith.constant 0 : index
    %swap3A_196 = tpu.vector_load %arg9[%swap3A_194, %swap3A_195] {strides = array<i32>} : memref<112x16xf32, #tpu.memory_space<vmem>>, vector<1x16xf32>,
    %swap3A_197 = vector.shape_cast %swap3A_196 : vector<1x16xf32> to vector<16xf32>
    %swap3A_198 = vector.shape_cast %broadcast_in_dim3A_192 : vector<16xf32> to vector<1x16xf32>
    tpu.vector_store %arg9[%swap3A_194, %swap3A_195], %swap3A_198 {strides = array<i32>} : memref<112x16xf32, #tpu.memory_space<vmem>>, vector<1x16xf32>,
    %broadcast_in_dim3A_199 = arith.constant 1.000000e+00 : f32
    %broadcast_in_dim3A_200 = vector.broadcast %broadcast_in_dim3A_199 : f32 to vector<16xf32>
    %swap3A_201 = arith.constant 24 : i32
    %swap3A_202 = arith.index_cast %swap3A_201 : i32 to index
    %swap3A_203 = arith.constant 0 : index
    %swap3A_204 = tpu.vector_load %arg9[%swap3A_202, %swap3A_203] {strides = array<i32>} : memref<112x16xf32, #tpu.memory_space<vmem>>, vector<1x16xf32>,
    %swap3A_205 = vector.shape_cast %swap3A_204 : vector<1x16xf32> to vector<16xf32>
    %swap3A_206 = vector.shape_cast %broadcast_in_dim3A_200 : vector<16xf32> to vector<1x16xf32>
    tpu.vector_store %arg9[%swap3A_202, %swap3A_203], %swap3A_206 {strides = array<i32>} : memref<112x16xf32, #tpu.memory_space<vmem>>, vector<1x16xf32>,
    %broadcast_in_dim3A_207 = arith.constant 1.000000e+00 : f32
    %broadcast_in_dim3A_208 = vector.broadcast %broadcast_in_dim3A_207 : f32 to vector<16xf32>
    %swap3A_209 = arith.constant 25 : i32
    %swap3A_210 = arith.index_cast %swap3A_209 : i32 to index
    %swap3A_211 = arith.constant 0 : index
    %swap3A_212 = tpu.vector_load %arg9[%swap3A_210, %swap3A_211] {strides = array<i32>} : memref<112x16xf32, #tpu.memory_space<vmem>>, vector<1x16xf32>,
    %swap3A_213 = vector.shape_cast %swap3A_212 : vector<1x16xf32> to vector<16xf32>
    %swap3A_214 = vector.shape_cast %broadcast_in_dim3A_208 : vector<16xf32> to vector<1x16xf32>
    tpu.vector_store %arg9[%swap3A_210, %swap3A_211], %swap3A_214 {strides = array<i32>} : memref<112x16xf32, #tpu.memory_space<vmem>>, vector<1x16xf32>,
    %broadcast_in_dim3A_215 = arith.constant 1.000000e+00 : f32
    %broadcast_in_dim3A_216 = vector.broadcast %broadcast_in_dim3A_215 : f32 to vector<16xf32>
    %swap3A_217 = arith.constant 26 : i32
    %swap3A_218 = arith.index_cast %swap3A_217 : i32 to index
    %swap3A_219 = arith.constant 0 : index
    %swap3A_220 = tpu.vector_load %arg9[%swap3A_218, %swap3A_219] {strides = array<i32>} : memref<112x16xf32, #tpu.memory_space<vmem>>, vector<1x16xf32>,
    %swap3A_221 = vector.shape_cast %swap3A_220 : vector<1x16xf32> to vector<16xf32>
    %swap3A_222 = vector.shape_cast %broadcast_in_dim3A_216 : vector<16xf32> to vector<1x16xf32>
    tpu.vector_store %arg9[%swap3A_218, %swap3A_219], %swap3A_222 {strides = array<i32>} : memref<112x16xf32, #tpu.memory_space<vmem>>, vector<1x16xf32>,
    %broadcast_in_dim3A_223 = arith.constant 1.000000e+00 : f32
    %broadcast_in_dim3A_224 = vector.broadcast %broadcast_in_dim3A_223 : f32 to vector<16xf32>
    %swap3A_225 = arith.constant 27 : i32
    %swap3A_226 = arith.index_cast %swap3A_225 : i32 to index
    %swap3A_227 = arith.constant 0 : index
    %swap3A_228 = tpu.vector_load %arg9[%swap3A_226, %swap3A_227] {strides = array<i32>} : memref<112x16xf32, #tpu.memory_space<vmem>>, vector<1x16xf32>,
    %swap3A_229 = vector.shape_cast %swap3A_228 : vector<1x16xf32> to vector<16xf32>
    %swap3A_230 = vector.shape_cast %broadcast_in_dim3A_224 : vector<16xf32> to vector<1x16xf32>
    tpu.vector_store %arg9[%swap3A_226, %swap3A_227], %swap3A_230 {strides = array<i32>} : memref<112x16xf32, #tpu.memory_space<vmem>>, vector<1x16xf32>,
    %broadcast_in_dim3A_231 = arith.constant 1.000000e+00 : f32
    %broadcast_in_dim3A_232 = vector.broadcast %broadcast_in_dim3A_231 : f32 to vector<16xf32>
    %swap3A_233 = arith.constant 28 : i32
    %swap3A_234 = arith.index_cast %swap3A_233 : i32 to index
    %swap3A_235 = arith.constant 0 : index
    %swap3A_236 = tpu.vector_load %arg9[%swap3A_234, %swap3A_235] {strides = array<i32>} : memref<112x16xf32, #tpu.memory_space<vmem>>, vector<1x16xf32>,
    %swap3A_237 = vector.shape_cast %swap3A_236 : vector<1x16xf32> to vector<16xf32>
    %swap3A_238 = vector.shape_cast %broadcast_in_dim3A_232 : vector<16xf32> to vector<1x16xf32>
    tpu.vector_store %arg9[%swap3A_234, %swap3A_235], %swap3A_238 {strides = array<i32>} : memref<112x16xf32, #tpu.memory_space<vmem>>, vector<1x16xf32>,
    %broadcast_in_dim3A_239 = arith.constant 1.000000e+00 : f32
    %broadcast_in_dim3A_240 = vector.broadcast %broadcast_in_dim3A_239 : f32 to vector<16xf32>
    %swap3A_241 = arith.constant 29 : i32
    %swap3A_242 = arith.index_cast %swap3A_241 : i32 to index
    %swap3A_243 = arith.constant 0 : index
    %swap3A_244 = tpu.vector_load %arg9[%swap3A_242, %swap3A_243] {strides = array<i32>} : memref<112x16xf32, #tpu.memory_space<vmem>>, vector<1x16xf32>,
    %swap3A_245 = vector.shape_cast %swap3A_244 : vector<1x16xf32> to vector<16xf32>
    %swap3A_246 = vector.shape_cast %broadcast_in_dim3A_240 : vector<16xf32> to vector<1x16xf32>
    tpu.vector_store %arg9[%swap3A_242, %swap3A_243], %swap3A_246 {strides = array<i32>} : memref<112x16xf32, #tpu.memory_space<vmem>>, vector<1x16xf32>,
    %broadcast_in_dim3A_247 = arith.constant 1.000000e+00 : f32
    %broadcast_in_dim3A_248 = vector.broadcast %broadcast_in_dim3A_247 : f32 to vector<16xf32>
    %swap3A_249 = arith.constant 30 : i32
    %swap3A_250 = arith.index_cast %swap3A_249 : i32 to index
    %swap3A_251 = arith.constant 0 : index
    %swap3A_252 = tpu.vector_load %arg9[%swap3A_250, %swap3A_251] {strides = array<i32>} : memref<112x16xf32, #tpu.memory_space<vmem>>, vector<1x16xf32>,
    %swap3A_253 = vector.shape_cast %swap3A_252 : vector<1x16xf32> to vector<16xf32>
    %swap3A_254 = vector.shape_cast %broadcast_in_dim3A_248 : vector<16xf32> to vector<1x16xf32>
    tpu.vector_store %arg9[%swap3A_250, %swap3A_251], %swap3A_254 {strides = array<i32>} : memref<112x16xf32, #tpu.memory_space<vmem>>, vector<1x16xf32>,
    %broadcast_in_dim3A_255 = arith.constant 1.000000e+00 : f32
    %broadcast_in_dim3A_256 = vector.broadcast %broadcast_in_dim3A_255 : f32 to vector<16xf32>
    %swap3A_257 = arith.constant 31 : i32
    %swap3A_258 = arith.index_cast %swap3A_257 : i32 to index
    %swap3A_259 = arith.constant 0 : index
    %swap3A_260 = tpu.vector_load %arg9[%swap3A_258, %swap3A_259] {strides = array<i32>} : memref<112x16xf32, #tpu.memory_space<vmem>>, vector<1x16xf32>,
    %swap3A_261 = vector.shape_cast %swap3A_260 : vector<1x16xf32> to vector<16xf32>
    %swap3A_262 = vector.shape_cast %broadcast_in_dim3A_256 : vector<16xf32> to vector<1x16xf32>
    tpu.vector_store %arg9[%swap3A_258, %swap3A_259], %swap3A_262 {strides = array<i32>} : memref<112x16xf32, #tpu.memory_space<vmem>>, vector<1x16xf32>,
    %broadcast_in_dim3A_263 = arith.constant 1.000000e+00 : f32
    %broadcast_in_dim3A_264 = vector.broadcast %broadcast_in_dim3A_263 : f32 to vector<16xf32>
    %swap3A_265 = arith.constant 32 : i32
    %swap3A_266 = arith.index_cast %swap3A_265 : i32 to index
    %swap3A_267 = arith.constant 0 : index
    %swap3A_268 = tpu.vector_load %arg9[%swap3A_266, %swap3A_267] {strides = array<i32>} : memref<112x16xf32, #tpu.memory_space<vmem>>, vector<1x16xf32>,
    %swap3A_269 = vector.shape_cast %swap3A_268 : vector<1x16xf32> to vector<16xf32>
    %swap3A_270 = vector.shape_cast %broadcast_in_dim3A_264 : vector<16xf32> to vector<1x16xf32>
    tpu.vector_store %arg9[%swap3A_266, %swap3A_267], %swap3A_270 {strides = array<i32>} : memref<112x16xf32, #tpu.memory_space<vmem>>, vector<1x16xf32>,
    %broadcast_in_dim3A_271 = arith.constant 1.000000e+00 : f32
    %broadcast_in_dim3A_272 = vector.broadcast %broadcast_in_dim3A_271 : f32 to vector<16xf32>
    %swap3A_273 = arith.constant 33 : i32
    %swap3A_274 = arith.index_cast %swap3A_273 : i32 to index
    %swap3A_275 = arith.constant 0 : index
    %swap3A_276 = tpu.vector_load %arg9[%swap3A_274, %swap3A_275] {strides = array<i32>} : memref<112x16xf32, #tpu.memory_space<vmem>>, vector<1x16xf32>,
    %swap3A_277 = vector.shape_cast %swap3A_276 : vector<1x16xf32> to vector<16xf32>
    %swap3A_278 = vector.shape_cast %broadcast_in_dim3A_272 : vector<16xf32> to vector<1x16xf32>
    tpu.vector_store %arg9[%swap3A_274, %swap3A_275], %swap3A_278 {strides = array<i32>} : memref<112x16xf32, #tpu.memory_space<vmem>>, vector<1x16xf32>,
    %broadcast_in_dim3A_279 = arith.constant 1.000000e+00 : f32
    %broadcast_in_dim3A_280 = vector.broadcast %broadcast_in_dim3A_279 : f32 to vector<16xf32>
    %swap3A_281 = arith.constant 34 : i32
    %swap3A_282 = arith.index_cast %swap3A_281 : i32 to index
    %swap3A_283 = arith.constant 0 : index
    %swap3A_284 = tpu.vector_load %arg9[%swap3A_282, %swap3A_283] {strides = array<i32>} : memref<112x16xf32, #tpu.memory_space<vmem>>, vector<1x16xf32>,
    %swap3A_285 = vector.shape_cast %swap3A_284 : vector<1x16xf32> to vector<16xf32>
    %swap3A_286 = vector.shape_cast %broadcast_in_dim3A_280 : vector<16xf32> to vector<1x16xf32>
    tpu.vector_store %arg9[%swap3A_282, %swap3A_283], %swap3A_286 {strides = array<i32>} : memref<112x16xf32, #tpu.memory_space<vmem>>, vector<1x16xf32>,
    %broadcast_in_dim3A_287 = arith.constant 1.000000e+00 : f32
    %broadcast_in_dim3A_288 = vector.broadcast %broadcast_in_dim3A_287 : f32 to vector<16xf32>
    %swap3A_289 = arith.constant 35 : i32
    %swap3A_290 = arith.index_cast %swap3A_289 : i32 to index
    %swap3A_291 = arith.constant 0 : index
    %swap3A_292 = tpu.vector_load %arg9[%swap3A_290, %swap3A_291] {strides = array<i32>} : memref<112x16xf32, #tpu.memory_space<vmem>>, vector<1x16xf32>,
    %swap3A_293 = vector.shape_cast %swap3A_292 : vector<1x16xf32> to vector<16xf32>
    %swap3A_294 = vector.shape_cast %broadcast_in_dim3A_288 : vector<16xf32> to vector<1x16xf32>
    tpu.vector_store %arg9[%swap3A_290, %swap3A_291], %swap3A_294 {strides = array<i32>} : memref<112x16xf32, #tpu.memory_space<vmem>>, vector<1x16xf32>,
    %broadcast_in_dim3A_295 = arith.constant 1.000000e+00 : f32
    %broadcast_in_dim3A_296 = vector.broadcast %broadcast_in_dim3A_295 : f32 to vector<16xf32>
    %swap3A_297 = arith.constant 36 : i32
    %swap3A_298 = arith.index_cast %swap3A_297 : i32 to index
    %swap3A_299 = arith.constant 0 : index
    %swap3A_300 = tpu.vector_load %arg9[%swap3A_298, %swap3A_299] {strides = array<i32>} : memref<112x16xf32, #tpu.memory_space<vmem>>, vector<1x16xf32>,
    %swap3A_301 = vector.shape_cast %swap3A_300 : vector<1x16xf32> to vector<16xf32>
    %swap3A_302 = vector.shape_cast %broadcast_in_dim3A_296 : vector<16xf32> to vector<1x16xf32>
    tpu.vector_store %arg9[%swap3A_298, %swap3A_299], %swap3A_302 {strides = array<i32>} : memref<112x16xf32, #tpu.memory_space<vmem>>, vector<1x16xf32>,
    %broadcast_in_dim3A_303 = arith.constant 1.000000e+00 : f32
    %broadcast_in_dim3A_304 = vector.broadcast %broadcast_in_dim3A_303 : f32 to vector<16xf32>
    %swap3A_305 = arith.constant 37 : i32
    %swap3A_306 = arith.index_cast %swap3A_305 : i32 to index
    %swap3A_307 = arith.constant 0 : index
    %swap3A_308 = tpu.vector_load %arg9[%swap3A_306, %swap3A_307] {strides = array<i32>} : memref<112x16xf32, #tpu.memory_space<vmem>>, vector<1x16xf32>,
    %swap3A_309 = vector.shape_cast %swap3A_308 : vector<1x16xf32> to vector<16xf32>
    %swap3A_310 = vector.shape_cast %broadcast_in_dim3A_304 : vector<16xf32> to vector<1x16xf32>
    tpu.vector_store %arg9[%swap3A_306, %swap3A_307], %swap3A_310 {strides = array<i32>} : memref<112x16xf32, #tpu.memory_space<vmem>>, vector<1x16xf32>,
    %broadcast_in_dim3A_311 = arith.constant 1.000000e+00 : f32
    %broadcast_in_dim3A_312 = vector.broadcast %broadcast_in_dim3A_311 : f32 to vector<16xf32>
    %swap3A_313 = arith.constant 38 : i32
    %swap3A_314 = arith.index_cast %swap3A_313 : i32 to index
    %swap3A_315 = arith.constant 0 : index
    %swap3A_316 = tpu.vector_load %arg9[%swap3A_314, %swap3A_315] {strides = array<i32>} : memref<112x16xf32, #tpu.memory_space<vmem>>, vector<1x16xf32>,
    %swap3A_317 = vector.shape_cast %swap3A_316 : vector<1x16xf32> to vector<16xf32>
    %swap3A_318 = vector.shape_cast %broadcast_in_dim3A_312 : vector<16xf32> to vector<1x16xf32>
    tpu.vector_store %arg9[%swap3A_314, %swap3A_315], %swap3A_318 {strides = array<i32>} : memref<112x16xf32, #tpu.memory_space<vmem>>, vector<1x16xf32>,
    %broadcast_in_dim3A_319 = arith.constant 1.000000e+00 : f32
    %broadcast_in_dim3A_320 = vector.broadcast %broadcast_in_dim3A_319 : f32 to vector<16xf32>
    %swap3A_321 = arith.constant 39 : i32
    %swap3A_322 = arith.index_cast %swap3A_321 : i32 to index
    %swap3A_323 = arith.constant 0 : index
    %swap3A_324 = tpu.vector_load %arg9[%swap3A_322, %swap3A_323] {strides = array<i32>} : memref<112x16xf32, #tpu.memory_space<vmem>>, vector<1x16xf32>,
    %swap3A_325 = vector.shape_cast %swap3A_324 : vector<1x16xf32> to vector<16xf32>
    %swap3A_326 = vector.shape_cast %broadcast_in_dim3A_320 : vector<16xf32> to vector<1x16xf32>
    tpu.vector_store %arg9[%swap3A_322, %swap3A_323], %swap3A_326 {strides = array<i32>} : memref<112x16xf32, #tpu.memory_space<vmem>>, vector<1x16xf32>,
    %broadcast_in_dim3A_327 = arith.constant 1.000000e+00 : f32
    %broadcast_in_dim3A_328 = vector.broadcast %broadcast_in_dim3A_327 : f32 to vector<16xf32>
    %swap3A_329 = arith.constant 40 : i32
    %swap3A_330 = arith.index_cast %swap3A_329 : i32 to index
    %swap3A_331 = arith.constant 0 : index
    %swap3A_332 = tpu.vector_load %arg9[%swap3A_330, %swap3A_331] {strides = array<i32>} : memref<112x16xf32, #tpu.memory_space<vmem>>, vector<1x16xf32>,
    %swap3A_333 = vector.shape_cast %swap3A_332 : vector<1x16xf32> to vector<16xf32>
    %swap3A_334 = vector.shape_cast %broadcast_in_dim3A_328 : vector<16xf32> to vector<1x16xf32>
    tpu.vector_store %arg9[%swap3A_330, %swap3A_331], %swap3A_334 {strides = array<i32>} : memref<112x16xf32, #tpu.memory_space<vmem>>, vector<1x16xf32>,
    %broadcast_in_dim3A_335 = arith.constant 1.000000e+00 : f32
    %broadcast_in_dim3A_336 = vector.broadcast %broadcast_in_dim3A_335 : f32 to vector<16xf32>
    %swap3A_337 = arith.constant 41 : i32
    %swap3A_338 = arith.index_cast %swap3A_337 : i32 to index
    %swap3A_339 = arith.constant 0 : index
    %swap3A_340 = tpu.vector_load %arg9[%swap3A_338, %swap3A_339] {strides = array<i32>} : memref<112x16xf32, #tpu.memory_space<vmem>>, vector<1x16xf32>,
    %swap3A_341 = vector.shape_cast %swap3A_340 : vector<1x16xf32> to vector<16xf32>
    %swap3A_342 = vector.shape_cast %broadcast_in_dim3A_336 : vector<16xf32> to vector<1x16xf32>
    tpu.vector_store %arg9[%swap3A_338, %swap3A_339], %swap3A_342 {strides = array<i32>} : memref<112x16xf32, #tpu.memory_space<vmem>>, vector<1x16xf32>,
    %broadcast_in_dim3A_343 = arith.constant 1.000000e+00 : f32
    %broadcast_in_dim3A_344 = vector.broadcast %broadcast_in_dim3A_343 : f32 to vector<16xf32>
    %swap3A_345 = arith.constant 42 : i32
    %swap3A_346 = arith.index_cast %swap3A_345 : i32 to index
    %swap3A_347 = arith.constant 0 : index
    %swap3A_348 = tpu.vector_load %arg9[%swap3A_346, %swap3A_347] {strides = array<i32>} : memref<112x16xf32, #tpu.memory_space<vmem>>, vector<1x16xf32>,
    %swap3A_349 = vector.shape_cast %swap3A_348 : vector<1x16xf32> to vector<16xf32>
    %swap3A_350 = vector.shape_cast %broadcast_in_dim3A_344 : vector<16xf32> to vector<1x16xf32>
    tpu.vector_store %arg9[%swap3A_346, %swap3A_347], %swap3A_350 {strides = array<i32>} : memref<112x16xf32, #tpu.memory_space<vmem>>, vector<1x16xf32>,
    %broadcast_in_dim3A_351 = arith.constant 1.000000e+00 : f32
    %broadcast_in_dim3A_352 = vector.broadcast %broadcast_in_dim3A_351 : f32 to vector<16xf32>
    %swap3A_353 = arith.constant 43 : i32
    %swap3A_354 = arith.index_cast %swap3A_353 : i32 to index
    %swap3A_355 = arith.constant 0 : index
    %swap3A_356 = tpu.vector_load %arg9[%swap3A_354, %swap3A_355] {strides = array<i32>} : memref<112x16xf32, #tpu.memory_space<vmem>>, vector<1x16xf32>,
    %swap3A_357 = vector.shape_cast %swap3A_356 : vector<1x16xf32> to vector<16xf32>
    %swap3A_358 = vector.shape_cast %broadcast_in_dim3A_352 : vector<16xf32> to vector<1x16xf32>
    tpu.vector_store %arg9[%swap3A_354, %swap3A_355], %swap3A_358 {strides = array<i32>} : memref<112x16xf32, #tpu.memory_space<vmem>>, vector<1x16xf32>,
    %broadcast_in_dim3A_359 = arith.constant 1.000000e+00 : f32
    %broadcast_in_dim3A_360 = vector.broadcast %broadcast_in_dim3A_359 : f32 to vector<16xf32>
    %swap3A_361 = arith.constant 44 : i32
    %swap3A_362 = arith.index_cast %swap3A_361 : i32 to index
    %swap3A_363 = arith.constant 0 : index
    %swap3A_364 = tpu.vector_load %arg9[%swap3A_362, %swap3A_363] {strides = array<i32>} : memref<112x16xf32, #tpu.memory_space<vmem>>, vector<1x16xf32>,
    %swap3A_365 = vector.shape_cast %swap3A_364 : vector<1x16xf32> to vector<16xf32>
    %swap3A_366 = vector.shape_cast %broadcast_in_dim3A_360 : vector<16xf32> to vector<1x16xf32>
    tpu.vector_store %arg9[%swap3A_362, %swap3A_363], %swap3A_366 {strides = array<i32>} : memref<112x16xf32, #tpu.memory_space<vmem>>, vector<1x16xf32>,
    %broadcast_in_dim3A_367 = arith.constant 1.000000e+00 : f32
    %broadcast_in_dim3A_368 = vector.broadcast %broadcast_in_dim3A_367 : f32 to vector<16xf32>
    %swap3A_369 = arith.constant 45 : i32
    %swap3A_370 = arith.index_cast %swap3A_369 : i32 to index
    %swap3A_371 = arith.constant 0 : index
    %swap3A_372 = tpu.vector_load %arg9[%swap3A_370, %swap3A_371] {strides = array<i32>} : memref<112x16xf32, #tpu.memory_space<vmem>>, vector<1x16xf32>,
    %swap3A_373 = vector.shape_cast %swap3A_372 : vector<1x16xf32> to vector<16xf32>
    %swap3A_374 = vector.shape_cast %broadcast_in_dim3A_368 : vector<16xf32> to vector<1x16xf32>
    tpu.vector_store %arg9[%swap3A_370, %swap3A_371], %swap3A_374 {strides = array<i32>} : memref<112x16xf32, #tpu.memory_space<vmem>>, vector<1x16xf32>,
    %broadcast_in_dim3A_375 = arith.constant 1.000000e+00 : f32
    %broadcast_in_dim3A_376 = vector.broadcast %broadcast_in_dim3A_375 : f32 to vector<16xf32>
    %swap3A_377 = arith.constant 46 : i32
    %swap3A_378 = arith.index_cast %swap3A_377 : i32 to index
    %swap3A_379 = arith.constant 0 : index
    %swap3A_380 = tpu.vector_load %arg9[%swap3A_378, %swap3A_379] {strides = array<i32>} : memref<112x16xf32, #tpu.memory_space<vmem>>, vector<1x16xf32>,
    %swap3A_381 = vector.shape_cast %swap3A_380 : vector<1x16xf32> to vector<16xf32>
    %swap3A_382 = vector.shape_cast %broadcast_in_dim3A_376 : vector<16xf32> to vector<1x16xf32>
    tpu.vector_store %arg9[%swap3A_378, %swap3A_379], %swap3A_382 {strides = array<i32>} : memref<112x16xf32, #tpu.memory_space<vmem>>, vector<1x16xf32>,
    %broadcast_in_dim3A_383 = arith.constant 1.000000e+00 : f32
    %broadcast_in_dim3A_384 = vector.broadcast %broadcast_in_dim3A_383 : f32 to vector<16xf32>
    %swap3A_385 = arith.constant 47 : i32
    %swap3A_386 = arith.index_cast %swap3A_385 : i32 to index
    %swap3A_387 = arith.constant 0 : index
    %swap3A_388 = tpu.vector_load %arg9[%swap3A_386, %swap3A_387] {strides = array<i32>} : memref<112x16xf32, #tpu.memory_space<vmem>>, vector<1x16xf32>,
    %swap3A_389 = vector.shape_cast %swap3A_388 : vector<1x16xf32> to vector<16xf32>
    %swap3A_390 = vector.shape_cast %broadcast_in_dim3A_384 : vector<16xf32> to vector<1x16xf32>
    tpu.vector_store %arg9[%swap3A_386, %swap3A_387], %swap3A_390 {strides = array<i32>} : memref<112x16xf32, #tpu.memory_space<vmem>>, vector<1x16xf32>,
    %broadcast_in_dim3A_391 = arith.constant 1.000000e+00 : f32
    %broadcast_in_dim3A_392 = vector.broadcast %broadcast_in_dim3A_391 : f32 to vector<16xf32>
    %swap3A_393 = arith.constant 48 : i32
    %swap3A_394 = arith.index_cast %swap3A_393 : i32 to index
    %swap3A_395 = arith.constant 0 : index
    %swap3A_396 = tpu.vector_load %arg9[%swap3A_394, %swap3A_395] {strides = array<i32>} : memref<112x16xf32, #tpu.memory_space<vmem>>, vector<1x16xf32>,
    %swap3A_397 = vector.shape_cast %swap3A_396 : vector<1x16xf32> to vector<16xf32>
    %swap3A_398 = vector.shape_cast %broadcast_in_dim3A_392 : vector<16xf32> to vector<1x16xf32>
    tpu.vector_store %arg9[%swap3A_394, %swap3A_395], %swap3A_398 {strides = array<i32>} : memref<112x16xf32, #tpu.memory_space<vmem>>, vector<1x16xf32>,
    %broadcast_in_dim3A_399 = arith.constant 1.000000e+00 : f32
    %broadcast_in_dim3A_400 = vector.broadcast %broadcast_in_dim3A_399 : f32 to vector<16xf32>
    %swap3A_401 = arith.constant 49 : i32
    %swap3A_402 = arith.index_cast %swap3A_401 : i32 to index
    %swap3A_403 = arith.constant 0 : index
    %swap3A_404 = tpu.vector_load %arg9[%swap3A_402, %swap3A_403] {strides = array<i32>} : memref<112x16xf32, #tpu.memory_space<vmem>>, vector<1x16xf32>,
    %swap3A_405 = vector.shape_cast %swap3A_404 : vector<1x16xf32> to vector<16xf32>
    %swap3A_406 = vector.shape_cast %broadcast_in_dim3A_400 : vector<16xf32> to vector<1x16xf32>
    tpu.vector_store %arg9[%swap3A_402, %swap3A_403], %swap3A_406 {strides = array<i32>} : memref<112x16xf32, #tpu.memory_space<vmem>>, vector<1x16xf32>,
    %broadcast_in_dim3A_407 = arith.constant 1.000000e+00 : f32
    %broadcast_in_dim3A_408 = vector.broadcast %broadcast_in_dim3A_407 : f32 to vector<16xf32>
    %swap3A_409 = arith.constant 50 : i32
    %swap3A_410 = arith.index_cast %swap3A_409 : i32 to index
    %swap3A_411 = arith.constant 0 : index
    %swap3A_412 = tpu.vector_load %arg9[%swap3A_410, %swap3A_411] {strides = array<i32>} : memref<112x16xf32, #tpu.memory_space<vmem>>, vector<1x16xf32>,
    %swap3A_413 = vector.shape_cast %swap3A_412 : vector<1x16xf32> to vector<16xf32>
    %swap3A_414 = vector.shape_cast %broadcast_in_dim3A_408 : vector<16xf32> to vector<1x16xf32>
    tpu.vector_store %arg9[%swap3A_410, %swap3A_411], %swap3A_414 {strides = array<i32>} : memref<112x16xf32, #tpu.memory_space<vmem>>, vector<1x16xf32>,
    %broadcast_in_dim3A_415 = arith.constant 1.000000e+00 : f32
    %broadcast_in_dim3A_416 = vector.broadcast %broadcast_in_dim3A_415 : f32 to vector<16xf32>
    %swap3A_417 = arith.constant 51 : i32
    %swap3A_418 = arith.index_cast %swap3A_417 : i32 to index
    %swap3A_419 = arith.constant 0 : index
    %swap3A_420 = tpu.vector_load %arg9[%swap3A_418, %swap3A_419] {strides = array<i32>} : memref<112x16xf32, #tpu.memory_space<vmem>>, vector<1x16xf32>,
    %swap3A_421 = vector.shape_cast %swap3A_420 : vector<1x16xf32> to vector<16xf32>
    %swap3A_422 = vector.shape_cast %broadcast_in_dim3A_416 : vector<16xf32> to vector<1x16xf32>
    tpu.vector_store %arg9[%swap3A_418, %swap3A_419], %swap3A_422 {strides = array<i32>} : memref<112x16xf32, #tpu.memory_space<vmem>>, vector<1x16xf32>,
    %broadcast_in_dim3A_423 = arith.constant 1.000000e+00 : f32
    %broadcast_in_dim3A_424 = vector.broadcast %broadcast_in_dim3A_423 : f32 to vector<16xf32>
    %swap3A_425 = arith.constant 52 : i32
    %swap3A_426 = arith.index_cast %swap3A_425 : i32 to index
    %swap3A_427 = arith.constant 0 : index
    %swap3A_428 = tpu.vector_load %arg9[%swap3A_426, %swap3A_427] {strides = array<i32>} : memref<112x16xf32, #tpu.memory_space<vmem>>, vector<1x16xf32>,
    %swap3A_429 = vector.shape_cast %swap3A_428 : vector<1x16xf32> to vector<16xf32>
    %swap3A_430 = vector.shape_cast %broadcast_in_dim3A_424 : vector<16xf32> to vector<1x16xf32>
    tpu.vector_store %arg9[%swap3A_426, %swap3A_427], %swap3A_430 {strides = array<i32>} : memref<112x16xf32, #tpu.memory_space<vmem>>, vector<1x16xf32>,
    %broadcast_in_dim3A_431 = arith.constant 1.000000e+00 : f32
    %broadcast_in_dim3A_432 = vector.broadcast %broadcast_in_dim3A_431 : f32 to vector<16xf32>
    %swap3A_433 = arith.constant 53 : i32
    %swap3A_434 = arith.index_cast %swap3A_433 : i32 to index
    %swap3A_435 = arith.constant 0 : index
    %swap3A_436 = tpu.vector_load %arg9[%swap3A_434, %swap3A_435] {strides = array<i32>} : memref<112x16xf32, #tpu.memory_space<vmem>>, vector<1x16xf32>,
    %swap3A_437 = vector.shape_cast %swap3A_436 : vector<1x16xf32> to vector<16xf32>
    %swap3A_438 = vector.shape_cast %broadcast_in_dim3A_432 : vector<16xf32> to vector<1x16xf32>
    tpu.vector_store %arg9[%swap3A_434, %swap3A_435], %swap3A_438 {strides = array<i32>} : memref<112x16xf32, #tpu.memory_space<vmem>>, vector<1x16xf32>,
    %broadcast_in_dim3A_439 = arith.constant 1.000000e+00 : f32
    %broadcast_in_dim3A_440 = vector.broadcast %broadcast_in_dim3A_439 : f32 to vector<16xf32>
    %swap3A_441 = arith.constant 54 : i32
    %swap3A_442 = arith.index_cast %swap3A_441 : i32 to index
    %swap3A_443 = arith.constant 0 : index
    %swap3A_444 = tpu.vector_load %arg9[%swap3A_442, %swap3A_443] {strides = array<i32>} : memref<112x16xf32, #tpu.memory_space<vmem>>, vector<1x16xf32>,
    %swap3A_445 = vector.shape_cast %swap3A_444 : vector<1x16xf32> to vector<16xf32>
    %swap3A_446 = vector.shape_cast %broadcast_in_dim3A_440 : vector<16xf32> to vector<1x16xf32>
    tpu.vector_store %arg9[%swap3A_442, %swap3A_443], %swap3A_446 {strides = array<i32>} : memref<112x16xf32, #tpu.memory_space<vmem>>, vector<1x16xf32>,
    %broadcast_in_dim3A_447 = arith.constant 1.000000e+00 : f32
    %broadcast_in_dim3A_448 = vector.broadcast %broadcast_in_dim3A_447 : f32 to vector<16xf32>
    %swap3A_449 = arith.constant 55 : i32
    %swap3A_450 = arith.index_cast %swap3A_449 : i32 to index
    %swap3A_451 = arith.constant 0 : index
    %swap3A_452 = tpu.vector_load %arg9[%swap3A_450, %swap3A_451] {strides = array<i32>} : memref<112x16xf32, #tpu.memory_space<vmem>>, vector<1x16xf32>,
    %swap3A_453 = vector.shape_cast %swap3A_452 : vector<1x16xf32> to vector<16xf32>
    %swap3A_454 = vector.shape_cast %broadcast_in_dim3A_448 : vector<16xf32> to vector<1x16xf32>
    tpu.vector_store %arg9[%swap3A_450, %swap3A_451], %swap3A_454 {strides = array<i32>} : memref<112x16xf32, #tpu.memory_space<vmem>>, vector<1x16xf32>,
    %broadcast_in_dim3A_455 = arith.constant 1.000000e+00 : f32
    %broadcast_in_dim3A_456 = vector.broadcast %broadcast_in_dim3A_455 : f32 to vector<16xf32>
    %swap3A_457 = arith.constant 56 : i32
    %swap3A_458 = arith.index_cast %swap3A_457 : i32 to index
    %swap3A_459 = arith.constant 0 : index
    %swap3A_460 = tpu.vector_load %arg9[%swap3A_458, %swap3A_459] {strides = array<i32>} : memref<112x16xf32, #tpu.memory_space<vmem>>, vector<1x16xf32>,
    %swap3A_461 = vector.shape_cast %swap3A_460 : vector<1x16xf32> to vector<16xf32>
    %swap3A_462 = vector.shape_cast %broadcast_in_dim3A_456 : vector<16xf32> to vector<1x16xf32>
    tpu.vector_store %arg9[%swap3A_458, %swap3A_459], %swap3A_462 {strides = array<i32>} : memref<112x16xf32, #tpu.memory_space<vmem>>, vector<1x16xf32>,
    %broadcast_in_dim3A_463 = arith.constant 1.000000e+00 : f32
    %broadcast_in_dim3A_464 = vector.broadcast %broadcast_in_dim3A_463 : f32 to vector<16xf32>
    %swap3A_465 = arith.constant 57 : i32
    %swap3A_466 = arith.index_cast %swap3A_465 : i32 to index
    %swap3A_467 = arith.constant 0 : index
    %swap3A_468 = tpu.vector_load %arg9[%swap3A_466, %swap3A_467] {strides = array<i32>} : memref<112x16xf32, #tpu.memory_space<vmem>>, vector<1x16xf32>,
    %swap3A_469 = vector.shape_cast %swap3A_468 : vector<1x16xf32> to vector<16xf32>
    %swap3A_470 = vector.shape_cast %broadcast_in_dim3A_464 : vector<16xf32> to vector<1x16xf32>
    tpu.vector_store %arg9[%swap3A_466, %swap3A_467], %swap3A_470 {strides = array<i32>} : memref<112x16xf32, #tpu.memory_space<vmem>>, vector<1x16xf32>,
    %broadcast_in_dim3A_471 = arith.constant 1.000000e+00 : f32
    %broadcast_in_dim3A_472 = vector.broadcast %broadcast_in_dim3A_471 : f32 to vector<16xf32>
    %swap3A_473 = arith.constant 58 : i32
    %swap3A_474 = arith.index_cast %swap3A_473 : i32 to index
    %swap3A_475 = arith.constant 0 : index
    %swap3A_476 = tpu.vector_load %arg9[%swap3A_474, %swap3A_475] {strides = array<i32>} : memref<112x16xf32, #tpu.memory_space<vmem>>, vector<1x16xf32>,
    %swap3A_477 = vector.shape_cast %swap3A_476 : vector<1x16xf32> to vector<16xf32>
    %swap3A_478 = vector.shape_cast %broadcast_in_dim3A_472 : vector<16xf32> to vector<1x16xf32>
    tpu.vector_store %arg9[%swap3A_474, %swap3A_475], %swap3A_478 {strides = array<i32>} : memref<112x16xf32, #tpu.memory_space<vmem>>, vector<1x16xf32>,
    %broadcast_in_dim3A_479 = arith.constant 1.000000e+00 : f32
    %broadcast_in_dim3A_480 = vector.broadcast %broadcast_in_dim3A_479 : f32 to vector<16xf32>
    %swap3A_481 = arith.constant 59 : i32
    %swap3A_482 = arith.index_cast %swap3A_481 : i32 to index
    %swap3A_483 = arith.constant 0 : index
    %swap3A_484 = tpu.vector_load %arg9[%swap3A_482, %swap3A_483] {strides = array<i32>} : memref<112x16xf32, #tpu.memory_space<vmem>>, vector<1x16xf32>,
    %swap3A_485 = vector.shape_cast %swap3A_484 : vector<1x16xf32> to vector<16xf32>
    %swap3A_486 = vector.shape_cast %broadcast_in_dim3A_480 : vector<16xf32> to vector<1x16xf32>
    tpu.vector_store %arg9[%swap3A_482, %swap3A_483], %swap3A_486 {strides = array<i32>} : memref<112x16xf32, #tpu.memory_space<vmem>>, vector<1x16xf32>,
    %broadcast_in_dim3A_487 = arith.constant 1.000000e+00 : f32
    %broadcast_in_dim3A_488 = vector.broadcast %broadcast_in_dim3A_487 : f32 to vector<16xf32>
    %swap3A_489 = arith.constant 60 : i32
    %swap3A_490 = arith.index_cast %swap3A_489 : i32 to index
    %swap3A_491 = arith.constant 0 : index
    %swap3A_492 = tpu.vector_load %arg9[%swap3A_490, %swap3A_491] {strides = array<i32>} : memref<112x16xf32, #tpu.memory_space<vmem>>, vector<1x16xf32>,
    %swap3A_493 = vector.shape_cast %swap3A_492 : vector<1x16xf32> to vector<16xf32>
    %swap3A_494 = vector.shape_cast %broadcast_in_dim3A_488 : vector<16xf32> to vector<1x16xf32>
    tpu.vector_store %arg9[%swap3A_490, %swap3A_491], %swap3A_494 {strides = array<i32>} : memref<112x16xf32, #tpu.memory_space<vmem>>, vector<1x16xf32>,
    %broadcast_in_dim3A_495 = arith.constant 1.000000e+00 : f32
    %broadcast_in_dim3A_496 = vector.broadcast %broadcast_in_dim3A_495 : f32 to vector<16xf32>
    %swap3A_497 = arith.constant 61 : i32
    %swap3A_498 = arith.index_cast %swap3A_497 : i32 to index
    %swap3A_499 = arith.constant 0 : index
    %swap3A_500 = tpu.vector_load %arg9[%swap3A_498, %swap3A_499] {strides = array<i32>} : memref<112x16xf32, #tpu.memory_space<vmem>>, vector<1x16xf32>,
    %swap3A_501 = vector.shape_cast %swap3A_500 : vector<1x16xf32> to vector<16xf32>
    %swap3A_502 = vector.shape_cast %broadcast_in_dim3A_496 : vector<16xf32> to vector<1x16xf32>
    tpu.vector_store %arg9[%swap3A_498, %swap3A_499], %swap3A_502 {strides = array<i32>} : memref<112x16xf32, #tpu.memory_space<vmem>>, vector<1x16xf32>,
    %broadcast_in_dim3A_503 = arith.constant 1.000000e+00 : f32
    %broadcast_in_dim3A_504 = vector.broadcast %broadcast_in_dim3A_503 : f32 to vector<16xf32>
    %swap3A_505 = arith.constant 62 : i32
    %swap3A_506 = arith.index_cast %swap3A_505 : i32 to index
    %swap3A_507 = arith.constant 0 : index
    %swap3A_508 = tpu.vector_load %arg9[%swap3A_506, %swap3A_507] {strides = array<i32>} : memref<112x16xf32, #tpu.memory_space<vmem>>, vector<1x16xf32>,
    %swap3A_509 = vector.shape_cast %swap3A_508 : vector<1x16xf32> to vector<16xf32>
    %swap3A_510 = vector.shape_cast %broadcast_in_dim3A_504 : vector<16xf32> to vector<1x16xf32>
    tpu.vector_store %arg9[%swap3A_506, %swap3A_507], %swap3A_510 {strides = array<i32>} : memref<112x16xf32, #tpu.memory_space<vmem>>, vector<1x16xf32>,
    %broadcast_in_dim3A_511 = arith.constant 1.000000e+00 : f32
    %broadcast_in_dim3A_512 = vector.broadcast %broadcast_in_dim3A_511 : f32 to vector<16xf32>
    %swap3A_513 = arith.constant 63 : i32
    %swap3A_514 = arith.index_cast %swap3A_513 : i32 to index
    %swap3A_515 = arith.constant 0 : index
    %swap3A_516 = tpu.vector_load %arg9[%swap3A_514, %swap3A_515] {strides = array<i32>} : memref<112x16xf32, #tpu.memory_space<vmem>>, vector<1x16xf32>,
    %swap3A_517 = vector.shape_cast %swap3A_516 : vector<1x16xf32> to vector<16xf32>
    %swap3A_518 = vector.shape_cast %broadcast_in_dim3A_512 : vector<16xf32> to vector<1x16xf32>
    tpu.vector_store %arg9[%swap3A_514, %swap3A_515], %swap3A_518 {strides = array<i32>} : memref<112x16xf32, #tpu.memory_space<vmem>>, vector<1x16xf32>,
    %broadcast_in_dim3A_519 = arith.constant 1.000000e+00 : f32
    %broadcast_in_dim3A_520 = vector.broadcast %broadcast_in_dim3A_519 : f32 to vector<16xf32>
    %swap3A_521 = arith.constant 64 : i32
    %swap3A_522 = arith.index_cast %swap3A_521 : i32 to index
    %swap3A_523 = arith.constant 0 : index
    %swap3A_524 = tpu.vector_load %arg9[%swap3A_522, %swap3A_523] {strides = array<i32>} : memref<112x16xf32, #tpu.memory_space<vmem>>, vector<1x16xf32>,
    %swap3A_525 = vector.shape_cast %swap3A_524 : vector<1x16xf32> to vector<16xf32>
    %swap3A_526 = vector.shape_cast %broadcast_in_dim3A_520 : vector<16xf32> to vector<1x16xf32>
    tpu.vector_store %arg9[%swap3A_522, %swap3A_523], %swap3A_526 {strides = array<i32>} : memref<112x16xf32, #tpu.memory_space<vmem>>, vector<1x16xf32>,
    %broadcast_in_dim3A_527 = arith.constant 1.000000e+00 : f32
    %broadcast_in_dim3A_528 = vector.broadcast %broadcast_in_dim3A_527 : f32 to vector<16xf32>
    %swap3A_529 = arith.constant 65 : i32
    %swap3A_530 = arith.index_cast %swap3A_529 : i32 to index
    %swap3A_531 = arith.constant 0 : index
    %swap3A_532 = tpu.vector_load %arg9[%swap3A_530, %swap3A_531] {strides = array<i32>} : memref<112x16xf32, #tpu.memory_space<vmem>>, vector<1x16xf32>,
    %swap3A_533 = vector.shape_cast %swap3A_532 : vector<1x16xf32> to vector<16xf32>
    %swap3A_534 = vector.shape_cast %broadcast_in_dim3A_528 : vector<16xf32> to vector<1x16xf32>
    tpu.vector_store %arg9[%swap3A_530, %swap3A_531], %swap3A_534 {strides = array<i32>} : memref<112x16xf32, #tpu.memory_space<vmem>>, vector<1x16xf32>,
    %broadcast_in_dim3A_535 = arith.constant 1.000000e+00 : f32
    %broadcast_in_dim3A_536 = vector.broadcast %broadcast_in_dim3A_535 : f32 to vector<16xf32>
    %swap3A_537 = arith.constant 66 : i32
    %swap3A_538 = arith.index_cast %swap3A_537 : i32 to index
    %swap3A_539 = arith.constant 0 : index
    %swap3A_540 = tpu.vector_load %arg9[%swap3A_538, %swap3A_539] {strides = array<i32>} : memref<112x16xf32, #tpu.memory_space<vmem>>, vector<1x16xf32>,
    %swap3A_541 = vector.shape_cast %swap3A_540 : vector<1x16xf32> to vector<16xf32>
    %swap3A_542 = vector.shape_cast %broadcast_in_dim3A_536 : vector<16xf32> to vector<1x16xf32>
    tpu.vector_store %arg9[%swap3A_538, %swap3A_539], %swap3A_542 {strides = array<i32>} : memref<112x16xf32, #tpu.memory_space<vmem>>, vector<1x16xf32>,
    %broadcast_in_dim3A_543 = arith.constant 1.000000e+00 : f32
    %broadcast_in_dim3A_544 = vector.broadcast %broadcast_in_dim3A_543 : f32 to vector<16xf32>
    %swap3A_545 = arith.constant 67 : i32
    %swap3A_546 = arith.index_cast %swap3A_545 : i32 to index
    %swap3A_547 = arith.constant 0 : index
    %swap3A_548 = tpu.vector_load %arg9[%swap3A_546, %swap3A_547] {strides = array<i32>} : memref<112x16xf32, #tpu.memory_space<vmem>>, vector<1x16xf32>,
    %swap3A_549 = vector.shape_cast %swap3A_548 : vector<1x16xf32> to vector<16xf32>
    %swap3A_550 = vector.shape_cast %broadcast_in_dim3A_544 : vector<16xf32> to vector<1x16xf32>
    tpu.vector_store %arg9[%swap3A_546, %swap3A_547], %swap3A_550 {strides = array<i32>} : memref<112x16xf32, #tpu.memory_space<vmem>>, vector<1x16xf32>,
    %broadcast_in_dim3A_551 = arith.constant 1.000000e+00 : f32
    %broadcast_in_dim3A_552 = vector.broadcast %broadcast_in_dim3A_551 : f32 to vector<16xf32>
    %swap3A_553 = arith.constant 68 : i32
    %swap3A_554 = arith.index_cast %swap3A_553 : i32 to index
    %swap3A_555 = arith.constant 0 : index
    %swap3A_556 = tpu.vector_load %arg9[%swap3A_554, %swap3A_555] {strides = array<i32>} : memref<112x16xf32, #tpu.memory_space<vmem>>, vector<1x16xf32>,
    %swap3A_557 = vector.shape_cast %swap3A_556 : vector<1x16xf32> to vector<16xf32>
    %swap3A_558 = vector.shape_cast %broadcast_in_dim3A_552 : vector<16xf32> to vector<1x16xf32>
    tpu.vector_store %arg9[%swap3A_554, %swap3A_555], %swap3A_558 {strides = array<i32>} : memref<112x16xf32, #tpu.memory_space<vmem>>, vector<1x16xf32>,
    %broadcast_in_dim3A_559 = arith.constant 1.000000e+00 : f32
    %broadcast_in_dim3A_560 = vector.broadcast %broadcast_in_dim3A_559 : f32 to vector<16xf32>
    %swap3A_561 = arith.constant 69 : i32
    %swap3A_562 = arith.index_cast %swap3A_561 : i32 to index
    %swap3A_563 = arith.constant 0 : index
    %swap3A_564 = tpu.vector_load %arg9[%swap3A_562, %swap3A_563] {strides = array<i32>} : memref<112x16xf32, #tpu.memory_space<vmem>>, vector<1x16xf32>,
    %swap3A_565 = vector.shape_cast %swap3A_564 : vector<1x16xf32> to vector<16xf32>
    %swap3A_566 = vector.shape_cast %broadcast_in_dim3A_560 : vector<16xf32> to vector<1x16xf32>
    tpu.vector_store %arg9[%swap3A_562, %swap3A_563], %swap3A_566 {strides = array<i32>} : memref<112x16xf32, #tpu.memory_space<vmem>>, vector<1x16xf32>,
    %broadcast_in_dim3A_567 = arith.constant 1.000000e+00 : f32
    %broadcast_in_dim3A_568 = vector.broadcast %broadcast_in_dim3A_567 : f32 to vector<16xf32>
    %swap3A_569 = arith.constant 70 : i32
    %swap3A_570 = arith.index_cast %swap3A_569 : i32 to index
    %swap3A_571 = arith.constant 0 : index
    %swap3A_572 = tpu.vector_load %arg9[%swap3A_570, %swap3A_571] {strides = array<i32>} : memref<112x16xf32, #tpu.memory_space<vmem>>, vector<1x16xf32>,
    %swap3A_573 = vector.shape_cast %swap3A_572 : vector<1x16xf32> to vector<16xf32>
    %swap3A_574 = vector.shape_cast %broadcast_in_dim3A_568 : vector<16xf32> to vector<1x16xf32>
    tpu.vector_store %arg9[%swap3A_570, %swap3A_571], %swap3A_574 {strides = array<i32>} : memref<112x16xf32, #tpu.memory_space<vmem>>, vector<1x16xf32>,
    %broadcast_in_dim3A_575 = arith.constant 1.000000e+00 : f32
    %broadcast_in_dim3A_576 = vector.broadcast %broadcast_in_dim3A_575 : f32 to vector<16xf32>
    %swap3A_577 = arith.constant 71 : i32
    %swap3A_578 = arith.index_cast %swap3A_577 : i32 to index
    %swap3A_579 = arith.constant 0 : index
    %swap3A_580 = tpu.vector_load %arg9[%swap3A_578, %swap3A_579] {strides = array<i32>} : memref<112x16xf32, #tpu.memory_space<vmem>>, vector<1x16xf32>,
    %swap3A_581 = vector.shape_cast %swap3A_580 : vector<1x16xf32> to vector<16xf32>
    %swap3A_582 = vector.shape_cast %broadcast_in_dim3A_576 : vector<16xf32> to vector<1x16xf32>
    tpu.vector_store %arg9[%swap3A_578, %swap3A_579], %swap3A_582 {strides = array<i32>} : memref<112x16xf32, #tpu.memory_space<vmem>>, vector<1x16xf32>,
    %broadcast_in_dim3A_583 = arith.constant 1.000000e+00 : f32
    %broadcast_in_dim3A_584 = vector.broadcast %broadcast_in_dim3A_583 : f32 to vector<16xf32>
    %swap3A_585 = arith.constant 72 : i32
    %swap3A_586 = arith.index_cast %swap3A_585 : i32 to index
    %swap3A_587 = arith.constant 0 : index
    %swap3A_588 = tpu.vector_load %arg9[%swap3A_586, %swap3A_587] {strides = array<i32>} : memref<112x16xf32, #tpu.memory_space<vmem>>, vector<1x16xf32>,
    %swap3A_589 = vector.shape_cast %swap3A_588 : vector<1x16xf32> to vector<16xf32>
    %swap3A_590 = vector.shape_cast %broadcast_in_dim3A_584 : vector<16xf32> to vector<1x16xf32>
    tpu.vector_store %arg9[%swap3A_586, %swap3A_587], %swap3A_590 {strides = array<i32>} : memref<112x16xf32, #tpu.memory_space<vmem>>, vector<1x16xf32>,
    %broadcast_in_dim3A_591 = arith.constant 1.000000e+00 : f32
    %broadcast_in_dim3A_592 = vector.broadcast %broadcast_in_dim3A_591 : f32 to vector<16xf32>
    %swap3A_593 = arith.constant 73 : i32
    %swap3A_594 = arith.index_cast %swap3A_593 : i32 to index
    %swap3A_595 = arith.constant 0 : index
    %swap3A_596 = tpu.vector_load %arg9[%swap3A_594, %swap3A_595] {strides = array<i32>} : memref<112x16xf32, #tpu.memory_space<vmem>>, vector<1x16xf32>,
    %swap3A_597 = vector.shape_cast %swap3A_596 : vector<1x16xf32> to vector<16xf32>
    %swap3A_598 = vector.shape_cast %broadcast_in_dim3A_592 : vector<16xf32> to vector<1x16xf32>
    tpu.vector_store %arg9[%swap3A_594, %swap3A_595], %swap3A_598 {strides = array<i32>} : memref<112x16xf32, #tpu.memory_space<vmem>>, vector<1x16xf32>,
    %broadcast_in_dim3A_599 = arith.constant 1.000000e+00 : f32
    %broadcast_in_dim3A_600 = vector.broadcast %broadcast_in_dim3A_599 : f32 to vector<16xf32>
    %swap3A_601 = arith.constant 74 : i32
    %swap3A_602 = arith.index_cast %swap3A_601 : i32 to index
    %swap3A_603 = arith.constant 0 : index
    %swap3A_604 = tpu.vector_load %arg9[%swap3A_602, %swap3A_603] {strides = array<i32>} : memref<112x16xf32, #tpu.memory_space<vmem>>, vector<1x16xf32>,
    %swap3A_605 = vector.shape_cast %swap3A_604 : vector<1x16xf32> to vector<16xf32>
    %swap3A_606 = vector.shape_cast %broadcast_in_dim3A_600 : vector<16xf32> to vector<1x16xf32>
    tpu.vector_store %arg9[%swap3A_602, %swap3A_603], %swap3A_606 {strides = array<i32>} : memref<112x16xf32, #tpu.memory_space<vmem>>, vector<1x16xf32>,
    %broadcast_in_dim3A_607 = arith.constant 1.000000e+00 : f32
    %broadcast_in_dim3A_608 = vector.broadcast %broadcast_in_dim3A_607 : f32 to vector<16xf32>
    %swap3A_609 = arith.constant 75 : i32
    %swap3A_610 = arith.index_cast %swap3A_609 : i32 to index
    %swap3A_611 = arith.constant 0 : index
    %swap3A_612 = tpu.vector_load %arg9[%swap3A_610, %swap3A_611] {strides = array<i32>} : memref<112x16xf32, #tpu.memory_space<vmem>>, vector<1x16xf32>,
    %swap3A_613 = vector.shape_cast %swap3A_612 : vector<1x16xf32> to vector<16xf32>
    %swap3A_614 = vector.shape_cast %broadcast_in_dim3A_608 : vector<16xf32> to vector<1x16xf32>
    tpu.vector_store %arg9[%swap3A_610, %swap3A_611], %swap3A_614 {strides = array<i32>} : memref<112x16xf32, #tpu.memory_space<vmem>>, vector<1x16xf32>,
    %broadcast_in_dim3A_615 = arith.constant 1.000000e+00 : f32
    %broadcast_in_dim3A_616 = vector.broadcast %broadcast_in_dim3A_615 : f32 to vector<16xf32>
    %swap3A_617 = arith.constant 76 : i32
    %swap3A_618 = arith.index_cast %swap3A_617 : i32 to index
    %swap3A_619 = arith.constant 0 : index
    %swap3A_620 = tpu.vector_load %arg9[%swap3A_618, %swap3A_619] {strides = array<i32>} : memref<112x16xf32, #tpu.memory_space<vmem>>, vector<1x16xf32>,
    %swap3A_621 = vector.shape_cast %swap3A_620 : vector<1x16xf32> to vector<16xf32>
    %swap3A_622 = vector.shape_cast %broadcast_in_dim3A_616 : vector<16xf32> to vector<1x16xf32>
    tpu.vector_store %arg9[%swap3A_618, %swap3A_619], %swap3A_622 {strides = array<i32>} : memref<112x16xf32, #tpu.memory_space<vmem>>, vector<1x16xf32>,
    %broadcast_in_dim3A_623 = arith.constant 1.000000e+00 : f32
    %broadcast_in_dim3A_624 = vector.broadcast %broadcast_in_dim3A_623 : f32 to vector<16xf32>
    %swap3A_625 = arith.constant 77 : i32
    %swap3A_626 = arith.index_cast %swap3A_625 : i32 to index
    %swap3A_627 = arith.constant 0 : index
    %swap3A_628 = tpu.vector_load %arg9[%swap3A_626, %swap3A_627] {strides = array<i32>} : memref<112x16xf32, #tpu.memory_space<vmem>>, vector<1x16xf32>,
    %swap3A_629 = vector.shape_cast %swap3A_628 : vector<1x16xf32> to vector<16xf32>
    %swap3A_630 = vector.shape_cast %broadcast_in_dim3A_624 : vector<16xf32> to vector<1x16xf32>
    tpu.vector_store %arg9[%swap3A_626, %swap3A_627], %swap3A_630 {strides = array<i32>} : memref<112x16xf32, #tpu.memory_space<vmem>>, vector<1x16xf32>,
    %broadcast_in_dim3A_631 = arith.constant 1.000000e+00 : f32
    %broadcast_in_dim3A_632 = vector.broadcast %broadcast_in_dim3A_631 : f32 to vector<16xf32>
    %swap3A_633 = arith.constant 78 : i32
    %swap3A_634 = arith.index_cast %swap3A_633 : i32 to index
    %swap3A_635 = arith.constant 0 : index
    %swap3A_636 = tpu.vector_load %arg9[%swap3A_634, %swap3A_635] {strides = array<i32>} : memref<112x16xf32, #tpu.memory_space<vmem>>, vector<1x16xf32>,
    %swap3A_637 = vector.shape_cast %swap3A_636 : vector<1x16xf32> to vector<16xf32>
    %swap3A_638 = vector.shape_cast %broadcast_in_dim3A_632 : vector<16xf32> to vector<1x16xf32>
    tpu.vector_store %arg9[%swap3A_634, %swap3A_635], %swap3A_638 {strides = array<i32>} : memref<112x16xf32, #tpu.memory_space<vmem>>, vector<1x16xf32>,
    %broadcast_in_dim3A_639 = arith.constant 1.000000e+00 : f32
    %broadcast_in_dim3A_640 = vector.broadcast %broadcast_in_dim3A_639 : f32 to vector<16xf32>
    %swap3A_641 = arith.constant 79 : i32
    %swap3A_642 = arith.index_cast %swap3A_641 : i32 to index
    %swap3A_643 = arith.constant 0 : index
    %swap3A_644 = tpu.vector_load %arg9[%swap3A_642, %swap3A_643] {strides = array<i32>} : memref<112x16xf32, #tpu.memory_space<vmem>>, vector<1x16xf32>,
    %swap3A_645 = vector.shape_cast %swap3A_644 : vector<1x16xf32> to vector<16xf32>
    %swap3A_646 = vector.shape_cast %broadcast_in_dim3A_640 : vector<16xf32> to vector<1x16xf32>
    tpu.vector_store %arg9[%swap3A_642, %swap3A_643], %swap3A_646 {strides = array<i32>} : memref<112x16xf32, #tpu.memory_space<vmem>>, vector<1x16xf32>,
    %broadcast_in_dim3A_647 = arith.constant 1.000000e+00 : f32
    %broadcast_in_dim3A_648 = vector.broadcast %broadcast_in_dim3A_647 : f32 to vector<16xf32>
    %swap3A_649 = arith.constant 80 : i32
    %swap3A_650 = arith.index_cast %swap3A_649 : i32 to index
    %swap3A_651 = arith.constant 0 : index
    %swap3A_652 = tpu.vector_load %arg9[%swap3A_650, %swap3A_651] {strides = array<i32>} : memref<112x16xf32, #tpu.memory_space<vmem>>, vector<1x16xf32>,
    %swap3A_653 = vector.shape_cast %swap3A_652 : vector<1x16xf32> to vector<16xf32>
    %swap3A_654 = vector.shape_cast %broadcast_in_dim3A_648 : vector<16xf32> to vector<1x16xf32>
    tpu.vector_store %arg9[%swap3A_650, %swap3A_651], %swap3A_654 {strides = array<i32>} : memref<112x16xf32, #tpu.memory_space<vmem>>, vector<1x16xf32>,
    %broadcast_in_dim3A_655 = arith.constant 1.000000e+00 : f32
    %broadcast_in_dim3A_656 = vector.broadcast %broadcast_in_dim3A_655 : f32 to vector<16xf32>
    %swap3A_657 = arith.constant 81 : i32
    %swap3A_658 = arith.index_cast %swap3A_657 : i32 to index
    %swap3A_659 = arith.constant 0 : index
    %swap3A_660 = tpu.vector_load %arg9[%swap3A_658, %swap3A_659] {strides = array<i32>} : memref<112x16xf32, #tpu.memory_space<vmem>>, vector<1x16xf32>,
    %swap3A_661 = vector.shape_cast %swap3A_660 : vector<1x16xf32> to vector<16xf32>
    %swap3A_662 = vector.shape_cast %broadcast_in_dim3A_656 : vector<16xf32> to vector<1x16xf32>
    tpu.vector_store %arg9[%swap3A_658, %swap3A_659], %swap3A_662 {strides = array<i32>} : memref<112x16xf32, #tpu.memory_space<vmem>>, vector<1x16xf32>,
    %broadcast_in_dim3A_663 = arith.constant 1.000000e+00 : f32
    %broadcast_in_dim3A_664 = vector.broadcast %broadcast_in_dim3A_663 : f32 to vector<16xf32>
    %swap3A_665 = arith.constant 82 : i32
    %swap3A_666 = arith.index_cast %swap3A_665 : i32 to index
    %swap3A_667 = arith.constant 0 : index
    %swap3A_668 = tpu.vector_load %arg9[%swap3A_666, %swap3A_667] {strides = array<i32>} : memref<112x16xf32, #tpu.memory_space<vmem>>, vector<1x16xf32>,
    %swap3A_669 = vector.shape_cast %swap3A_668 : vector<1x16xf32> to vector<16xf32>
    %swap3A_670 = vector.shape_cast %broadcast_in_dim3A_664 : vector<16xf32> to vector<1x16xf32>
    tpu.vector_store %arg9[%swap3A_666, %swap3A_667], %swap3A_670 {strides = array<i32>} : memref<112x16xf32, #tpu.memory_space<vmem>>, vector<1x16xf32>,
    %broadcast_in_dim3A_671 = arith.constant 1.000000e+00 : f32
    %broadcast_in_dim3A_672 = vector.broadcast %broadcast_in_dim3A_671 : f32 to vector<16xf32>
    %swap3A_673 = arith.constant 83 : i32
    %swap3A_674 = arith.index_cast %swap3A_673 : i32 to index
    %swap3A_675 = arith.constant 0 : index
    %swap3A_676 = tpu.vector_load %arg9[%swap3A_674, %swap3A_675] {strides = array<i32>} : memref<112x16xf32, #tpu.memory_space<vmem>>, vector<1x16xf32>,
    %swap3A_677 = vector.shape_cast %swap3A_676 : vector<1x16xf32> to vector<16xf32>
    %swap3A_678 = vector.shape_cast %broadcast_in_dim3A_672 : vector<16xf32> to vector<1x16xf32>
    tpu.vector_store %arg9[%swap3A_674, %swap3A_675], %swap3A_678 {strides = array<i32>} : memref<112x16xf32, #tpu.memory_space<vmem>>, vector<1x16xf32>,
    %broadcast_in_dim3A_679 = arith.constant 1.000000e+00 : f32
    %broadcast_in_dim3A_680 = vector.broadcast %broadcast_in_dim3A_679 : f32 to vector<16xf32>
    %swap3A_681 = arith.constant 84 : i32
    %swap3A_682 = arith.index_cast %swap3A_681 : i32 to index
    %swap3A_683 = arith.constant 0 : index
    %swap3A_684 = tpu.vector_load %arg9[%swap3A_682, %swap3A_683] {strides = array<i32>} : memref<112x16xf32, #tpu.memory_space<vmem>>, vector<1x16xf32>,
    %swap3A_685 = vector.shape_cast %swap3A_684 : vector<1x16xf32> to vector<16xf32>
    %swap3A_686 = vector.shape_cast %broadcast_in_dim3A_680 : vector<16xf32> to vector<1x16xf32>
    tpu.vector_store %arg9[%swap3A_682, %swap3A_683], %swap3A_686 {strides = array<i32>} : memref<112x16xf32, #tpu.memory_space<vmem>>, vector<1x16xf32>,
    %broadcast_in_dim3A_687 = arith.constant 1.000000e+00 : f32
    %broadcast_in_dim3A_688 = vector.broadcast %broadcast_in_dim3A_687 : f32 to vector<16xf32>
    %swap3A_689 = arith.constant 85 : i32
    %swap3A_690 = arith.index_cast %swap3A_689 : i32 to index
    %swap3A_691 = arith.constant 0 : index
    %swap3A_692 = tpu.vector_load %arg9[%swap3A_690, %swap3A_691] {strides = array<i32>} : memref<112x16xf32, #tpu.memory_space<vmem>>, vector<1x16xf32>,
    %swap3A_693 = vector.shape_cast %swap3A_692 : vector<1x16xf32> to vector<16xf32>
    %swap3A_694 = vector.shape_cast %broadcast_in_dim3A_688 : vector<16xf32> to vector<1x16xf32>
    tpu.vector_store %arg9[%swap3A_690, %swap3A_691], %swap3A_694 {strides = array<i32>} : memref<112x16xf32, #tpu.memory_space<vmem>>, vector<1x16xf32>,
    %broadcast_in_dim3A_695 = arith.constant 1.000000e+00 : f32
    %broadcast_in_dim3A_696 = vector.broadcast %broadcast_in_dim3A_695 : f32 to vector<16xf32>
    %swap3A_697 = arith.constant 86 : i32
    %swap3A_698 = arith.index_cast %swap3A_697 : i32 to index
    %swap3A_699 = arith.constant 0 : index
    %swap3A_700 = tpu.vector_load %arg9[%swap3A_698, %swap3A_699] {strides = array<i32>} : memref<112x16xf32, #tpu.memory_space<vmem>>, vector<1x16xf32>,
    %swap3A_701 = vector.shape_cast %swap3A_700 : vector<1x16xf32> to vector<16xf32>
    %swap3A_702 = vector.shape_cast %broadcast_in_dim3A_696 : vector<16xf32> to vector<1x16xf32>
    tpu.vector_store %arg9[%swap3A_698, %swap3A_699], %swap3A_702 {strides = array<i32>} : memref<112x16xf32, #tpu.memory_space<vmem>>, vector<1x16xf32>,
    %broadcast_in_dim3A_703 = arith.constant 1.000000e+00 : f32
    %broadcast_in_dim3A_704 = vector.broadcast %broadcast_in_dim3A_703 : f32 to vector<16xf32>
    %swap3A_705 = arith.constant 87 : i32
    %swap3A_706 = arith.index_cast %swap3A_705 : i32 to index
    %swap3A_707 = arith.constant 0 : index
    %swap3A_708 = tpu.vector_load %arg9[%swap3A_706, %swap3A_707] {strides = array<i32>} : memref<112x16xf32, #tpu.memory_space<vmem>>, vector<1x16xf32>,
    %swap3A_709 = vector.shape_cast %swap3A_708 : vector<1x16xf32> to vector<16xf32>
    %swap3A_710 = vector.shape_cast %broadcast_in_dim3A_704 : vector<16xf32> to vector<1x16xf32>
    tpu.vector_store %arg9[%swap3A_706, %swap3A_707], %swap3A_710 {strides = array<i32>} : memref<112x16xf32, #tpu.memory_space<vmem>>, vector<1x16xf32>,
    %broadcast_in_dim3A_711 = arith.constant 1.000000e+00 : f32
    %broadcast_in_dim3A_712 = vector.broadcast %broadcast_in_dim3A_711 : f32 to vector<16xf32>
    %swap3A_713 = arith.constant 88 : i32
    %swap3A_714 = arith.index_cast %swap3A_713 : i32 to index
    %swap3A_715 = arith.constant 0 : index
    %swap3A_716 = tpu.vector_load %arg9[%swap3A_714, %swap3A_715] {strides = array<i32>} : memref<112x16xf32, #tpu.memory_space<vmem>>, vector<1x16xf32>,
    %swap3A_717 = vector.shape_cast %swap3A_716 : vector<1x16xf32> to vector<16xf32>
    %swap3A_718 = vector.shape_cast %broadcast_in_dim3A_712 : vector<16xf32> to vector<1x16xf32>
    tpu.vector_store %arg9[%swap3A_714, %swap3A_715], %swap3A_718 {strides = array<i32>} : memref<112x16xf32, #tpu.memory_space<vmem>>, vector<1x16xf32>,
    %broadcast_in_dim3A_719 = arith.constant 1.000000e+00 : f32
    %broadcast_in_dim3A_720 = vector.broadcast %broadcast_in_dim3A_719 : f32 to vector<16xf32>
    %swap3A_721 = arith.constant 89 : i32
    %swap3A_722 = arith.index_cast %swap3A_721 : i32 to index
    %swap3A_723 = arith.constant 0 : index
    %swap3A_724 = tpu.vector_load %arg9[%swap3A_722, %swap3A_723] {strides = array<i32>} : memref<112x16xf32, #tpu.memory_space<vmem>>, vector<1x16xf32>,
    %swap3A_725 = vector.shape_cast %swap3A_724 : vector<1x16xf32> to vector<16xf32>
    %swap3A_726 = vector.shape_cast %broadcast_in_dim3A_720 : vector<16xf32> to vector<1x16xf32>
    tpu.vector_store %arg9[%swap3A_722, %swap3A_723], %swap3A_726 {strides = array<i32>} : memref<112x16xf32, #tpu.memory_space<vmem>>, vector<1x16xf32>,
    %broadcast_in_dim3A_727 = arith.constant 1.000000e+00 : f32
    %broadcast_in_dim3A_728 = vector.broadcast %broadcast_in_dim3A_727 : f32 to vector<16xf32>
    %swap3A_729 = arith.constant 90 : i32
    %swap3A_730 = arith.index_cast %swap3A_729 : i32 to index
    %swap3A_731 = arith.constant 0 : index
    %swap3A_732 = tpu.vector_load %arg9[%swap3A_730, %swap3A_731] {strides = array<i32>} : memref<112x16xf32, #tpu.memory_space<vmem>>, vector<1x16xf32>,
    %swap3A_733 = vector.shape_cast %swap3A_732 : vector<1x16xf32> to vector<16xf32>
    %swap3A_734 = vector.shape_cast %broadcast_in_dim3A_728 : vector<16xf32> to vector<1x16xf32>
    tpu.vector_store %arg9[%swap3A_730, %swap3A_731], %swap3A_734 {strides = array<i32>} : memref<112x16xf32, #tpu.memory_space<vmem>>, vector<1x16xf32>,
    %broadcast_in_dim3A_735 = arith.constant 1.000000e+00 : f32
    %broadcast_in_dim3A_736 = vector.broadcast %broadcast_in_dim3A_735 : f32 to vector<16xf32>
    %swap3A_737 = arith.constant 91 : i32
    %swap3A_738 = arith.index_cast %swap3A_737 : i32 to index
    %swap3A_739 = arith.constant 0 : index
    %swap3A_740 = tpu.vector_load %arg9[%swap3A_738, %swap3A_739] {strides = array<i32>} : memref<112x16xf32, #tpu.memory_space<vmem>>, vector<1x16xf32>,
    %swap3A_741 = vector.shape_cast %swap3A_740 : vector<1x16xf32> to vector<16xf32>
    %swap3A_742 = vector.shape_cast %broadcast_in_dim3A_736 : vector<16xf32> to vector<1x16xf32>
    tpu.vector_store %arg9[%swap3A_738, %swap3A_739], %swap3A_742 {strides = array<i32>} : memref<112x16xf32, #tpu.memory_space<vmem>>, vector<1x16xf32>,
    %broadcast_in_dim3A_743 = arith.constant 1.000000e+00 : f32
    %broadcast_in_dim3A_744 = vector.broadcast %broadcast_in_dim3A_743 : f32 to vector<16xf32>
    %swap3A_745 = arith.constant 92 : i32
    %swap3A_746 = arith.index_cast %swap3A_745 : i32 to index
    %swap3A_747 = arith.constant 0 : index
    %swap3A_748 = tpu.vector_load %arg9[%swap3A_746, %swap3A_747] {strides = array<i32>} : memref<112x16xf32, #tpu.memory_space<vmem>>, vector<1x16xf32>,
    %swap3A_749 = vector.shape_cast %swap3A_748 : vector<1x16xf32> to vector<16xf32>
    %swap3A_750 = vector.shape_cast %broadcast_in_dim3A_744 : vector<16xf32> to vector<1x16xf32>
    tpu.vector_store %arg9[%swap3A_746, %swap3A_747], %swap3A_750 {strides = array<i32>} : memref<112x16xf32, #tpu.memory_space<vmem>>, vector<1x16xf32>,
    %broadcast_in_dim3A_751 = arith.constant 1.000000e+00 : f32
    %broadcast_in_dim3A_752 = vector.broadcast %broadcast_in_dim3A_751 : f32 to vector<16xf32>
    %swap3A_753 = arith.constant 93 : i32
    %swap3A_754 = arith.index_cast %swap3A_753 : i32 to index
    %swap3A_755 = arith.constant 0 : index
    %swap3A_756 = tpu.vector_load %arg9[%swap3A_754, %swap3A_755] {strides = array<i32>} : memref<112x16xf32, #tpu.memory_space<vmem>>, vector<1x16xf32>,
    %swap3A_757 = vector.shape_cast %swap3A_756 : vector<1x16xf32> to vector<16xf32>
    %swap3A_758 = vector.shape_cast %broadcast_in_dim3A_752 : vector<16xf32> to vector<1x16xf32>
    tpu.vector_store %arg9[%swap3A_754, %swap3A_755], %swap3A_758 {strides = array<i32>} : memref<112x16xf32, #tpu.memory_space<vmem>>, vector<1x16xf32>,
    %broadcast_in_dim3A_759 = arith.constant 1.000000e+00 : f32
    %broadcast_in_dim3A_760 = vector.broadcast %broadcast_in_dim3A_759 : f32 to vector<16xf32>
    %swap3A_761 = arith.constant 94 : i32
    %swap3A_762 = arith.index_cast %swap3A_761 : i32 to index
    %swap3A_763 = arith.constant 0 : index
    %swap3A_764 = tpu.vector_load %arg9[%swap3A_762, %swap3A_763] {strides = array<i32>} : memref<112x16xf32, #tpu.memory_space<vmem>>, vector<1x16xf32>,
    %swap3A_765 = vector.shape_cast %swap3A_764 : vector<1x16xf32> to vector<16xf32>
    %swap3A_766 = vector.shape_cast %broadcast_in_dim3A_760 : vector<16xf32> to vector<1x16xf32>
    tpu.vector_store %arg9[%swap3A_762, %swap3A_763], %swap3A_766 {strides = array<i32>} : memref<112x16xf32, #tpu.memory_space<vmem>>, vector<1x16xf32>,
    %broadcast_in_dim3A_767 = arith.constant 1.000000e+00 : f32
    %broadcast_in_dim3A_768 = vector.broadcast %broadcast_in_dim3A_767 : f32 to vector<16xf32>
    %swap3A_769 = arith.constant 95 : i32
    %swap3A_770 = arith.index_cast %swap3A_769 : i32 to index
    %swap3A_771 = arith.constant 0 : index
    %swap3A_772 = tpu.vector_load %arg9[%swap3A_770, %swap3A_771] {strides = array<i32>} : memref<112x16xf32, #tpu.memory_space<vmem>>, vector<1x16xf32>,
    %swap3A_773 = vector.shape_cast %swap3A_772 : vector<1x16xf32> to vector<16xf32>
    %swap3A_774 = vector.shape_cast %broadcast_in_dim3A_768 : vector<16xf32> to vector<1x16xf32>
    tpu.vector_store %arg9[%swap3A_770, %swap3A_771], %swap3A_774 {strides = array<i32>} : memref<112x16xf32, #tpu.memory_space<vmem>>, vector<1x16xf32>,
    %broadcast_in_dim3A_775 = arith.constant 1.000000e+00 : f32
    %broadcast_in_dim3A_776 = vector.broadcast %broadcast_in_dim3A_775 : f32 to vector<16xf32>
    %swap3A_777 = arith.constant 96 : i32
    %swap3A_778 = arith.index_cast %swap3A_777 : i32 to index
    %swap3A_779 = arith.constant 0 : index
    %swap3A_780 = tpu.vector_load %arg9[%swap3A_778, %swap3A_779] {strides = array<i32>} : memref<112x16xf32, #tpu.memory_space<vmem>>, vector<1x16xf32>,
    %swap3A_781 = vector.shape_cast %swap3A_780 : vector<1x16xf32> to vector<16xf32>
    %swap3A_782 = vector.shape_cast %broadcast_in_dim3A_776 : vector<16xf32> to vector<1x16xf32>
    tpu.vector_store %arg9[%swap3A_778, %swap3A_779], %swap3A_782 {strides = array<i32>} : memref<112x16xf32, #tpu.memory_space<vmem>>, vector<1x16xf32>,
    %broadcast_in_dim3A_783 = arith.constant 1.000000e+00 : f32
    %broadcast_in_dim3A_784 = vector.broadcast %broadcast_in_dim3A_783 : f32 to vector<16xf32>
    %swap3A_785 = arith.constant 97 : i32
    %swap3A_786 = arith.index_cast %swap3A_785 : i32 to index
    %swap3A_787 = arith.constant 0 : index
    %swap3A_788 = tpu.vector_load %arg9[%swap3A_786, %swap3A_787] {strides = array<i32>} : memref<112x16xf32, #tpu.memory_space<vmem>>, vector<1x16xf32>,
    %swap3A_789 = vector.shape_cast %swap3A_788 : vector<1x16xf32> to vector<16xf32>
    %swap3A_790 = vector.shape_cast %broadcast_in_dim3A_784 : vector<16xf32> to vector<1x16xf32>
    tpu.vector_store %arg9[%swap3A_786, %swap3A_787], %swap3A_790 {strides = array<i32>} : memref<112x16xf32, #tpu.memory_space<vmem>>, vector<1x16xf32>,
    %broadcast_in_dim3A_791 = arith.constant 1.000000e+00 : f32
    %broadcast_in_dim3A_792 = vector.broadcast %broadcast_in_dim3A_791 : f32 to vector<16xf32>
    %swap3A_793 = arith.constant 98 : i32
    %swap3A_794 = arith.index_cast %swap3A_793 : i32 to index
    %swap3A_795 = arith.constant 0 : index
    %swap3A_796 = tpu.vector_load %arg9[%swap3A_794, %swap3A_795] {strides = array<i32>} : memref<112x16xf32, #tpu.memory_space<vmem>>, vector<1x16xf32>,
    %swap3A_797 = vector.shape_cast %swap3A_796 : vector<1x16xf32> to vector<16xf32>
    %swap3A_798 = vector.shape_cast %broadcast_in_dim3A_792 : vector<16xf32> to vector<1x16xf32>
    tpu.vector_store %arg9[%swap3A_794, %swap3A_795], %swap3A_798 {strides = array<i32>} : memref<112x16xf32, #tpu.memory_space<vmem>>, vector<1x16xf32>,
    %broadcast_in_dim3A_799 = arith.constant 1.000000e+00 : f32
    %broadcast_in_dim3A_800 = vector.broadcast %broadcast_in_dim3A_799 : f32 to vector<16xf32>
    %swap3A_801 = arith.constant 99 : i32
    %swap3A_802 = arith.index_cast %swap3A_801 : i32 to index
    %swap3A_803 = arith.constant 0 : index
    %swap3A_804 = tpu.vector_load %arg9[%swap3A_802, %swap3A_803] {strides = array<i32>} : memref<112x16xf32, #tpu.memory_space<vmem>>, vector<1x16xf32>,
    %swap3A_805 = vector.shape_cast %swap3A_804 : vector<1x16xf32> to vector<16xf32>
    %swap3A_806 = vector.shape_cast %broadcast_in_dim3A_800 : vector<16xf32> to vector<1x16xf32>
    tpu.vector_store %arg9[%swap3A_802, %swap3A_803], %swap3A_806 {strides = array<i32>} : memref<112x16xf32, #tpu.memory_space<vmem>>, vector<1x16xf32>,
    %broadcast_in_dim3A_807 = arith.constant 1.000000e+00 : f32
    %broadcast_in_dim3A_808 = vector.broadcast %broadcast_in_dim3A_807 : f32 to vector<16xf32>
    %swap3A_809 = arith.constant 100 : i32
    %swap3A_810 = arith.index_cast %swap3A_809 : i32 to index
    %swap3A_811 = arith.constant 0 : index
    %swap3A_812 = tpu.vector_load %arg9[%swap3A_810, %swap3A_811] {strides = array<i32>} : memref<112x16xf32, #tpu.memory_space<vmem>>, vector<1x16xf32>,
    %swap3A_813 = vector.shape_cast %swap3A_812 : vector<1x16xf32> to vector<16xf32>
    %swap3A_814 = vector.shape_cast %broadcast_in_dim3A_808 : vector<16xf32> to vector<1x16xf32>
    tpu.vector_store %arg9[%swap3A_810, %swap3A_811], %swap3A_814 {strides = array<i32>} : memref<112x16xf32, #tpu.memory_space<vmem>>, vector<1x16xf32>,
    %broadcast_in_dim3A_815 = arith.constant 1.000000e+00 : f32
    %broadcast_in_dim3A_816 = vector.broadcast %broadcast_in_dim3A_815 : f32 to vector<16xf32>
    %swap3A_817 = arith.constant 101 : i32
    %swap3A_818 = arith.index_cast %swap3A_817 : i32 to index
    %swap3A_819 = arith.constant 0 : index
    %swap3A_820 = tpu.vector_load %arg9[%swap3A_818, %swap3A_819] {strides = array<i32>} : memref<112x16xf32, #tpu.memory_space<vmem>>, vector<1x16xf32>,
    %swap3A_821 = vector.shape_cast %swap3A_820 : vector<1x16xf32> to vector<16xf32>
    %swap3A_822 = vector.shape_cast %broadcast_in_dim3A_816 : vector<16xf32> to vector<1x16xf32>
    tpu.vector_store %arg9[%swap3A_818, %swap3A_819], %swap3A_822 {strides = array<i32>} : memref<112x16xf32, #tpu.memory_space<vmem>>, vector<1x16xf32>,
    %broadcast_in_dim3A_823 = arith.constant 1.000000e+00 : f32
    %broadcast_in_dim3A_824 = vector.broadcast %broadcast_in_dim3A_823 : f32 to vector<16xf32>
    %swap3A_825 = arith.constant 102 : i32
    %swap3A_826 = arith.index_cast %swap3A_825 : i32 to index
    %swap3A_827 = arith.constant 0 : index
    %swap3A_828 = tpu.vector_load %arg9[%swap3A_826, %swap3A_827] {strides = array<i32>} : memref<112x16xf32, #tpu.memory_space<vmem>>, vector<1x16xf32>,
    %swap3A_829 = vector.shape_cast %swap3A_828 : vector<1x16xf32> to vector<16xf32>
    %swap3A_830 = vector.shape_cast %broadcast_in_dim3A_824 : vector<16xf32> to vector<1x16xf32>
    tpu.vector_store %arg9[%swap3A_826, %swap3A_827], %swap3A_830 {strides = array<i32>} : memref<112x16xf32, #tpu.memory_space<vmem>>, vector<1x16xf32>,
    %broadcast_in_dim3A_831 = arith.constant 1.000000e+00 : f32
    %broadcast_in_dim3A_832 = vector.broadcast %broadcast_in_dim3A_831 : f32 to vector<16xf32>
    %swap3A_833 = arith.constant 103 : i32
    %swap3A_834 = arith.index_cast %swap3A_833 : i32 to index
    %swap3A_835 = arith.constant 0 : index
    %swap3A_836 = tpu.vector_load %arg9[%swap3A_834, %swap3A_835] {strides = array<i32>} : memref<112x16xf32, #tpu.memory_space<vmem>>, vector<1x16xf32>,
    %swap3A_837 = vector.shape_cast %swap3A_836 : vector<1x16xf32> to vector<16xf32>
    %swap3A_838 = vector.shape_cast %broadcast_in_dim3A_832 : vector<16xf32> to vector<1x16xf32>
    tpu.vector_store %arg9[%swap3A_834, %swap3A_835], %swap3A_838 {strides = array<i32>} : memref<112x16xf32, #tpu.memory_space<vmem>>, vector<1x16xf32>,
    %broadcast_in_dim3A_839 = arith.constant 1.000000e+00 : f32
    %broadcast_in_dim3A_840 = vector.broadcast %broadcast_in_dim3A_839 : f32 to vector<16xf32>
    %swap3A_841 = arith.constant 104 : i32
    %swap3A_842 = arith.index_cast %swap3A_841 : i32 to index
    %swap3A_843 = arith.constant 0 : index
    %swap3A_844 = tpu.vector_load %arg9[%swap3A_842, %swap3A_843] {strides = array<i32>} : memref<112x16xf32, #tpu.memory_space<vmem>>, vector<1x16xf32>,
    %swap3A_845 = vector.shape_cast %swap3A_844 : vector<1x16xf32> to vector<16xf32>
    %swap3A_846 = vector.shape_cast %broadcast_in_dim3A_840 : vector<16xf32> to vector<1x16xf32>
    tpu.vector_store %arg9[%swap3A_842, %swap3A_843], %swap3A_846 {strides = array<i32>} : memref<112x16xf32, #tpu.memory_space<vmem>>, vector<1x16xf32>,
    %broadcast_in_dim3A_847 = arith.constant 1.000000e+00 : f32
    %broadcast_in_dim3A_848 = vector.broadcast %broadcast_in_dim3A_847 : f32 to vector<16xf32>
    %swap3A_849 = arith.constant 105 : i32
    %swap3A_850 = arith.index_cast %swap3A_849 : i32 to index
    %swap3A_851 = arith.constant 0 : index
    %swap3A_852 = tpu.vector_load %arg9[%swap3A_850, %swap3A_851] {strides = array<i32>} : memref<112x16xf32, #tpu.memory_space<vmem>>, vector<1x16xf32>,
    %swap3A_853 = vector.shape_cast %swap3A_852 : vector<1x16xf32> to vector<16xf32>
    %swap3A_854 = vector.shape_cast %broadcast_in_dim3A_848 : vector<16xf32> to vector<1x16xf32>
    tpu.vector_store %arg9[%swap3A_850, %swap3A_851], %swap3A_854 {strides = array<i32>} : memref<112x16xf32, #tpu.memory_space<vmem>>, vector<1x16xf32>,
    %broadcast_in_dim3A_855 = arith.constant 1.000000e+00 : f32
    %broadcast_in_dim3A_856 = vector.broadcast %broadcast_in_dim3A_855 : f32 to vector<16xf32>
    %swap3A_857 = arith.constant 106 : i32
    %swap3A_858 = arith.index_cast %swap3A_857 : i32 to index
    %swap3A_859 = arith.constant 0 : index
    %swap3A_860 = tpu.vector_load %arg9[%swap3A_858, %swap3A_859] {strides = array<i32>} : memref<112x16xf32, #tpu.memory_space<vmem>>, vector<1x16xf32>,
    %swap3A_861 = vector.shape_cast %swap3A_860 : vector<1x16xf32> to vector<16xf32>
    %swap3A_862 = vector.shape_cast %broadcast_in_dim3A_856 : vector<16xf32> to vector<1x16xf32>
    tpu.vector_store %arg9[%swap3A_858, %swap3A_859], %swap3A_862 {strides = array<i32>} : memref<112x16xf32, #tpu.memory_space<vmem>>, vector<1x16xf32>,
    %broadcast_in_dim3A_863 = arith.constant 1.000000e+00 : f32
    %broadcast_in_dim3A_864 = vector.broadcast %broadcast_in_dim3A_863 : f32 to vector<16xf32>
    %swap3A_865 = arith.constant 107 : i32
    %swap3A_866 = arith.index_cast %swap3A_865 : i32 to index
    %swap3A_867 = arith.constant 0 : index
    %swap3A_868 = tpu.vector_load %arg9[%swap3A_866, %swap3A_867] {strides = array<i32>} : memref<112x16xf32, #tpu.memory_space<vmem>>, vector<1x16xf32>,
    %swap3A_869 = vector.shape_cast %swap3A_868 : vector<1x16xf32> to vector<16xf32>
    %swap3A_870 = vector.shape_cast %broadcast_in_dim3A_864 : vector<16xf32> to vector<1x16xf32>
    tpu.vector_store %arg9[%swap3A_866, %swap3A_867], %swap3A_870 {strides = array<i32>} : memref<112x16xf32, #tpu.memory_space<vmem>>, vector<1x16xf32>,
    %broadcast_in_dim3A_871 = arith.constant 1.000000e+00 : f32
    %broadcast_in_dim3A_872 = vector.broadcast %broadcast_in_dim3A_871 : f32 to vector<16xf32>
    %swap3A_873 = arith.constant 108 : i32
    %swap3A_874 = arith.index_cast %swap3A_873 : i32 to index
    %swap3A_875 = arith.constant 0 : index
    %swap3A_876 = tpu.vector_load %arg9[%swap3A_874, %swap3A_875] {strides = array<i32>} : memref<112x16xf32, #tpu.memory_space<vmem>>, vector<1x16xf32>,
    %swap3A_877 = vector.shape_cast %swap3A_876 : vector<1x16xf32> to vector<16xf32>
    %swap3A_878 = vector.shape_cast %broadcast_in_dim3A_872 : vector<16xf32> to vector<1x16xf32>
    tpu.vector_store %arg9[%swap3A_874, %swap3A_875], %swap3A_878 {strides = array<i32>} : memref<112x16xf32, #tpu.memory_space<vmem>>, vector<1x16xf32>,
    %broadcast_in_dim3A_879 = arith.constant 1.000000e+00 : f32
    %broadcast_in_dim3A_880 = vector.broadcast %broadcast_in_dim3A_879 : f32 to vector<16xf32>
    %swap3A_881 = arith.constant 109 : i32
    %swap3A_882 = arith.index_cast %swap3A_881 : i32 to index
    %swap3A_883 = arith.constant 0 : index
    %swap3A_884 = tpu.vector_load %arg9[%swap3A_882, %swap3A_883] {strides = array<i32>} : memref<112x16xf32, #tpu.memory_space<vmem>>, vector<1x16xf32>,
    %swap3A_885 = vector.shape_cast %swap3A_884 : vector<1x16xf32> to vector<16xf32>
    %swap3A_886 = vector.shape_cast %broadcast_in_dim3A_880 : vector<16xf32> to vector<1x16xf32>
    tpu.vector_store %arg9[%swap3A_882, %swap3A_883], %swap3A_886 {strides = array<i32>} : memref<112x16xf32, #tpu.memory_space<vmem>>, vector<1x16xf32>,
    %broadcast_in_dim3A_887 = arith.constant 1.000000e+00 : f32
    %broadcast_in_dim3A_888 = vector.broadcast %broadcast_in_dim3A_887 : f32 to vector<16xf32>
    %swap3A_889 = arith.constant 110 : i32
    %swap3A_890 = arith.index_cast %swap3A_889 : i32 to index
    %swap3A_891 = arith.constant 0 : index
    %swap3A_892 = tpu.vector_load %arg9[%swap3A_890, %swap3A_891] {strides = array<i32>} : memref<112x16xf32, #tpu.memory_space<vmem>>, vector<1x16xf32>,
    %swap3A_893 = vector.shape_cast %swap3A_892 : vector<1x16xf32> to vector<16xf32>
    %swap3A_894 = vector.shape_cast %broadcast_in_dim3A_888 : vector<16xf32> to vector<1x16xf32>
    tpu.vector_store %arg9[%swap3A_890, %swap3A_891], %swap3A_894 {strides = array<i32>} : memref<112x16xf32, #tpu.memory_space<vmem>>, vector<1x16xf32>,
    %broadcast_in_dim3A_895 = arith.constant 1.000000e+00 : f32
    %broadcast_in_dim3A_896 = vector.broadcast %broadcast_in_dim3A_895 : f32 to vector<16xf32>
    %swap3A_897 = arith.constant 111 : i32
    %swap3A_898 = arith.index_cast %swap3A_897 : i32 to index
    %swap3A_899 = arith.constant 0 : index
    %swap3A_900 = tpu.vector_load %arg9[%swap3A_898, %swap3A_899] {strides = array<i32>} : memref<112x16xf32, #tpu.memory_space<vmem>>, vector<1x16xf32>,
    %swap3A_901 = vector.shape_cast %swap3A_900 : vector<1x16xf32> to vector<16xf32>
    %swap3A_902 = vector.shape_cast %broadcast_in_dim3A_896 : vector<16xf32> to vector<1x16xf32>
    tpu.vector_store %arg9[%swap3A_898, %swap3A_899], %swap3A_902 {strides = array<i32>} : memref<112x16xf32, #tpu.memory_space<vmem>>, vector<1x16xf32>,
    %barrier3A = arith.constant 0 : index
    tpu.barrier barrier_id(%barrier3A)
    %scan3A = arith.constant 0 : i32
    %scan3A_903 = arith.constant 90 : i32
    %scan3A_904 = arith.addi %scan3A, %scan3A_903 : i32
    %scan3A_905 = arith.constant 1 : i32
    scf.for %scan3A_910 = %scan3A to %scan3A_904 step %scan3A_905  : i32 {
      %mul3A_911 = arith.constant 1 : i32
      %mul3A_912 = arith.muli %scan3A_910, %mul3A_911 : i32
      %add3A_913 = arith.constant 0 : i32
      %add3A_914 = arith.addi %add3A_913, %mul3A_912 : i32
      "tpu.region"() ({
        %run_scoped3A = tpu.sem_alloc : memref<!tpu.dma_semaphore, #tpu.memory_space<semaphore_mem>>
        %dma_start3A = arith.constant 0 : i32
        %dma_start3A_915 = tpu.memref_slice %arg7[%add3A_914, %dma_start3A] : memref<90x112xi32, #tpu.memory_space<vmem>> -> memref<1x112xi32, #tpu.memory_space<vmem>>
        %dma_start3A_916 = tpu.memref_squeeze %dma_start3A_915 : memref<1x112xi32, #tpu.memory_space<vmem>> -> memref<112xi32, #tpu.memory_space<vmem>>
        %dma_start3A_917 = arith.constant 0 : i32
        %dma_start3A_918 = arith.constant 0 : i32
        %dma_start3A_919 = tpu.memref_slice %arg10[%dma_start3A_917, %dma_start3A_918] : memref<10112x16xf32, #tpu.memory_space<vmem_shared>> -> memref<10112x16xf32, #tpu.memory_space<vmem_shared>>
        tpu.enqueue_indirect_dma source(%arg9 : memref<112x16xf32, #tpu.memory_space<vmem>>) target(%dma_start3A_919 : memref<10112x16xf32, #tpu.memory_space<vmem_shared>>) offsets(%dma_start3A_916 : memref<112xi32, #tpu.memory_space<vmem>>) semaphore(%run_scoped3A : memref<!tpu.dma_semaphore, #tpu.memory_space<semaphore_mem>>) {add = true}
        %dma_wait3A = arith.constant 0 : i32
        %dma_wait3A_920 = tpu.memref_slice %arg7[%add3A_914, %dma_wait3A] : memref<90x112xi32, #tpu.memory_space<vmem>> -> memref<1x112xi32, #tpu.memory_space<vmem>>
        %dma_wait3A_921 = tpu.memref_squeeze %dma_wait3A_920 : memref<1x112xi32, #tpu.memory_space<vmem>> -> memref<112xi32, #tpu.memory_space<vmem>>
        %dma_wait3A_922 = arith.constant 0 : i32
        %dma_wait3A_923 = arith.constant 0 : i32
        %dma_wait3A_924 = tpu.memref_slice %arg10[%dma_wait3A_922, %dma_wait3A_923] : memref<10112x16xf32, #tpu.memory_space<vmem_shared>> -> memref<10112x16xf32, #tpu.memory_space<vmem_shared>>
        tpu.wait_indirect_dma semaphore(%run_scoped3A : memref<!tpu.dma_semaphore, #tpu.memory_space<semaphore_mem>>) src(%arg9 : memref<112x16xf32, #tpu.memory_space<vmem>>) dst(%dma_wait3A_924 : memref<10112x16xf32, #tpu.memory_space<vmem_shared>>)
        tpu.yield
      }) : () -> ()
      "tpu.region"() ({
        %run_scoped3A = tpu.sem_alloc : memref<!tpu.dma_semaphore, #tpu.memory_space<semaphore_mem>>
        %dma_start3A = arith.constant 0 : i32
        %dma_start3A_915 = tpu.memref_slice %arg8[%add3A_914, %dma_start3A] : memref<90x112xi32, #tpu.memory_space<vmem>> -> memref<1x112xi32, #tpu.memory_space<vmem>>
        %dma_start3A_916 = tpu.memref_squeeze %dma_start3A_915 : memref<1x112xi32, #tpu.memory_space<vmem>> -> memref<112xi32, #tpu.memory_space<vmem>>
        %dma_start3A_917 = arith.constant 0 : i32
        %dma_start3A_918 = arith.constant 0 : i32
        %dma_start3A_919 = tpu.memref_slice %arg11[%dma_start3A_917, %dma_start3A_918] : memref<10112x16xf32, #tpu.memory_space<vmem_shared>> -> memref<10112x16xf32, #tpu.memory_space<vmem_shared>>
        tpu.enqueue_indirect_dma source(%arg9 : memref<112x16xf32, #tpu.memory_space<vmem>>) target(%dma_start3A_919 : memref<10112x16xf32, #tpu.memory_space<vmem_shared>>) offsets(%dma_start3A_916 : memref<112xi32, #tpu.memory_space<vmem>>) semaphore(%run_scoped3A : memref<!tpu.dma_semaphore, #tpu.memory_space<semaphore_mem>>) {add = true}
        %dma_wait3A = arith.constant 0 : i32
        %dma_wait3A_920 = tpu.memref_slice %arg8[%add3A_914, %dma_wait3A] : memref<90x112xi32, #tpu.memory_space<vmem>> -> memref<1x112xi32, #tpu.memory_space<vmem>>
        %dma_wait3A_921 = tpu.memref_squeeze %dma_wait3A_920 : memref<1x112xi32, #tpu.memory_space<vmem>> -> memref<112xi32, #tpu.memory_space<vmem>>
        %dma_wait3A_922 = arith.constant 0 : i32
        %dma_wait3A_923 = arith.constant 0 : i32
        %dma_wait3A_924 = tpu.memref_slice %arg11[%dma_wait3A_922, %dma_wait3A_923] : memref<10112x16xf32, #tpu.memory_space<vmem_shared>> -> memref<10112x16xf32, #tpu.memory_space<vmem_shared>>
        tpu.wait_indirect_dma semaphore(%run_scoped3A : memref<!tpu.dma_semaphore, #tpu.memory_space<semaphore_mem>>) src(%arg9 : memref<112x16xf32, #tpu.memory_space<vmem>>) dst(%dma_wait3A_924 : memref<10112x16xf32, #tpu.memory_space<vmem_shared>>)
        tpu.yield
      }) : () -> ()
    }
    %scan3A_906 = arith.constant 90 : i32
    %barrier3A_907 = arith.constant 0 : index
    tpu.barrier barrier_id(%barrier3A_907)
    %mul3A_908 = arith.constant 632 : i32
    %mul3A_909 = arith.muli %arg1, %mul3A_908 : i32
    "tpu.region"() ({
      %run_scoped3A = tpu.sem_alloc : memref<!tpu.dma_semaphore, #tpu.memory_space<semaphore_mem>>
      %dma_start3A = arith.constant 0 : i32
      %dma_start3A_910 = tpu.memref_slice %arg5[%arg0, %mul3A_909, %dma_start3A] : memref<2x10112x16xf32, #tpu.memory_space<hbm>> -> memref<1x632x16xf32, #tpu.memory_space<hbm>>
      %dma_start3A_911 = tpu.memref_squeeze %dma_start3A_910 : memref<1x632x16xf32, #tpu.memory_space<hbm>> -> memref<632x16xf32, #tpu.memory_space<hbm>>
      %dma_start3A_912 = arith.constant 0 : i32
      %dma_start3A_913 = tpu.memref_slice %arg10[%mul3A_909, %dma_start3A_912] : memref<10112x16xf32, #tpu.memory_space<vmem_shared>> -> memref<632x16xf32, #tpu.memory_space<vmem_shared>>
      tpu.enqueue_dma source(%dma_start3A_913 : memref<632x16xf32, #tpu.memory_space<vmem_shared>>) target(%dma_start3A_911 : memref<632x16xf32, #tpu.memory_space<hbm>>) target_semaphore(%run_scoped3A : memref<!tpu.dma_semaphore, #tpu.memory_space<semaphore_mem>>)
      %dma_wait3A = arith.constant 0 : i32
      %dma_wait3A_914 = tpu.memref_slice %arg5[%arg0, %mul3A_909, %dma_wait3A] : memref<2x10112x16xf32, #tpu.memory_space<hbm>> -> memref<1x632x16xf32, #tpu.memory_space<hbm>>
      %dma_wait3A_915 = tpu.memref_squeeze %dma_wait3A_914 : memref<1x632x16xf32, #tpu.memory_space<hbm>> -> memref<632x16xf32, #tpu.memory_space<hbm>>
      %dma_wait3A_916 = arith.constant 0 : i32
      %dma_wait3A_917 = tpu.memref_slice %arg10[%mul3A_909, %dma_wait3A_916] : memref<10112x16xf32, #tpu.memory_space<vmem_shared>> -> memref<632x16xf32, #tpu.memory_space<vmem_shared>>
      tpu.wait_dma2 semaphore(%run_scoped3A : memref<!tpu.dma_semaphore, #tpu.memory_space<semaphore_mem>>) src(%dma_wait3A_917 : memref<632x16xf32, #tpu.memory_space<vmem_shared>>) dst(%dma_wait3A_915 : memref<632x16xf32, #tpu.memory_space<hbm>>)
      tpu.yield
    }) : () -> ()
    "tpu.region"() ({
      %run_scoped3A = tpu.sem_alloc : memref<!tpu.dma_semaphore, #tpu.memory_space<semaphore_mem>>
      %dma_start3A = arith.constant 0 : i32
      %dma_start3A_910 = tpu.memref_slice %arg6[%arg0, %mul3A_909, %dma_start3A] : memref<2x10112x16xf32, #tpu.memory_space<hbm>> -> memref<1x632x16xf32, #tpu.memory_space<hbm>>
      %dma_start3A_911 = tpu.memref_squeeze %dma_start3A_910 : memref<1x632x16xf32, #tpu.memory_space<hbm>> -> memref<632x16xf32, #tpu.memory_space<hbm>>
      %dma_start3A_912 = arith.constant 0 : i32
      %dma_start3A_913 = tpu.memref_slice %arg11[%mul3A_909, %dma_start3A_912] : memref<10112x16xf32, #tpu.memory_space<vmem_shared>> -> memref<632x16xf32, #tpu.memory_space<vmem_shared>>
      tpu.enqueue_dma source(%dma_start3A_913 : memref<632x16xf32, #tpu.memory_space<vmem_shared>>) target(%dma_start3A_911 : memref<632x16xf32, #tpu.memory_space<hbm>>) target_semaphore(%run_scoped3A : memref<!tpu.dma_semaphore, #tpu.memory_space<semaphore_mem>>)
      %dma_wait3A = arith.constant 0 : i32
      %dma_wait3A_914 = tpu.memref_slice %arg6[%arg0, %mul3A_909, %dma_wait3A] : memref<2x10112x16xf32, #tpu.memory_space<hbm>> -> memref<1x632x16xf32, #tpu.memory_space<hbm>>
      %dma_wait3A_915 = tpu.memref_squeeze %dma_wait3A_914 : memref<1x632x16xf32, #tpu.memory_space<hbm>> -> memref<632x16xf32, #tpu.memory_space<hbm>>
      %dma_wait3A_916 = arith.constant 0 : i32
      %dma_wait3A_917 = tpu.memref_slice %arg11[%mul3A_909, %dma_wait3A_916] : memref<10112x16xf32, #tpu.memory_space<vmem_shared>> -> memref<632x16xf32, #tpu.memory_space<vmem_shared>>
      tpu.wait_dma2 semaphore(%run_scoped3A : memref<!tpu.dma_semaphore, #tpu.memory_space<semaphore_mem>>) src(%dma_wait3A_917 : memref<632x16xf32, #tpu.memory_space<vmem_shared>>) dst(%dma_wait3A_915 : memref<632x16xf32, #tpu.memory_space<hbm>>)
      tpu.yield
    }) : () -> ()
    return
  }
}

#map = affine_map<(d0, d1) -> (0, 0)>
#map1 = affine_map<(d0, d1) -> (0, 0, 0)>
module attributes {stable_mosaic.version = 14 : i64} {
  func.func @agg(%arg0: i32, %arg1: i32, %arg2: memref<2880x112xi32, #tpu.memory_space<hbm>>, %arg3: memref<2880x112xi32, #tpu.memory_space<hbm>>, %arg4: memref<632x128xf32, #tpu.memory_space<hbm>>, %arg5: memref<10112x128xf32, #tpu.memory_space<hbm>>, %arg6: memref<2x10112x128xf32, #tpu.memory_space<hbm>>, %arg7: memref<180x112xi32, #tpu.memory_space<vmem>>, %arg8: memref<112xi32, #tpu.memory_space<vmem>>, %arg9: memref<112xi32, #tpu.memory_space<vmem>>, %arg10: memref<112x128xf32, #tpu.memory_space<vmem>>, %arg11: memref<112x128xf32, #tpu.memory_space<vmem>>, %arg12: memref<10112x128xf32, #tpu.memory_space<vmem_shared>>, %arg13: memref<!tpu.dma_semaphore, #tpu.memory_space<semaphore_mem>>, %arg14: memref<!tpu.dma_semaphore, #tpu.memory_space<semaphore_mem>>, %arg15: memref<!tpu.dma_semaphore, #tpu.memory_space<semaphore_mem>>, %arg16: memref<!tpu.dma_semaphore, #tpu.memory_space<semaphore_mem>>) attributes {dimension_semantics = [#tpu.dimension_semantics<core_parallel>, #tpu.dimension_semantics<subcore_parallel>], iteration_bounds = array<i64: 2, 16>, scalar_prefetch = 0 : i64, scratch_operands = 10 : i64, tpu.core_type = #tpu.core_type<sc_vector_subcore>, window_params = [{transform_indices = #map}, {transform_indices = #map}, {transform_indices = #map}, {transform_indices = #map}, {transform_indices = #map1}]} {
    %mul3A = arith.constant 180 : i32
    %mul3A_0 = arith.muli %arg1, %mul3A : i32
    "tpu.region"() ({
      %run_scoped3A = tpu.sem_alloc : memref<!tpu.dma_semaphore, #tpu.memory_space<semaphore_mem>>
      %dma_start3A = arith.constant 0 : i32
      %dma_start3A_10 = tpu.memref_slice %arg2[%mul3A_0, %dma_start3A] : memref<2880x112xi32, #tpu.memory_space<hbm>> -> memref<180x112xi32, #tpu.memory_space<hbm>>
      %dma_start3A_11 = arith.constant 0 : i32
      %dma_start3A_12 = tpu.memref_slice %arg2[%mul3A_0, %dma_start3A_11] : memref<2880x112xi32, #tpu.memory_space<hbm>> -> memref<180x112xi32, #tpu.memory_space<hbm>>
      tpu.enqueue_dma source(%dma_start3A_12 : memref<180x112xi32, #tpu.memory_space<hbm>>) target(%arg7 : memref<180x112xi32, #tpu.memory_space<vmem>>) target_semaphore(%run_scoped3A : memref<!tpu.dma_semaphore, #tpu.memory_space<semaphore_mem>>)
      %dma_wait3A = arith.constant 0 : i32
      %dma_wait3A_13 = tpu.memref_slice %arg2[%mul3A_0, %dma_wait3A] : memref<2880x112xi32, #tpu.memory_space<hbm>> -> memref<180x112xi32, #tpu.memory_space<hbm>>
      %dma_wait3A_14 = arith.constant 0 : i32
      %dma_wait3A_15 = tpu.memref_slice %arg2[%mul3A_0, %dma_wait3A_14] : memref<2880x112xi32, #tpu.memory_space<hbm>> -> memref<180x112xi32, #tpu.memory_space<hbm>>
      tpu.wait_dma2 semaphore(%run_scoped3A : memref<!tpu.dma_semaphore, #tpu.memory_space<semaphore_mem>>) src(%dma_wait3A_15 : memref<180x112xi32, #tpu.memory_space<hbm>>) dst(%arg7 : memref<180x112xi32, #tpu.memory_space<vmem>>)
      tpu.yield
    }) : () -> ()
    %mul3A_1 = arith.constant 632 : i32
    %mul3A_2 = arith.muli %arg1, %mul3A_1 : i32
    "tpu.region"() ({
      %run_scoped3A = tpu.sem_alloc : memref<!tpu.dma_semaphore, #tpu.memory_space<semaphore_mem>>
      %dma_start3A = arith.constant 0 : i32
      %dma_start3A_10 = tpu.memref_slice %arg12[%mul3A_2, %dma_start3A] : memref<10112x128xf32, #tpu.memory_space<vmem_shared>> -> memref<632x128xf32, #tpu.memory_space<vmem_shared>>
      tpu.enqueue_dma source(%arg4 : memref<632x128xf32, #tpu.memory_space<hbm>>) target(%dma_start3A_10 : memref<632x128xf32, #tpu.memory_space<vmem_shared>>) target_semaphore(%run_scoped3A : memref<!tpu.dma_semaphore, #tpu.memory_space<semaphore_mem>>)
      %dma_wait3A = arith.constant 0 : i32
      %dma_wait3A_11 = tpu.memref_slice %arg12[%mul3A_2, %dma_wait3A] : memref<10112x128xf32, #tpu.memory_space<vmem_shared>> -> memref<632x128xf32, #tpu.memory_space<vmem_shared>>
      tpu.wait_dma2 semaphore(%run_scoped3A : memref<!tpu.dma_semaphore, #tpu.memory_space<semaphore_mem>>) src(%arg4 : memref<632x128xf32, #tpu.memory_space<hbm>>) dst(%dma_wait3A_11 : memref<632x128xf32, #tpu.memory_space<vmem_shared>>)
      tpu.yield
    }) : () -> ()
    %barrier3A = arith.constant 0 : index
    tpu.barrier barrier_id(%barrier3A)
    %eq3A = arith.constant 0 : i32
    %eq3A_3 = arith.cmpi eq, %arg0, %eq3A : i32
    %convert_element_type3A = arith.extui %eq3A_3 : i1 to i32
    %cond3A = arith.constant 0 : i32
    %cond3A_4 = arith.cmpi ne, %convert_element_type3A, %cond3A : i32
    scf.if %cond3A_4 {
      %dma_start3A = arith.constant 0 : i32
      %dma_start3A_10 = tpu.memref_slice %arg3[%mul3A_0, %dma_start3A] : memref<2880x112xi32, #tpu.memory_space<hbm>> -> memref<1x112xi32, #tpu.memory_space<hbm>>
      %dma_start3A_11 = tpu.memref_squeeze %dma_start3A_10 : memref<1x112xi32, #tpu.memory_space<hbm>> -> memref<112xi32, #tpu.memory_space<hbm>>
      %dma_start3A_12 = arith.constant 0 : i32
      %dma_start3A_13 = tpu.memref_slice %arg3[%mul3A_0, %dma_start3A_12] : memref<2880x112xi32, #tpu.memory_space<hbm>> -> memref<1x112xi32, #tpu.memory_space<hbm>>
      %dma_start3A_14 = tpu.memref_squeeze %dma_start3A_13 : memref<1x112xi32, #tpu.memory_space<hbm>> -> memref<112xi32, #tpu.memory_space<hbm>>
      tpu.enqueue_dma source(%dma_start3A_14 : memref<112xi32, #tpu.memory_space<hbm>>) target(%arg8 : memref<112xi32, #tpu.memory_space<vmem>>) target_semaphore(%arg15 : memref<!tpu.dma_semaphore, #tpu.memory_space<semaphore_mem>>)
      %dma_start3A_15 = arith.constant 0 : i32
      %dma_start3A_16 = arith.constant 0 : i32
      %dma_start3A_17 = tpu.memref_slice %arg7[%dma_start3A_15, %dma_start3A_16] : memref<180x112xi32, #tpu.memory_space<vmem>> -> memref<1x112xi32, #tpu.memory_space<vmem>>
      %dma_start3A_18 = tpu.memref_squeeze %dma_start3A_17 : memref<1x112xi32, #tpu.memory_space<vmem>> -> memref<112xi32, #tpu.memory_space<vmem>>
      %dma_start3A_19 = arith.constant 0 : i32
      %dma_start3A_20 = arith.constant 0 : i32
      %dma_start3A_21 = tpu.memref_slice %arg5[%dma_start3A_19, %dma_start3A_20] : memref<10112x128xf32, #tpu.memory_space<hbm>> -> memref<10112x128xf32, #tpu.memory_space<hbm>>
      tpu.enqueue_indirect_dma source(%dma_start3A_21 : memref<10112x128xf32, #tpu.memory_space<hbm>>) target(%arg10 : memref<112x128xf32, #tpu.memory_space<vmem>>) offsets(%dma_start3A_18 : memref<112xi32, #tpu.memory_space<vmem>>) semaphore(%arg13 : memref<!tpu.dma_semaphore, #tpu.memory_space<semaphore_mem>>)
      %dma_start3A_22 = arith.constant 1 : i32
      %dma_start3A_23 = arith.constant 0 : i32
      %dma_start3A_24 = tpu.memref_slice %arg7[%dma_start3A_22, %dma_start3A_23] : memref<180x112xi32, #tpu.memory_space<vmem>> -> memref<1x112xi32, #tpu.memory_space<vmem>>
      %dma_start3A_25 = tpu.memref_squeeze %dma_start3A_24 : memref<1x112xi32, #tpu.memory_space<vmem>> -> memref<112xi32, #tpu.memory_space<vmem>>
      %dma_start3A_26 = arith.constant 0 : i32
      %dma_start3A_27 = arith.constant 0 : i32
      %dma_start3A_28 = tpu.memref_slice %arg5[%dma_start3A_26, %dma_start3A_27] : memref<10112x128xf32, #tpu.memory_space<hbm>> -> memref<10112x128xf32, #tpu.memory_space<hbm>>
      tpu.enqueue_indirect_dma source(%dma_start3A_28 : memref<10112x128xf32, #tpu.memory_space<hbm>>) target(%arg11 : memref<112x128xf32, #tpu.memory_space<vmem>>) offsets(%dma_start3A_25 : memref<112xi32, #tpu.memory_space<vmem>>) semaphore(%arg14 : memref<!tpu.dma_semaphore, #tpu.memory_space<semaphore_mem>>)
      %scan3A = arith.constant 0 : i32
      %scan3A_29 = arith.constant 90 : i32
      %scan3A_30 = arith.addi %scan3A, %scan3A_29 : i32
      %scan3A_31 = arith.constant 1 : i32
      scf.for %scan3A_33 = %scan3A to %scan3A_30 step %scan3A_31  : i32 {
        %mul3A_34 = arith.constant 1 : i32
        %mul3A_35 = arith.muli %scan3A_33, %mul3A_34 : i32
        %add3A = arith.constant 0 : i32
        %add3A_36 = arith.addi %add3A, %mul3A_35 : i32
        %mul3A_37 = arith.constant 2 : i32
        %mul3A_38 = arith.muli %add3A_36, %mul3A_37 : i32
        %add3A_39 = arith.constant 0 : i32
        %add3A_40 = arith.addi %mul3A_38, %add3A_39 : i32
        %add3A_41 = arith.constant 1 : i32
        %add3A_42 = arith.addi %add3A_40, %add3A_41 : i32
        %lt3A = arith.constant 180 : i32
        %lt3A_43 = arith.cmpi slt, %add3A_42, %lt3A : i32
        %convert_element_type3A_44 = arith.extui %lt3A_43 : i1 to i32
        %cond3A_45 = arith.constant 0 : i32
        %cond3A_46 = arith.cmpi ne, %convert_element_type3A_44, %cond3A_45 : i32
        scf.if %cond3A_46 {
          %add3A_95 = arith.addi %mul3A_0, %add3A_40 : i32
          %add3A_96 = arith.constant 1 : i32
          %add3A_97 = arith.addi %add3A_95, %add3A_96 : i32
          %dma_start3A_98 = arith.constant 0 : i32
          %dma_start3A_99 = tpu.memref_slice %arg3[%add3A_97, %dma_start3A_98] : memref<2880x112xi32, #tpu.memory_space<hbm>> -> memref<1x112xi32, #tpu.memory_space<hbm>>
          %dma_start3A_100 = tpu.memref_squeeze %dma_start3A_99 : memref<1x112xi32, #tpu.memory_space<hbm>> -> memref<112xi32, #tpu.memory_space<hbm>>
          %dma_start3A_101 = arith.constant 0 : i32
          %dma_start3A_102 = tpu.memref_slice %arg3[%add3A_97, %dma_start3A_101] : memref<2880x112xi32, #tpu.memory_space<hbm>> -> memref<1x112xi32, #tpu.memory_space<hbm>>
          %dma_start3A_103 = tpu.memref_squeeze %dma_start3A_102 : memref<1x112xi32, #tpu.memory_space<hbm>> -> memref<112xi32, #tpu.memory_space<hbm>>
          tpu.enqueue_dma source(%dma_start3A_103 : memref<112xi32, #tpu.memory_space<hbm>>) target(%arg9 : memref<112xi32, #tpu.memory_space<vmem>>) target_semaphore(%arg16 : memref<!tpu.dma_semaphore, #tpu.memory_space<semaphore_mem>>)
        } else {
        }
        %dma_wait3A = arith.constant 0 : i32
        %dma_wait3A_47 = tpu.memref_slice %arg7[%add3A_40, %dma_wait3A] : memref<180x112xi32, #tpu.memory_space<vmem>> -> memref<1x112xi32, #tpu.memory_space<vmem>>
        %dma_wait3A_48 = tpu.memref_squeeze %dma_wait3A_47 : memref<1x112xi32, #tpu.memory_space<vmem>> -> memref<112xi32, #tpu.memory_space<vmem>>
        %dma_wait3A_49 = arith.constant 0 : i32
        %dma_wait3A_50 = arith.constant 0 : i32
        %dma_wait3A_51 = tpu.memref_slice %arg5[%dma_wait3A_49, %dma_wait3A_50] : memref<10112x128xf32, #tpu.memory_space<hbm>> -> memref<10112x128xf32, #tpu.memory_space<hbm>>
        tpu.wait_indirect_dma semaphore(%arg13 : memref<!tpu.dma_semaphore, #tpu.memory_space<semaphore_mem>>) src(%dma_wait3A_51 : memref<10112x128xf32, #tpu.memory_space<hbm>>) dst(%arg10 : memref<112x128xf32, #tpu.memory_space<vmem>>)
        %add3A_52 = arith.addi %mul3A_0, %add3A_40 : i32
        %dma_wait3A_53 = arith.constant 0 : i32
        %dma_wait3A_54 = tpu.memref_slice %arg3[%add3A_52, %dma_wait3A_53] : memref<2880x112xi32, #tpu.memory_space<hbm>> -> memref<1x112xi32, #tpu.memory_space<hbm>>
        %dma_wait3A_55 = tpu.memref_squeeze %dma_wait3A_54 : memref<1x112xi32, #tpu.memory_space<hbm>> -> memref<112xi32, #tpu.memory_space<hbm>>
        %dma_wait3A_56 = arith.constant 0 : i32
        %dma_wait3A_57 = tpu.memref_slice %arg3[%add3A_52, %dma_wait3A_56] : memref<2880x112xi32, #tpu.memory_space<hbm>> -> memref<1x112xi32, #tpu.memory_space<hbm>>
        %dma_wait3A_58 = tpu.memref_squeeze %dma_wait3A_57 : memref<1x112xi32, #tpu.memory_space<hbm>> -> memref<112xi32, #tpu.memory_space<hbm>>
        tpu.wait_dma2 semaphore(%arg15 : memref<!tpu.dma_semaphore, #tpu.memory_space<semaphore_mem>>) src(%dma_wait3A_58 : memref<112xi32, #tpu.memory_space<hbm>>) dst(%arg8 : memref<112xi32, #tpu.memory_space<vmem>>)
        "tpu.region"() ({
          %run_scoped3A = tpu.sem_alloc : memref<!tpu.dma_semaphore, #tpu.memory_space<semaphore_mem>>
          %dma_start3A_95 = arith.constant 0 : i32
          %dma_start3A_96 = arith.constant 0 : i32
          %dma_start3A_97 = tpu.memref_slice %arg12[%dma_start3A_95, %dma_start3A_96] : memref<10112x128xf32, #tpu.memory_space<vmem_shared>> -> memref<10112x128xf32, #tpu.memory_space<vmem_shared>>
          tpu.enqueue_indirect_dma source(%arg10 : memref<112x128xf32, #tpu.memory_space<vmem>>) target(%dma_start3A_97 : memref<10112x128xf32, #tpu.memory_space<vmem_shared>>) offsets(%arg8 : memref<112xi32, #tpu.memory_space<vmem>>) semaphore(%run_scoped3A : memref<!tpu.dma_semaphore, #tpu.memory_space<semaphore_mem>>) {add = true}
          %dma_wait3A_98 = arith.constant 0 : i32
          %dma_wait3A_99 = arith.constant 0 : i32
          %dma_wait3A_100 = tpu.memref_slice %arg12[%dma_wait3A_98, %dma_wait3A_99] : memref<10112x128xf32, #tpu.memory_space<vmem_shared>> -> memref<10112x128xf32, #tpu.memory_space<vmem_shared>>
          tpu.wait_indirect_dma semaphore(%run_scoped3A : memref<!tpu.dma_semaphore, #tpu.memory_space<semaphore_mem>>) src(%arg10 : memref<112x128xf32, #tpu.memory_space<vmem>>) dst(%dma_wait3A_100 : memref<10112x128xf32, #tpu.memory_space<vmem_shared>>)
          tpu.yield
        }) : () -> ()
        %add3A_59 = arith.constant 2 : i32
        %add3A_60 = arith.addi %add3A_40, %add3A_59 : i32
        %lt3A_61 = arith.constant 180 : i32
        %lt3A_62 = arith.cmpi slt, %add3A_60, %lt3A_61 : i32
        %convert_element_type3A_63 = arith.extui %lt3A_62 : i1 to i32
        %cond3A_64 = arith.constant 0 : i32
        %cond3A_65 = arith.cmpi ne, %convert_element_type3A_63, %cond3A_64 : i32
        scf.if %cond3A_65 {
          %add3A_95 = arith.constant 2 : i32
          %add3A_96 = arith.addi %add3A_40, %add3A_95 : i32
          %dma_start3A_97 = arith.constant 0 : i32
          %dma_start3A_98 = tpu.memref_slice %arg7[%add3A_96, %dma_start3A_97] : memref<180x112xi32, #tpu.memory_space<vmem>> -> memref<1x112xi32, #tpu.memory_space<vmem>>
          %dma_start3A_99 = tpu.memref_squeeze %dma_start3A_98 : memref<1x112xi32, #tpu.memory_space<vmem>> -> memref<112xi32, #tpu.memory_space<vmem>>
          %dma_start3A_100 = arith.constant 0 : i32
          %dma_start3A_101 = arith.constant 0 : i32
          %dma_start3A_102 = tpu.memref_slice %arg5[%dma_start3A_100, %dma_start3A_101] : memref<10112x128xf32, #tpu.memory_space<hbm>> -> memref<10112x128xf32, #tpu.memory_space<hbm>>
          tpu.enqueue_indirect_dma source(%dma_start3A_102 : memref<10112x128xf32, #tpu.memory_space<hbm>>) target(%arg10 : memref<112x128xf32, #tpu.memory_space<vmem>>) offsets(%dma_start3A_99 : memref<112xi32, #tpu.memory_space<vmem>>) semaphore(%arg13 : memref<!tpu.dma_semaphore, #tpu.memory_space<semaphore_mem>>)
        } else {
        }
        %add3A_66 = arith.constant 1 : i32
        %add3A_67 = arith.addi %mul3A_38, %add3A_66 : i32
        %add3A_68 = arith.constant 1 : i32
        %add3A_69 = arith.addi %add3A_67, %add3A_68 : i32
        %lt3A_70 = arith.constant 180 : i32
        %lt3A_71 = arith.cmpi slt, %add3A_69, %lt3A_70 : i32
        %convert_element_type3A_72 = arith.extui %lt3A_71 : i1 to i32
        %cond3A_73 = arith.constant 0 : i32
        %cond3A_74 = arith.cmpi ne, %convert_element_type3A_72, %cond3A_73 : i32
        scf.if %cond3A_74 {
          %add3A_95 = arith.addi %mul3A_0, %add3A_67 : i32
          %add3A_96 = arith.constant 1 : i32
          %add3A_97 = arith.addi %add3A_95, %add3A_96 : i32
          %dma_start3A_98 = arith.constant 0 : i32
          %dma_start3A_99 = tpu.memref_slice %arg3[%add3A_97, %dma_start3A_98] : memref<2880x112xi32, #tpu.memory_space<hbm>> -> memref<1x112xi32, #tpu.memory_space<hbm>>
          %dma_start3A_100 = tpu.memref_squeeze %dma_start3A_99 : memref<1x112xi32, #tpu.memory_space<hbm>> -> memref<112xi32, #tpu.memory_space<hbm>>
          %dma_start3A_101 = arith.constant 0 : i32
          %dma_start3A_102 = tpu.memref_slice %arg3[%add3A_97, %dma_start3A_101] : memref<2880x112xi32, #tpu.memory_space<hbm>> -> memref<1x112xi32, #tpu.memory_space<hbm>>
          %dma_start3A_103 = tpu.memref_squeeze %dma_start3A_102 : memref<1x112xi32, #tpu.memory_space<hbm>> -> memref<112xi32, #tpu.memory_space<hbm>>
          tpu.enqueue_dma source(%dma_start3A_103 : memref<112xi32, #tpu.memory_space<hbm>>) target(%arg8 : memref<112xi32, #tpu.memory_space<vmem>>) target_semaphore(%arg15 : memref<!tpu.dma_semaphore, #tpu.memory_space<semaphore_mem>>)
        } else {
        }
        %dma_wait3A_75 = arith.constant 0 : i32
        %dma_wait3A_76 = tpu.memref_slice %arg7[%add3A_67, %dma_wait3A_75] : memref<180x112xi32, #tpu.memory_space<vmem>> -> memref<1x112xi32, #tpu.memory_space<vmem>>
        %dma_wait3A_77 = tpu.memref_squeeze %dma_wait3A_76 : memref<1x112xi32, #tpu.memory_space<vmem>> -> memref<112xi32, #tpu.memory_space<vmem>>
        %dma_wait3A_78 = arith.constant 0 : i32
        %dma_wait3A_79 = arith.constant 0 : i32
        %dma_wait3A_80 = tpu.memref_slice %arg5[%dma_wait3A_78, %dma_wait3A_79] : memref<10112x128xf32, #tpu.memory_space<hbm>> -> memref<10112x128xf32, #tpu.memory_space<hbm>>
        tpu.wait_indirect_dma semaphore(%arg14 : memref<!tpu.dma_semaphore, #tpu.memory_space<semaphore_mem>>) src(%dma_wait3A_80 : memref<10112x128xf32, #tpu.memory_space<hbm>>) dst(%arg11 : memref<112x128xf32, #tpu.memory_space<vmem>>)
        %add3A_81 = arith.addi %mul3A_0, %add3A_67 : i32
        %dma_wait3A_82 = arith.constant 0 : i32
        %dma_wait3A_83 = tpu.memref_slice %arg3[%add3A_81, %dma_wait3A_82] : memref<2880x112xi32, #tpu.memory_space<hbm>> -> memref<1x112xi32, #tpu.memory_space<hbm>>
        %dma_wait3A_84 = tpu.memref_squeeze %dma_wait3A_83 : memref<1x112xi32, #tpu.memory_space<hbm>> -> memref<112xi32, #tpu.memory_space<hbm>>
        %dma_wait3A_85 = arith.constant 0 : i32
        %dma_wait3A_86 = tpu.memref_slice %arg3[%add3A_81, %dma_wait3A_85] : memref<2880x112xi32, #tpu.memory_space<hbm>> -> memref<1x112xi32, #tpu.memory_space<hbm>>
        %dma_wait3A_87 = tpu.memref_squeeze %dma_wait3A_86 : memref<1x112xi32, #tpu.memory_space<hbm>> -> memref<112xi32, #tpu.memory_space<hbm>>
        tpu.wait_dma2 semaphore(%arg16 : memref<!tpu.dma_semaphore, #tpu.memory_space<semaphore_mem>>) src(%dma_wait3A_87 : memref<112xi32, #tpu.memory_space<hbm>>) dst(%arg9 : memref<112xi32, #tpu.memory_space<vmem>>)
        "tpu.region"() ({
          %run_scoped3A = tpu.sem_alloc : memref<!tpu.dma_semaphore, #tpu.memory_space<semaphore_mem>>
          %dma_start3A_95 = arith.constant 0 : i32
          %dma_start3A_96 = arith.constant 0 : i32
          %dma_start3A_97 = tpu.memref_slice %arg12[%dma_start3A_95, %dma_start3A_96] : memref<10112x128xf32, #tpu.memory_space<vmem_shared>> -> memref<10112x128xf32, #tpu.memory_space<vmem_shared>>
          tpu.enqueue_indirect_dma source(%arg11 : memref<112x128xf32, #tpu.memory_space<vmem>>) target(%dma_start3A_97 : memref<10112x128xf32, #tpu.memory_space<vmem_shared>>) offsets(%arg9 : memref<112xi32, #tpu.memory_space<vmem>>) semaphore(%run_scoped3A : memref<!tpu.dma_semaphore, #tpu.memory_space<semaphore_mem>>) {add = true}
          %dma_wait3A_98 = arith.constant 0 : i32
          %dma_wait3A_99 = arith.constant 0 : i32
          %dma_wait3A_100 = tpu.memref_slice %arg12[%dma_wait3A_98, %dma_wait3A_99] : memref<10112x128xf32, #tpu.memory_space<vmem_shared>> -> memref<10112x128xf32, #tpu.memory_space<vmem_shared>>
          tpu.wait_indirect_dma semaphore(%run_scoped3A : memref<!tpu.dma_semaphore, #tpu.memory_space<semaphore_mem>>) src(%arg11 : memref<112x128xf32, #tpu.memory_space<vmem>>) dst(%dma_wait3A_100 : memref<10112x128xf32, #tpu.memory_space<vmem_shared>>)
          tpu.yield
        }) : () -> ()
        %add3A_88 = arith.constant 2 : i32
        %add3A_89 = arith.addi %add3A_67, %add3A_88 : i32
        %lt3A_90 = arith.constant 180 : i32
        %lt3A_91 = arith.cmpi slt, %add3A_89, %lt3A_90 : i32
        %convert_element_type3A_92 = arith.extui %lt3A_91 : i1 to i32
        %cond3A_93 = arith.constant 0 : i32
        %cond3A_94 = arith.cmpi ne, %convert_element_type3A_92, %cond3A_93 : i32
        scf.if %cond3A_94 {
          %add3A_95 = arith.constant 2 : i32
          %add3A_96 = arith.addi %add3A_67, %add3A_95 : i32
          %dma_start3A_97 = arith.constant 0 : i32
          %dma_start3A_98 = tpu.memref_slice %arg7[%add3A_96, %dma_start3A_97] : memref<180x112xi32, #tpu.memory_space<vmem>> -> memref<1x112xi32, #tpu.memory_space<vmem>>
          %dma_start3A_99 = tpu.memref_squeeze %dma_start3A_98 : memref<1x112xi32, #tpu.memory_space<vmem>> -> memref<112xi32, #tpu.memory_space<vmem>>
          %dma_start3A_100 = arith.constant 0 : i32
          %dma_start3A_101 = arith.constant 0 : i32
          %dma_start3A_102 = tpu.memref_slice %arg5[%dma_start3A_100, %dma_start3A_101] : memref<10112x128xf32, #tpu.memory_space<hbm>> -> memref<10112x128xf32, #tpu.memory_space<hbm>>
          tpu.enqueue_indirect_dma source(%dma_start3A_102 : memref<10112x128xf32, #tpu.memory_space<hbm>>) target(%arg11 : memref<112x128xf32, #tpu.memory_space<vmem>>) offsets(%dma_start3A_99 : memref<112xi32, #tpu.memory_space<vmem>>) semaphore(%arg14 : memref<!tpu.dma_semaphore, #tpu.memory_space<semaphore_mem>>)
        } else {
        }
      }
      %scan3A_32 = arith.constant 90 : i32
    } else {
    }
    %barrier3A_5 = arith.constant 0 : index
    tpu.barrier barrier_id(%barrier3A_5)
    %mul3A_6 = arith.constant 632 : i32
    %mul3A_7 = arith.muli %arg1, %mul3A_6 : i32
    %mul3A_8 = arith.constant 632 : i32
    %mul3A_9 = arith.muli %arg1, %mul3A_8 : i32
    "tpu.region"() ({
      %run_scoped3A = tpu.sem_alloc : memref<!tpu.dma_semaphore, #tpu.memory_space<semaphore_mem>>
      %dma_start3A = arith.constant 0 : i32
      %dma_start3A_10 = tpu.memref_slice %arg6[%arg0, %mul3A_9, %dma_start3A] : memref<2x10112x128xf32, #tpu.memory_space<hbm>> -> memref<1x632x128xf32, #tpu.memory_space<hbm>>
      %dma_start3A_11 = tpu.memref_squeeze %dma_start3A_10 : memref<1x632x128xf32, #tpu.memory_space<hbm>> -> memref<632x128xf32, #tpu.memory_space<hbm>>
      %dma_start3A_12 = arith.constant 0 : i32
      %dma_start3A_13 = tpu.memref_slice %arg12[%mul3A_7, %dma_start3A_12] : memref<10112x128xf32, #tpu.memory_space<vmem_shared>> -> memref<632x128xf32, #tpu.memory_space<vmem_shared>>
      tpu.enqueue_dma source(%dma_start3A_13 : memref<632x128xf32, #tpu.memory_space<vmem_shared>>) target(%dma_start3A_11 : memref<632x128xf32, #tpu.memory_space<hbm>>) target_semaphore(%run_scoped3A : memref<!tpu.dma_semaphore, #tpu.memory_space<semaphore_mem>>)
      %dma_wait3A = arith.constant 0 : i32
      %dma_wait3A_14 = tpu.memref_slice %arg6[%arg0, %mul3A_9, %dma_wait3A] : memref<2x10112x128xf32, #tpu.memory_space<hbm>> -> memref<1x632x128xf32, #tpu.memory_space<hbm>>
      %dma_wait3A_15 = tpu.memref_squeeze %dma_wait3A_14 : memref<1x632x128xf32, #tpu.memory_space<hbm>> -> memref<632x128xf32, #tpu.memory_space<hbm>>
      %dma_wait3A_16 = arith.constant 0 : i32
      %dma_wait3A_17 = tpu.memref_slice %arg12[%mul3A_7, %dma_wait3A_16] : memref<10112x128xf32, #tpu.memory_space<vmem_shared>> -> memref<632x128xf32, #tpu.memory_space<vmem_shared>>
      tpu.wait_dma2 semaphore(%run_scoped3A : memref<!tpu.dma_semaphore, #tpu.memory_space<semaphore_mem>>) src(%dma_wait3A_17 : memref<632x128xf32, #tpu.memory_space<vmem_shared>>) dst(%dma_wait3A_15 : memref<632x128xf32, #tpu.memory_space<hbm>>)
      tpu.yield
    }) : () -> ()
    return
  }
}

#map = affine_map<(d0, d1) -> (0, 0)>
#map1 = affine_map<(d0, d1) -> (0, 0, 0)>
module attributes {stable_mosaic.version = 14 : i64} {
  func.func @agg(%arg0: i32, %arg1: i32, %arg2: memref<2880x112xi32, #tpu.memory_space<hbm>>, %arg3: memref<2880x112xi32, #tpu.memory_space<hbm>>, %arg4: memref<632x128xf32, #tpu.memory_space<hbm>>, %arg5: memref<10112x128xf32, #tpu.memory_space<hbm>>, %arg6: memref<2x10112x128xf32, #tpu.memory_space<hbm>>, %arg7: memref<180x112xi32, #tpu.memory_space<vmem>>, %arg8: memref<112xi32, #tpu.memory_space<vmem>>, %arg9: memref<112xi32, #tpu.memory_space<vmem>>, %arg10: memref<112x128xf32, #tpu.memory_space<vmem>>, %arg11: memref<112x128xf32, #tpu.memory_space<vmem>>, %arg12: memref<10112x128xf32, #tpu.memory_space<vmem_shared>>, %arg13: memref<!tpu.dma_semaphore, #tpu.memory_space<semaphore_mem>>, %arg14: memref<!tpu.dma_semaphore, #tpu.memory_space<semaphore_mem>>, %arg15: memref<!tpu.dma_semaphore, #tpu.memory_space<semaphore_mem>>, %arg16: memref<!tpu.dma_semaphore, #tpu.memory_space<semaphore_mem>>) attributes {dimension_semantics = [#tpu.dimension_semantics<core_parallel>, #tpu.dimension_semantics<subcore_parallel>], iteration_bounds = array<i64: 2, 16>, scalar_prefetch = 0 : i64, scratch_operands = 10 : i64, tpu.core_type = #tpu.core_type<sc_vector_subcore>, window_params = [{transform_indices = #map}, {transform_indices = #map}, {transform_indices = #map}, {transform_indices = #map}, {transform_indices = #map1}]} {
    %mul3A = arith.constant 180 : i32
    %mul3A_0 = arith.muli %arg1, %mul3A : i32
    "tpu.region"() ({
      %run_scoped3A = tpu.sem_alloc : memref<!tpu.dma_semaphore, #tpu.memory_space<semaphore_mem>>
      %dma_start3A = arith.constant 0 : i32
      %dma_start3A_10 = tpu.memref_slice %arg2[%mul3A_0, %dma_start3A] : memref<2880x112xi32, #tpu.memory_space<hbm>> -> memref<180x112xi32, #tpu.memory_space<hbm>>
      %dma_start3A_11 = arith.constant 0 : i32
      %dma_start3A_12 = tpu.memref_slice %arg2[%mul3A_0, %dma_start3A_11] : memref<2880x112xi32, #tpu.memory_space<hbm>> -> memref<180x112xi32, #tpu.memory_space<hbm>>
      tpu.enqueue_dma source(%dma_start3A_12 : memref<180x112xi32, #tpu.memory_space<hbm>>) target(%arg7 : memref<180x112xi32, #tpu.memory_space<vmem>>) target_semaphore(%run_scoped3A : memref<!tpu.dma_semaphore, #tpu.memory_space<semaphore_mem>>)
      %dma_wait3A = arith.constant 0 : i32
      %dma_wait3A_13 = tpu.memref_slice %arg2[%mul3A_0, %dma_wait3A] : memref<2880x112xi32, #tpu.memory_space<hbm>> -> memref<180x112xi32, #tpu.memory_space<hbm>>
      %dma_wait3A_14 = arith.constant 0 : i32
      %dma_wait3A_15 = tpu.memref_slice %arg2[%mul3A_0, %dma_wait3A_14] : memref<2880x112xi32, #tpu.memory_space<hbm>> -> memref<180x112xi32, #tpu.memory_space<hbm>>
      tpu.wait_dma2 semaphore(%run_scoped3A : memref<!tpu.dma_semaphore, #tpu.memory_space<semaphore_mem>>) src(%dma_wait3A_15 : memref<180x112xi32, #tpu.memory_space<hbm>>) dst(%arg7 : memref<180x112xi32, #tpu.memory_space<vmem>>)
      tpu.yield
    }) : () -> ()
    %mul3A_1 = arith.constant 632 : i32
    %mul3A_2 = arith.muli %arg1, %mul3A_1 : i32
    "tpu.region"() ({
      %run_scoped3A = tpu.sem_alloc : memref<!tpu.dma_semaphore, #tpu.memory_space<semaphore_mem>>
      %dma_start3A = arith.constant 0 : i32
      %dma_start3A_10 = tpu.memref_slice %arg12[%mul3A_2, %dma_start3A] : memref<10112x128xf32, #tpu.memory_space<vmem_shared>> -> memref<632x128xf32, #tpu.memory_space<vmem_shared>>
      tpu.enqueue_dma source(%arg4 : memref<632x128xf32, #tpu.memory_space<hbm>>) target(%dma_start3A_10 : memref<632x128xf32, #tpu.memory_space<vmem_shared>>) target_semaphore(%run_scoped3A : memref<!tpu.dma_semaphore, #tpu.memory_space<semaphore_mem>>)
      %dma_wait3A = arith.constant 0 : i32
      %dma_wait3A_11 = tpu.memref_slice %arg12[%mul3A_2, %dma_wait3A] : memref<10112x128xf32, #tpu.memory_space<vmem_shared>> -> memref<632x128xf32, #tpu.memory_space<vmem_shared>>
      tpu.wait_dma2 semaphore(%run_scoped3A : memref<!tpu.dma_semaphore, #tpu.memory_space<semaphore_mem>>) src(%arg4 : memref<632x128xf32, #tpu.memory_space<hbm>>) dst(%dma_wait3A_11 : memref<632x128xf32, #tpu.memory_space<vmem_shared>>)
      tpu.yield
    }) : () -> ()
    %barrier3A = arith.constant 0 : index
    tpu.barrier barrier_id(%barrier3A)
    %eq3A = arith.constant 0 : i32
    %eq3A_3 = arith.cmpi eq, %arg0, %eq3A : i32
    %convert_element_type3A = arith.extui %eq3A_3 : i1 to i32
    %cond3A = arith.constant 0 : i32
    %cond3A_4 = arith.cmpi ne, %convert_element_type3A, %cond3A : i32
    scf.if %cond3A_4 {
      %dma_start3A = arith.constant 0 : i32
      %dma_start3A_10 = tpu.memref_slice %arg3[%mul3A_0, %dma_start3A] : memref<2880x112xi32, #tpu.memory_space<hbm>> -> memref<1x112xi32, #tpu.memory_space<hbm>>
      %dma_start3A_11 = tpu.memref_squeeze %dma_start3A_10 : memref<1x112xi32, #tpu.memory_space<hbm>> -> memref<112xi32, #tpu.memory_space<hbm>>
      %dma_start3A_12 = arith.constant 0 : i32
      %dma_start3A_13 = tpu.memref_slice %arg3[%mul3A_0, %dma_start3A_12] : memref<2880x112xi32, #tpu.memory_space<hbm>> -> memref<1x112xi32, #tpu.memory_space<hbm>>
      %dma_start3A_14 = tpu.memref_squeeze %dma_start3A_13 : memref<1x112xi32, #tpu.memory_space<hbm>> -> memref<112xi32, #tpu.memory_space<hbm>>
      tpu.enqueue_dma source(%dma_start3A_14 : memref<112xi32, #tpu.memory_space<hbm>>) target(%arg8 : memref<112xi32, #tpu.memory_space<vmem>>) target_semaphore(%arg15 : memref<!tpu.dma_semaphore, #tpu.memory_space<semaphore_mem>>)
      %dma_start3A_15 = arith.constant 0 : i32
      %dma_start3A_16 = arith.constant 0 : i32
      %dma_start3A_17 = tpu.memref_slice %arg7[%dma_start3A_15, %dma_start3A_16] : memref<180x112xi32, #tpu.memory_space<vmem>> -> memref<1x112xi32, #tpu.memory_space<vmem>>
      %dma_start3A_18 = tpu.memref_squeeze %dma_start3A_17 : memref<1x112xi32, #tpu.memory_space<vmem>> -> memref<112xi32, #tpu.memory_space<vmem>>
      %dma_start3A_19 = arith.constant 0 : i32
      %dma_start3A_20 = arith.constant 0 : i32
      %dma_start3A_21 = tpu.memref_slice %arg5[%dma_start3A_19, %dma_start3A_20] : memref<10112x128xf32, #tpu.memory_space<hbm>> -> memref<10112x128xf32, #tpu.memory_space<hbm>>
      tpu.enqueue_indirect_dma source(%dma_start3A_21 : memref<10112x128xf32, #tpu.memory_space<hbm>>) target(%arg10 : memref<112x128xf32, #tpu.memory_space<vmem>>) offsets(%dma_start3A_18 : memref<112xi32, #tpu.memory_space<vmem>>) semaphore(%arg13 : memref<!tpu.dma_semaphore, #tpu.memory_space<semaphore_mem>>)
      %dma_start3A_22 = arith.constant 1 : i32
      %dma_start3A_23 = arith.constant 0 : i32
      %dma_start3A_24 = tpu.memref_slice %arg7[%dma_start3A_22, %dma_start3A_23] : memref<180x112xi32, #tpu.memory_space<vmem>> -> memref<1x112xi32, #tpu.memory_space<vmem>>
      %dma_start3A_25 = tpu.memref_squeeze %dma_start3A_24 : memref<1x112xi32, #tpu.memory_space<vmem>> -> memref<112xi32, #tpu.memory_space<vmem>>
      %dma_start3A_26 = arith.constant 0 : i32
      %dma_start3A_27 = arith.constant 0 : i32
      %dma_start3A_28 = tpu.memref_slice %arg5[%dma_start3A_26, %dma_start3A_27] : memref<10112x128xf32, #tpu.memory_space<hbm>> -> memref<10112x128xf32, #tpu.memory_space<hbm>>
      tpu.enqueue_indirect_dma source(%dma_start3A_28 : memref<10112x128xf32, #tpu.memory_space<hbm>>) target(%arg11 : memref<112x128xf32, #tpu.memory_space<vmem>>) offsets(%dma_start3A_25 : memref<112xi32, #tpu.memory_space<vmem>>) semaphore(%arg14 : memref<!tpu.dma_semaphore, #tpu.memory_space<semaphore_mem>>)
      %scan3A = arith.constant 0 : i32
      %scan3A_29 = arith.constant 90 : i32
      %scan3A_30 = arith.addi %scan3A, %scan3A_29 : i32
      %scan3A_31 = arith.constant 1 : i32
      scf.for %scan3A_33 = %scan3A to %scan3A_30 step %scan3A_31  : i32 {
        %mul3A_34 = arith.constant 1 : i32
        %mul3A_35 = arith.muli %scan3A_33, %mul3A_34 : i32
        %add3A = arith.constant 0 : i32
        %add3A_36 = arith.addi %add3A, %mul3A_35 : i32
        %mul3A_37 = arith.constant 2 : i32
        %mul3A_38 = arith.muli %add3A_36, %mul3A_37 : i32
        %add3A_39 = arith.constant 0 : i32
        %add3A_40 = arith.addi %mul3A_38, %add3A_39 : i32
        %add3A_41 = arith.constant 1 : i32
        %add3A_42 = arith.addi %add3A_40, %add3A_41 : i32
        %lt3A = arith.constant 180 : i32
        %lt3A_43 = arith.cmpi slt, %add3A_42, %lt3A : i32
        %convert_element_type3A_44 = arith.extui %lt3A_43 : i1 to i32
        %cond3A_45 = arith.constant 0 : i32
        %cond3A_46 = arith.cmpi ne, %convert_element_type3A_44, %cond3A_45 : i32
        scf.if %cond3A_46 {
          %add3A_95 = arith.addi %mul3A_0, %add3A_40 : i32
          %add3A_96 = arith.constant 1 : i32
          %add3A_97 = arith.addi %add3A_95, %add3A_96 : i32
          %dma_start3A_98 = arith.constant 0 : i32
          %dma_start3A_99 = tpu.memref_slice %arg3[%add3A_97, %dma_start3A_98] : memref<2880x112xi32, #tpu.memory_space<hbm>> -> memref<1x112xi32, #tpu.memory_space<hbm>>
          %dma_start3A_100 = tpu.memref_squeeze %dma_start3A_99 : memref<1x112xi32, #tpu.memory_space<hbm>> -> memref<112xi32, #tpu.memory_space<hbm>>
          %dma_start3A_101 = arith.constant 0 : i32
          %dma_start3A_102 = tpu.memref_slice %arg3[%add3A_97, %dma_start3A_101] : memref<2880x112xi32, #tpu.memory_space<hbm>> -> memref<1x112xi32, #tpu.memory_space<hbm>>
          %dma_start3A_103 = tpu.memref_squeeze %dma_start3A_102 : memref<1x112xi32, #tpu.memory_space<hbm>> -> memref<112xi32, #tpu.memory_space<hbm>>
          tpu.enqueue_dma source(%dma_start3A_103 : memref<112xi32, #tpu.memory_space<hbm>>) target(%arg9 : memref<112xi32, #tpu.memory_space<vmem>>) target_semaphore(%arg16 : memref<!tpu.dma_semaphore, #tpu.memory_space<semaphore_mem>>)
        } else {
        }
        %dma_wait3A = arith.constant 0 : i32
        %dma_wait3A_47 = tpu.memref_slice %arg7[%add3A_40, %dma_wait3A] : memref<180x112xi32, #tpu.memory_space<vmem>> -> memref<1x112xi32, #tpu.memory_space<vmem>>
        %dma_wait3A_48 = tpu.memref_squeeze %dma_wait3A_47 : memref<1x112xi32, #tpu.memory_space<vmem>> -> memref<112xi32, #tpu.memory_space<vmem>>
        %dma_wait3A_49 = arith.constant 0 : i32
        %dma_wait3A_50 = arith.constant 0 : i32
        %dma_wait3A_51 = tpu.memref_slice %arg5[%dma_wait3A_49, %dma_wait3A_50] : memref<10112x128xf32, #tpu.memory_space<hbm>> -> memref<10112x128xf32, #tpu.memory_space<hbm>>
        tpu.wait_indirect_dma semaphore(%arg13 : memref<!tpu.dma_semaphore, #tpu.memory_space<semaphore_mem>>) src(%dma_wait3A_51 : memref<10112x128xf32, #tpu.memory_space<hbm>>) dst(%arg10 : memref<112x128xf32, #tpu.memory_space<vmem>>)
        %add3A_52 = arith.addi %mul3A_0, %add3A_40 : i32
        %dma_wait3A_53 = arith.constant 0 : i32
        %dma_wait3A_54 = tpu.memref_slice %arg3[%add3A_52, %dma_wait3A_53] : memref<2880x112xi32, #tpu.memory_space<hbm>> -> memref<1x112xi32, #tpu.memory_space<hbm>>
        %dma_wait3A_55 = tpu.memref_squeeze %dma_wait3A_54 : memref<1x112xi32, #tpu.memory_space<hbm>> -> memref<112xi32, #tpu.memory_space<hbm>>
        %dma_wait3A_56 = arith.constant 0 : i32
        %dma_wait3A_57 = tpu.memref_slice %arg3[%add3A_52, %dma_wait3A_56] : memref<2880x112xi32, #tpu.memory_space<hbm>> -> memref<1x112xi32, #tpu.memory_space<hbm>>
        %dma_wait3A_58 = tpu.memref_squeeze %dma_wait3A_57 : memref<1x112xi32, #tpu.memory_space<hbm>> -> memref<112xi32, #tpu.memory_space<hbm>>
        tpu.wait_dma2 semaphore(%arg15 : memref<!tpu.dma_semaphore, #tpu.memory_space<semaphore_mem>>) src(%dma_wait3A_58 : memref<112xi32, #tpu.memory_space<hbm>>) dst(%arg8 : memref<112xi32, #tpu.memory_space<vmem>>)
        "tpu.region"() ({
          %run_scoped3A = tpu.sem_alloc : memref<!tpu.dma_semaphore, #tpu.memory_space<semaphore_mem>>
          %dma_start3A_95 = arith.constant 0 : i32
          %dma_start3A_96 = arith.constant 0 : i32
          %dma_start3A_97 = tpu.memref_slice %arg12[%dma_start3A_95, %dma_start3A_96] : memref<10112x128xf32, #tpu.memory_space<vmem_shared>> -> memref<10112x128xf32, #tpu.memory_space<vmem_shared>>
          tpu.enqueue_indirect_dma source(%arg10 : memref<112x128xf32, #tpu.memory_space<vmem>>) target(%dma_start3A_97 : memref<10112x128xf32, #tpu.memory_space<vmem_shared>>) offsets(%arg8 : memref<112xi32, #tpu.memory_space<vmem>>) semaphore(%run_scoped3A : memref<!tpu.dma_semaphore, #tpu.memory_space<semaphore_mem>>) {add = true}
          %dma_wait3A_98 = arith.constant 0 : i32
          %dma_wait3A_99 = arith.constant 0 : i32
          %dma_wait3A_100 = tpu.memref_slice %arg12[%dma_wait3A_98, %dma_wait3A_99] : memref<10112x128xf32, #tpu.memory_space<vmem_shared>> -> memref<10112x128xf32, #tpu.memory_space<vmem_shared>>
          tpu.wait_indirect_dma semaphore(%run_scoped3A : memref<!tpu.dma_semaphore, #tpu.memory_space<semaphore_mem>>) src(%arg10 : memref<112x128xf32, #tpu.memory_space<vmem>>) dst(%dma_wait3A_100 : memref<10112x128xf32, #tpu.memory_space<vmem_shared>>)
          tpu.yield
        }) : () -> ()
        %add3A_59 = arith.constant 2 : i32
        %add3A_60 = arith.addi %add3A_40, %add3A_59 : i32
        %lt3A_61 = arith.constant 180 : i32
        %lt3A_62 = arith.cmpi slt, %add3A_60, %lt3A_61 : i32
        %convert_element_type3A_63 = arith.extui %lt3A_62 : i1 to i32
        %cond3A_64 = arith.constant 0 : i32
        %cond3A_65 = arith.cmpi ne, %convert_element_type3A_63, %cond3A_64 : i32
        scf.if %cond3A_65 {
          %add3A_95 = arith.constant 2 : i32
          %add3A_96 = arith.addi %add3A_40, %add3A_95 : i32
          %dma_start3A_97 = arith.constant 0 : i32
          %dma_start3A_98 = tpu.memref_slice %arg7[%add3A_96, %dma_start3A_97] : memref<180x112xi32, #tpu.memory_space<vmem>> -> memref<1x112xi32, #tpu.memory_space<vmem>>
          %dma_start3A_99 = tpu.memref_squeeze %dma_start3A_98 : memref<1x112xi32, #tpu.memory_space<vmem>> -> memref<112xi32, #tpu.memory_space<vmem>>
          %dma_start3A_100 = arith.constant 0 : i32
          %dma_start3A_101 = arith.constant 0 : i32
          %dma_start3A_102 = tpu.memref_slice %arg5[%dma_start3A_100, %dma_start3A_101] : memref<10112x128xf32, #tpu.memory_space<hbm>> -> memref<10112x128xf32, #tpu.memory_space<hbm>>
          tpu.enqueue_indirect_dma source(%dma_start3A_102 : memref<10112x128xf32, #tpu.memory_space<hbm>>) target(%arg10 : memref<112x128xf32, #tpu.memory_space<vmem>>) offsets(%dma_start3A_99 : memref<112xi32, #tpu.memory_space<vmem>>) semaphore(%arg13 : memref<!tpu.dma_semaphore, #tpu.memory_space<semaphore_mem>>)
        } else {
        }
        %add3A_66 = arith.constant 1 : i32
        %add3A_67 = arith.addi %mul3A_38, %add3A_66 : i32
        %add3A_68 = arith.constant 1 : i32
        %add3A_69 = arith.addi %add3A_67, %add3A_68 : i32
        %lt3A_70 = arith.constant 180 : i32
        %lt3A_71 = arith.cmpi slt, %add3A_69, %lt3A_70 : i32
        %convert_element_type3A_72 = arith.extui %lt3A_71 : i1 to i32
        %cond3A_73 = arith.constant 0 : i32
        %cond3A_74 = arith.cmpi ne, %convert_element_type3A_72, %cond3A_73 : i32
        scf.if %cond3A_74 {
          %add3A_95 = arith.addi %mul3A_0, %add3A_67 : i32
          %add3A_96 = arith.constant 1 : i32
          %add3A_97 = arith.addi %add3A_95, %add3A_96 : i32
          %dma_start3A_98 = arith.constant 0 : i32
          %dma_start3A_99 = tpu.memref_slice %arg3[%add3A_97, %dma_start3A_98] : memref<2880x112xi32, #tpu.memory_space<hbm>> -> memref<1x112xi32, #tpu.memory_space<hbm>>
          %dma_start3A_100 = tpu.memref_squeeze %dma_start3A_99 : memref<1x112xi32, #tpu.memory_space<hbm>> -> memref<112xi32, #tpu.memory_space<hbm>>
          %dma_start3A_101 = arith.constant 0 : i32
          %dma_start3A_102 = tpu.memref_slice %arg3[%add3A_97, %dma_start3A_101] : memref<2880x112xi32, #tpu.memory_space<hbm>> -> memref<1x112xi32, #tpu.memory_space<hbm>>
          %dma_start3A_103 = tpu.memref_squeeze %dma_start3A_102 : memref<1x112xi32, #tpu.memory_space<hbm>> -> memref<112xi32, #tpu.memory_space<hbm>>
          tpu.enqueue_dma source(%dma_start3A_103 : memref<112xi32, #tpu.memory_space<hbm>>) target(%arg8 : memref<112xi32, #tpu.memory_space<vmem>>) target_semaphore(%arg15 : memref<!tpu.dma_semaphore, #tpu.memory_space<semaphore_mem>>)
        } else {
        }
        %dma_wait3A_75 = arith.constant 0 : i32
        %dma_wait3A_76 = tpu.memref_slice %arg7[%add3A_67, %dma_wait3A_75] : memref<180x112xi32, #tpu.memory_space<vmem>> -> memref<1x112xi32, #tpu.memory_space<vmem>>
        %dma_wait3A_77 = tpu.memref_squeeze %dma_wait3A_76 : memref<1x112xi32, #tpu.memory_space<vmem>> -> memref<112xi32, #tpu.memory_space<vmem>>
        %dma_wait3A_78 = arith.constant 0 : i32
        %dma_wait3A_79 = arith.constant 0 : i32
        %dma_wait3A_80 = tpu.memref_slice %arg5[%dma_wait3A_78, %dma_wait3A_79] : memref<10112x128xf32, #tpu.memory_space<hbm>> -> memref<10112x128xf32, #tpu.memory_space<hbm>>
        tpu.wait_indirect_dma semaphore(%arg14 : memref<!tpu.dma_semaphore, #tpu.memory_space<semaphore_mem>>) src(%dma_wait3A_80 : memref<10112x128xf32, #tpu.memory_space<hbm>>) dst(%arg11 : memref<112x128xf32, #tpu.memory_space<vmem>>)
        %add3A_81 = arith.addi %mul3A_0, %add3A_67 : i32
        %dma_wait3A_82 = arith.constant 0 : i32
        %dma_wait3A_83 = tpu.memref_slice %arg3[%add3A_81, %dma_wait3A_82] : memref<2880x112xi32, #tpu.memory_space<hbm>> -> memref<1x112xi32, #tpu.memory_space<hbm>>
        %dma_wait3A_84 = tpu.memref_squeeze %dma_wait3A_83 : memref<1x112xi32, #tpu.memory_space<hbm>> -> memref<112xi32, #tpu.memory_space<hbm>>
        %dma_wait3A_85 = arith.constant 0 : i32
        %dma_wait3A_86 = tpu.memref_slice %arg3[%add3A_81, %dma_wait3A_85] : memref<2880x112xi32, #tpu.memory_space<hbm>> -> memref<1x112xi32, #tpu.memory_space<hbm>>
        %dma_wait3A_87 = tpu.memref_squeeze %dma_wait3A_86 : memref<1x112xi32, #tpu.memory_space<hbm>> -> memref<112xi32, #tpu.memory_space<hbm>>
        tpu.wait_dma2 semaphore(%arg16 : memref<!tpu.dma_semaphore, #tpu.memory_space<semaphore_mem>>) src(%dma_wait3A_87 : memref<112xi32, #tpu.memory_space<hbm>>) dst(%arg9 : memref<112xi32, #tpu.memory_space<vmem>>)
        "tpu.region"() ({
          %run_scoped3A = tpu.sem_alloc : memref<!tpu.dma_semaphore, #tpu.memory_space<semaphore_mem>>
          %dma_start3A_95 = arith.constant 0 : i32
          %dma_start3A_96 = arith.constant 0 : i32
          %dma_start3A_97 = tpu.memref_slice %arg12[%dma_start3A_95, %dma_start3A_96] : memref<10112x128xf32, #tpu.memory_space<vmem_shared>> -> memref<10112x128xf32, #tpu.memory_space<vmem_shared>>
          tpu.enqueue_indirect_dma source(%arg11 : memref<112x128xf32, #tpu.memory_space<vmem>>) target(%dma_start3A_97 : memref<10112x128xf32, #tpu.memory_space<vmem_shared>>) offsets(%arg9 : memref<112xi32, #tpu.memory_space<vmem>>) semaphore(%run_scoped3A : memref<!tpu.dma_semaphore, #tpu.memory_space<semaphore_mem>>) {add = true}
          %dma_wait3A_98 = arith.constant 0 : i32
          %dma_wait3A_99 = arith.constant 0 : i32
          %dma_wait3A_100 = tpu.memref_slice %arg12[%dma_wait3A_98, %dma_wait3A_99] : memref<10112x128xf32, #tpu.memory_space<vmem_shared>> -> memref<10112x128xf32, #tpu.memory_space<vmem_shared>>
          tpu.wait_indirect_dma semaphore(%run_scoped3A : memref<!tpu.dma_semaphore, #tpu.memory_space<semaphore_mem>>) src(%arg11 : memref<112x128xf32, #tpu.memory_space<vmem>>) dst(%dma_wait3A_100 : memref<10112x128xf32, #tpu.memory_space<vmem_shared>>)
          tpu.yield
        }) : () -> ()
        %add3A_88 = arith.constant 2 : i32
        %add3A_89 = arith.addi %add3A_67, %add3A_88 : i32
        %lt3A_90 = arith.constant 180 : i32
        %lt3A_91 = arith.cmpi slt, %add3A_89, %lt3A_90 : i32
        %convert_element_type3A_92 = arith.extui %lt3A_91 : i1 to i32
        %cond3A_93 = arith.constant 0 : i32
        %cond3A_94 = arith.cmpi ne, %convert_element_type3A_92, %cond3A_93 : i32
        scf.if %cond3A_94 {
          %add3A_95 = arith.constant 2 : i32
          %add3A_96 = arith.addi %add3A_67, %add3A_95 : i32
          %dma_start3A_97 = arith.constant 0 : i32
          %dma_start3A_98 = tpu.memref_slice %arg7[%add3A_96, %dma_start3A_97] : memref<180x112xi32, #tpu.memory_space<vmem>> -> memref<1x112xi32, #tpu.memory_space<vmem>>
          %dma_start3A_99 = tpu.memref_squeeze %dma_start3A_98 : memref<1x112xi32, #tpu.memory_space<vmem>> -> memref<112xi32, #tpu.memory_space<vmem>>
          %dma_start3A_100 = arith.constant 0 : i32
          %dma_start3A_101 = arith.constant 0 : i32
          %dma_start3A_102 = tpu.memref_slice %arg5[%dma_start3A_100, %dma_start3A_101] : memref<10112x128xf32, #tpu.memory_space<hbm>> -> memref<10112x128xf32, #tpu.memory_space<hbm>>
          tpu.enqueue_indirect_dma source(%dma_start3A_102 : memref<10112x128xf32, #tpu.memory_space<hbm>>) target(%arg11 : memref<112x128xf32, #tpu.memory_space<vmem>>) offsets(%dma_start3A_99 : memref<112xi32, #tpu.memory_space<vmem>>) semaphore(%arg14 : memref<!tpu.dma_semaphore, #tpu.memory_space<semaphore_mem>>)
        } else {
        }
      }
      %scan3A_32 = arith.constant 90 : i32
    } else {
    }
    %barrier3A_5 = arith.constant 0 : index
    tpu.barrier barrier_id(%barrier3A_5)
    %mul3A_6 = arith.constant 632 : i32
    %mul3A_7 = arith.muli %arg1, %mul3A_6 : i32
    %mul3A_8 = arith.constant 632 : i32
    %mul3A_9 = arith.muli %arg1, %mul3A_8 : i32
    "tpu.region"() ({
      %run_scoped3A = tpu.sem_alloc : memref<!tpu.dma_semaphore, #tpu.memory_space<semaphore_mem>>
      %dma_start3A = arith.constant 0 : i32
      %dma_start3A_10 = tpu.memref_slice %arg6[%arg0, %mul3A_9, %dma_start3A] : memref<2x10112x128xf32, #tpu.memory_space<hbm>> -> memref<1x632x128xf32, #tpu.memory_space<hbm>>
      %dma_start3A_11 = tpu.memref_squeeze %dma_start3A_10 : memref<1x632x128xf32, #tpu.memory_space<hbm>> -> memref<632x128xf32, #tpu.memory_space<hbm>>
      %dma_start3A_12 = arith.constant 0 : i32
      %dma_start3A_13 = tpu.memref_slice %arg12[%mul3A_7, %dma_start3A_12] : memref<10112x128xf32, #tpu.memory_space<vmem_shared>> -> memref<632x128xf32, #tpu.memory_space<vmem_shared>>
      tpu.enqueue_dma source(%dma_start3A_13 : memref<632x128xf32, #tpu.memory_space<vmem_shared>>) target(%dma_start3A_11 : memref<632x128xf32, #tpu.memory_space<hbm>>) target_semaphore(%run_scoped3A : memref<!tpu.dma_semaphore, #tpu.memory_space<semaphore_mem>>)
      %dma_wait3A = arith.constant 0 : i32
      %dma_wait3A_14 = tpu.memref_slice %arg6[%arg0, %mul3A_9, %dma_wait3A] : memref<2x10112x128xf32, #tpu.memory_space<hbm>> -> memref<1x632x128xf32, #tpu.memory_space<hbm>>
      %dma_wait3A_15 = tpu.memref_squeeze %dma_wait3A_14 : memref<1x632x128xf32, #tpu.memory_space<hbm>> -> memref<632x128xf32, #tpu.memory_space<hbm>>
      %dma_wait3A_16 = arith.constant 0 : i32
      %dma_wait3A_17 = tpu.memref_slice %arg12[%mul3A_7, %dma_wait3A_16] : memref<10112x128xf32, #tpu.memory_space<vmem_shared>> -> memref<632x128xf32, #tpu.memory_space<vmem_shared>>
      tpu.wait_dma2 semaphore(%run_scoped3A : memref<!tpu.dma_semaphore, #tpu.memory_space<semaphore_mem>>) src(%dma_wait3A_17 : memref<632x128xf32, #tpu.memory_space<vmem_shared>>) dst(%dma_wait3A_15 : memref<632x128xf32, #tpu.memory_space<hbm>>)
      tpu.yield
    }) : () -> ()
    return
  }
}

#map = affine_map<(d0, d1) -> (0, 0)>
#map1 = affine_map<(d0, d1) -> (0, 0, 0)>
module attributes {stable_mosaic.version = 14 : i64} {
  func.func @agg(%arg0: i32, %arg1: i32, %arg2: memref<2880x112xi32, #tpu.memory_space<hbm>>, %arg3: memref<2880x112xi32, #tpu.memory_space<hbm>>, %arg4: memref<632x64xf32, #tpu.memory_space<hbm>>, %arg5: memref<10112x64xf32, #tpu.memory_space<hbm>>, %arg6: memref<2x10112x64xf32, #tpu.memory_space<hbm>>, %arg7: memref<180x112xi32, #tpu.memory_space<vmem>>, %arg8: memref<112xi32, #tpu.memory_space<vmem>>, %arg9: memref<112xi32, #tpu.memory_space<vmem>>, %arg10: memref<112x64xf32, #tpu.memory_space<vmem>>, %arg11: memref<112x64xf32, #tpu.memory_space<vmem>>, %arg12: memref<10112x64xf32, #tpu.memory_space<vmem_shared>>, %arg13: memref<!tpu.dma_semaphore, #tpu.memory_space<semaphore_mem>>, %arg14: memref<!tpu.dma_semaphore, #tpu.memory_space<semaphore_mem>>, %arg15: memref<!tpu.dma_semaphore, #tpu.memory_space<semaphore_mem>>, %arg16: memref<!tpu.dma_semaphore, #tpu.memory_space<semaphore_mem>>) attributes {dimension_semantics = [#tpu.dimension_semantics<core_parallel>, #tpu.dimension_semantics<subcore_parallel>], iteration_bounds = array<i64: 2, 16>, scalar_prefetch = 0 : i64, scratch_operands = 10 : i64, tpu.core_type = #tpu.core_type<sc_vector_subcore>, window_params = [{transform_indices = #map}, {transform_indices = #map}, {transform_indices = #map}, {transform_indices = #map}, {transform_indices = #map1}]} {
    %mul3A = arith.constant 180 : i32
    %mul3A_0 = arith.muli %arg1, %mul3A : i32
    "tpu.region"() ({
      %run_scoped3A = tpu.sem_alloc : memref<!tpu.dma_semaphore, #tpu.memory_space<semaphore_mem>>
      %dma_start3A = arith.constant 0 : i32
      %dma_start3A_10 = tpu.memref_slice %arg2[%mul3A_0, %dma_start3A] : memref<2880x112xi32, #tpu.memory_space<hbm>> -> memref<180x112xi32, #tpu.memory_space<hbm>>
      %dma_start3A_11 = arith.constant 0 : i32
      %dma_start3A_12 = tpu.memref_slice %arg2[%mul3A_0, %dma_start3A_11] : memref<2880x112xi32, #tpu.memory_space<hbm>> -> memref<180x112xi32, #tpu.memory_space<hbm>>
      tpu.enqueue_dma source(%dma_start3A_12 : memref<180x112xi32, #tpu.memory_space<hbm>>) target(%arg7 : memref<180x112xi32, #tpu.memory_space<vmem>>) target_semaphore(%run_scoped3A : memref<!tpu.dma_semaphore, #tpu.memory_space<semaphore_mem>>)
      %dma_wait3A = arith.constant 0 : i32
      %dma_wait3A_13 = tpu.memref_slice %arg2[%mul3A_0, %dma_wait3A] : memref<2880x112xi32, #tpu.memory_space<hbm>> -> memref<180x112xi32, #tpu.memory_space<hbm>>
      %dma_wait3A_14 = arith.constant 0 : i32
      %dma_wait3A_15 = tpu.memref_slice %arg2[%mul3A_0, %dma_wait3A_14] : memref<2880x112xi32, #tpu.memory_space<hbm>> -> memref<180x112xi32, #tpu.memory_space<hbm>>
      tpu.wait_dma2 semaphore(%run_scoped3A : memref<!tpu.dma_semaphore, #tpu.memory_space<semaphore_mem>>) src(%dma_wait3A_15 : memref<180x112xi32, #tpu.memory_space<hbm>>) dst(%arg7 : memref<180x112xi32, #tpu.memory_space<vmem>>)
      tpu.yield
    }) : () -> ()
    %mul3A_1 = arith.constant 632 : i32
    %mul3A_2 = arith.muli %arg1, %mul3A_1 : i32
    "tpu.region"() ({
      %run_scoped3A = tpu.sem_alloc : memref<!tpu.dma_semaphore, #tpu.memory_space<semaphore_mem>>
      %dma_start3A = arith.constant 0 : i32
      %dma_start3A_10 = tpu.memref_slice %arg12[%mul3A_2, %dma_start3A] : memref<10112x64xf32, #tpu.memory_space<vmem_shared>> -> memref<632x64xf32, #tpu.memory_space<vmem_shared>>
      tpu.enqueue_dma source(%arg4 : memref<632x64xf32, #tpu.memory_space<hbm>>) target(%dma_start3A_10 : memref<632x64xf32, #tpu.memory_space<vmem_shared>>) target_semaphore(%run_scoped3A : memref<!tpu.dma_semaphore, #tpu.memory_space<semaphore_mem>>)
      %dma_wait3A = arith.constant 0 : i32
      %dma_wait3A_11 = tpu.memref_slice %arg12[%mul3A_2, %dma_wait3A] : memref<10112x64xf32, #tpu.memory_space<vmem_shared>> -> memref<632x64xf32, #tpu.memory_space<vmem_shared>>
      tpu.wait_dma2 semaphore(%run_scoped3A : memref<!tpu.dma_semaphore, #tpu.memory_space<semaphore_mem>>) src(%arg4 : memref<632x64xf32, #tpu.memory_space<hbm>>) dst(%dma_wait3A_11 : memref<632x64xf32, #tpu.memory_space<vmem_shared>>)
      tpu.yield
    }) : () -> ()
    %barrier3A = arith.constant 0 : index
    tpu.barrier barrier_id(%barrier3A)
    %eq3A = arith.constant 0 : i32
    %eq3A_3 = arith.cmpi eq, %arg0, %eq3A : i32
    %convert_element_type3A = arith.extui %eq3A_3 : i1 to i32
    %cond3A = arith.constant 0 : i32
    %cond3A_4 = arith.cmpi ne, %convert_element_type3A, %cond3A : i32
    scf.if %cond3A_4 {
      %dma_start3A = arith.constant 0 : i32
      %dma_start3A_10 = tpu.memref_slice %arg3[%mul3A_0, %dma_start3A] : memref<2880x112xi32, #tpu.memory_space<hbm>> -> memref<1x112xi32, #tpu.memory_space<hbm>>
      %dma_start3A_11 = tpu.memref_squeeze %dma_start3A_10 : memref<1x112xi32, #tpu.memory_space<hbm>> -> memref<112xi32, #tpu.memory_space<hbm>>
      %dma_start3A_12 = arith.constant 0 : i32
      %dma_start3A_13 = tpu.memref_slice %arg3[%mul3A_0, %dma_start3A_12] : memref<2880x112xi32, #tpu.memory_space<hbm>> -> memref<1x112xi32, #tpu.memory_space<hbm>>
      %dma_start3A_14 = tpu.memref_squeeze %dma_start3A_13 : memref<1x112xi32, #tpu.memory_space<hbm>> -> memref<112xi32, #tpu.memory_space<hbm>>
      tpu.enqueue_dma source(%dma_start3A_14 : memref<112xi32, #tpu.memory_space<hbm>>) target(%arg8 : memref<112xi32, #tpu.memory_space<vmem>>) target_semaphore(%arg15 : memref<!tpu.dma_semaphore, #tpu.memory_space<semaphore_mem>>)
      %dma_start3A_15 = arith.constant 0 : i32
      %dma_start3A_16 = arith.constant 0 : i32
      %dma_start3A_17 = tpu.memref_slice %arg7[%dma_start3A_15, %dma_start3A_16] : memref<180x112xi32, #tpu.memory_space<vmem>> -> memref<1x112xi32, #tpu.memory_space<vmem>>
      %dma_start3A_18 = tpu.memref_squeeze %dma_start3A_17 : memref<1x112xi32, #tpu.memory_space<vmem>> -> memref<112xi32, #tpu.memory_space<vmem>>
      %dma_start3A_19 = arith.constant 0 : i32
      %dma_start3A_20 = arith.constant 0 : i32
      %dma_start3A_21 = tpu.memref_slice %arg5[%dma_start3A_19, %dma_start3A_20] : memref<10112x64xf32, #tpu.memory_space<hbm>> -> memref<10112x64xf32, #tpu.memory_space<hbm>>
      tpu.enqueue_indirect_dma source(%dma_start3A_21 : memref<10112x64xf32, #tpu.memory_space<hbm>>) target(%arg10 : memref<112x64xf32, #tpu.memory_space<vmem>>) offsets(%dma_start3A_18 : memref<112xi32, #tpu.memory_space<vmem>>) semaphore(%arg13 : memref<!tpu.dma_semaphore, #tpu.memory_space<semaphore_mem>>)
      %dma_start3A_22 = arith.constant 1 : i32
      %dma_start3A_23 = arith.constant 0 : i32
      %dma_start3A_24 = tpu.memref_slice %arg7[%dma_start3A_22, %dma_start3A_23] : memref<180x112xi32, #tpu.memory_space<vmem>> -> memref<1x112xi32, #tpu.memory_space<vmem>>
      %dma_start3A_25 = tpu.memref_squeeze %dma_start3A_24 : memref<1x112xi32, #tpu.memory_space<vmem>> -> memref<112xi32, #tpu.memory_space<vmem>>
      %dma_start3A_26 = arith.constant 0 : i32
      %dma_start3A_27 = arith.constant 0 : i32
      %dma_start3A_28 = tpu.memref_slice %arg5[%dma_start3A_26, %dma_start3A_27] : memref<10112x64xf32, #tpu.memory_space<hbm>> -> memref<10112x64xf32, #tpu.memory_space<hbm>>
      tpu.enqueue_indirect_dma source(%dma_start3A_28 : memref<10112x64xf32, #tpu.memory_space<hbm>>) target(%arg11 : memref<112x64xf32, #tpu.memory_space<vmem>>) offsets(%dma_start3A_25 : memref<112xi32, #tpu.memory_space<vmem>>) semaphore(%arg14 : memref<!tpu.dma_semaphore, #tpu.memory_space<semaphore_mem>>)
      %scan3A = arith.constant 0 : i32
      %scan3A_29 = arith.constant 90 : i32
      %scan3A_30 = arith.addi %scan3A, %scan3A_29 : i32
      %scan3A_31 = arith.constant 1 : i32
      scf.for %scan3A_33 = %scan3A to %scan3A_30 step %scan3A_31  : i32 {
        %mul3A_34 = arith.constant 1 : i32
        %mul3A_35 = arith.muli %scan3A_33, %mul3A_34 : i32
        %add3A = arith.constant 0 : i32
        %add3A_36 = arith.addi %add3A, %mul3A_35 : i32
        %mul3A_37 = arith.constant 2 : i32
        %mul3A_38 = arith.muli %add3A_36, %mul3A_37 : i32
        %add3A_39 = arith.constant 0 : i32
        %add3A_40 = arith.addi %mul3A_38, %add3A_39 : i32
        %add3A_41 = arith.constant 1 : i32
        %add3A_42 = arith.addi %add3A_40, %add3A_41 : i32
        %lt3A = arith.constant 180 : i32
        %lt3A_43 = arith.cmpi slt, %add3A_42, %lt3A : i32
        %convert_element_type3A_44 = arith.extui %lt3A_43 : i1 to i32
        %cond3A_45 = arith.constant 0 : i32
        %cond3A_46 = arith.cmpi ne, %convert_element_type3A_44, %cond3A_45 : i32
        scf.if %cond3A_46 {
          %add3A_95 = arith.addi %mul3A_0, %add3A_40 : i32
          %add3A_96 = arith.constant 1 : i32
          %add3A_97 = arith.addi %add3A_95, %add3A_96 : i32
          %dma_start3A_98 = arith.constant 0 : i32
          %dma_start3A_99 = tpu.memref_slice %arg3[%add3A_97, %dma_start3A_98] : memref<2880x112xi32, #tpu.memory_space<hbm>> -> memref<1x112xi32, #tpu.memory_space<hbm>>
          %dma_start3A_100 = tpu.memref_squeeze %dma_start3A_99 : memref<1x112xi32, #tpu.memory_space<hbm>> -> memref<112xi32, #tpu.memory_space<hbm>>
          %dma_start3A_101 = arith.constant 0 : i32
          %dma_start3A_102 = tpu.memref_slice %arg3[%add3A_97, %dma_start3A_101] : memref<2880x112xi32, #tpu.memory_space<hbm>> -> memref<1x112xi32, #tpu.memory_space<hbm>>
          %dma_start3A_103 = tpu.memref_squeeze %dma_start3A_102 : memref<1x112xi32, #tpu.memory_space<hbm>> -> memref<112xi32, #tpu.memory_space<hbm>>
          tpu.enqueue_dma source(%dma_start3A_103 : memref<112xi32, #tpu.memory_space<hbm>>) target(%arg9 : memref<112xi32, #tpu.memory_space<vmem>>) target_semaphore(%arg16 : memref<!tpu.dma_semaphore, #tpu.memory_space<semaphore_mem>>)
        } else {
        }
        %dma_wait3A = arith.constant 0 : i32
        %dma_wait3A_47 = tpu.memref_slice %arg7[%add3A_40, %dma_wait3A] : memref<180x112xi32, #tpu.memory_space<vmem>> -> memref<1x112xi32, #tpu.memory_space<vmem>>
        %dma_wait3A_48 = tpu.memref_squeeze %dma_wait3A_47 : memref<1x112xi32, #tpu.memory_space<vmem>> -> memref<112xi32, #tpu.memory_space<vmem>>
        %dma_wait3A_49 = arith.constant 0 : i32
        %dma_wait3A_50 = arith.constant 0 : i32
        %dma_wait3A_51 = tpu.memref_slice %arg5[%dma_wait3A_49, %dma_wait3A_50] : memref<10112x64xf32, #tpu.memory_space<hbm>> -> memref<10112x64xf32, #tpu.memory_space<hbm>>
        tpu.wait_indirect_dma semaphore(%arg13 : memref<!tpu.dma_semaphore, #tpu.memory_space<semaphore_mem>>) src(%dma_wait3A_51 : memref<10112x64xf32, #tpu.memory_space<hbm>>) dst(%arg10 : memref<112x64xf32, #tpu.memory_space<vmem>>)
        %add3A_52 = arith.addi %mul3A_0, %add3A_40 : i32
        %dma_wait3A_53 = arith.constant 0 : i32
        %dma_wait3A_54 = tpu.memref_slice %arg3[%add3A_52, %dma_wait3A_53] : memref<2880x112xi32, #tpu.memory_space<hbm>> -> memref<1x112xi32, #tpu.memory_space<hbm>>
        %dma_wait3A_55 = tpu.memref_squeeze %dma_wait3A_54 : memref<1x112xi32, #tpu.memory_space<hbm>> -> memref<112xi32, #tpu.memory_space<hbm>>
        %dma_wait3A_56 = arith.constant 0 : i32
        %dma_wait3A_57 = tpu.memref_slice %arg3[%add3A_52, %dma_wait3A_56] : memref<2880x112xi32, #tpu.memory_space<hbm>> -> memref<1x112xi32, #tpu.memory_space<hbm>>
        %dma_wait3A_58 = tpu.memref_squeeze %dma_wait3A_57 : memref<1x112xi32, #tpu.memory_space<hbm>> -> memref<112xi32, #tpu.memory_space<hbm>>
        tpu.wait_dma2 semaphore(%arg15 : memref<!tpu.dma_semaphore, #tpu.memory_space<semaphore_mem>>) src(%dma_wait3A_58 : memref<112xi32, #tpu.memory_space<hbm>>) dst(%arg8 : memref<112xi32, #tpu.memory_space<vmem>>)
        "tpu.region"() ({
          %run_scoped3A = tpu.sem_alloc : memref<!tpu.dma_semaphore, #tpu.memory_space<semaphore_mem>>
          %dma_start3A_95 = arith.constant 0 : i32
          %dma_start3A_96 = arith.constant 0 : i32
          %dma_start3A_97 = tpu.memref_slice %arg12[%dma_start3A_95, %dma_start3A_96] : memref<10112x64xf32, #tpu.memory_space<vmem_shared>> -> memref<10112x64xf32, #tpu.memory_space<vmem_shared>>
          tpu.enqueue_indirect_dma source(%arg10 : memref<112x64xf32, #tpu.memory_space<vmem>>) target(%dma_start3A_97 : memref<10112x64xf32, #tpu.memory_space<vmem_shared>>) offsets(%arg8 : memref<112xi32, #tpu.memory_space<vmem>>) semaphore(%run_scoped3A : memref<!tpu.dma_semaphore, #tpu.memory_space<semaphore_mem>>) {add = true}
          %dma_wait3A_98 = arith.constant 0 : i32
          %dma_wait3A_99 = arith.constant 0 : i32
          %dma_wait3A_100 = tpu.memref_slice %arg12[%dma_wait3A_98, %dma_wait3A_99] : memref<10112x64xf32, #tpu.memory_space<vmem_shared>> -> memref<10112x64xf32, #tpu.memory_space<vmem_shared>>
          tpu.wait_indirect_dma semaphore(%run_scoped3A : memref<!tpu.dma_semaphore, #tpu.memory_space<semaphore_mem>>) src(%arg10 : memref<112x64xf32, #tpu.memory_space<vmem>>) dst(%dma_wait3A_100 : memref<10112x64xf32, #tpu.memory_space<vmem_shared>>)
          tpu.yield
        }) : () -> ()
        %add3A_59 = arith.constant 2 : i32
        %add3A_60 = arith.addi %add3A_40, %add3A_59 : i32
        %lt3A_61 = arith.constant 180 : i32
        %lt3A_62 = arith.cmpi slt, %add3A_60, %lt3A_61 : i32
        %convert_element_type3A_63 = arith.extui %lt3A_62 : i1 to i32
        %cond3A_64 = arith.constant 0 : i32
        %cond3A_65 = arith.cmpi ne, %convert_element_type3A_63, %cond3A_64 : i32
        scf.if %cond3A_65 {
          %add3A_95 = arith.constant 2 : i32
          %add3A_96 = arith.addi %add3A_40, %add3A_95 : i32
          %dma_start3A_97 = arith.constant 0 : i32
          %dma_start3A_98 = tpu.memref_slice %arg7[%add3A_96, %dma_start3A_97] : memref<180x112xi32, #tpu.memory_space<vmem>> -> memref<1x112xi32, #tpu.memory_space<vmem>>
          %dma_start3A_99 = tpu.memref_squeeze %dma_start3A_98 : memref<1x112xi32, #tpu.memory_space<vmem>> -> memref<112xi32, #tpu.memory_space<vmem>>
          %dma_start3A_100 = arith.constant 0 : i32
          %dma_start3A_101 = arith.constant 0 : i32
          %dma_start3A_102 = tpu.memref_slice %arg5[%dma_start3A_100, %dma_start3A_101] : memref<10112x64xf32, #tpu.memory_space<hbm>> -> memref<10112x64xf32, #tpu.memory_space<hbm>>
          tpu.enqueue_indirect_dma source(%dma_start3A_102 : memref<10112x64xf32, #tpu.memory_space<hbm>>) target(%arg10 : memref<112x64xf32, #tpu.memory_space<vmem>>) offsets(%dma_start3A_99 : memref<112xi32, #tpu.memory_space<vmem>>) semaphore(%arg13 : memref<!tpu.dma_semaphore, #tpu.memory_space<semaphore_mem>>)
        } else {
        }
        %add3A_66 = arith.constant 1 : i32
        %add3A_67 = arith.addi %mul3A_38, %add3A_66 : i32
        %add3A_68 = arith.constant 1 : i32
        %add3A_69 = arith.addi %add3A_67, %add3A_68 : i32
        %lt3A_70 = arith.constant 180 : i32
        %lt3A_71 = arith.cmpi slt, %add3A_69, %lt3A_70 : i32
        %convert_element_type3A_72 = arith.extui %lt3A_71 : i1 to i32
        %cond3A_73 = arith.constant 0 : i32
        %cond3A_74 = arith.cmpi ne, %convert_element_type3A_72, %cond3A_73 : i32
        scf.if %cond3A_74 {
          %add3A_95 = arith.addi %mul3A_0, %add3A_67 : i32
          %add3A_96 = arith.constant 1 : i32
          %add3A_97 = arith.addi %add3A_95, %add3A_96 : i32
          %dma_start3A_98 = arith.constant 0 : i32
          %dma_start3A_99 = tpu.memref_slice %arg3[%add3A_97, %dma_start3A_98] : memref<2880x112xi32, #tpu.memory_space<hbm>> -> memref<1x112xi32, #tpu.memory_space<hbm>>
          %dma_start3A_100 = tpu.memref_squeeze %dma_start3A_99 : memref<1x112xi32, #tpu.memory_space<hbm>> -> memref<112xi32, #tpu.memory_space<hbm>>
          %dma_start3A_101 = arith.constant 0 : i32
          %dma_start3A_102 = tpu.memref_slice %arg3[%add3A_97, %dma_start3A_101] : memref<2880x112xi32, #tpu.memory_space<hbm>> -> memref<1x112xi32, #tpu.memory_space<hbm>>
          %dma_start3A_103 = tpu.memref_squeeze %dma_start3A_102 : memref<1x112xi32, #tpu.memory_space<hbm>> -> memref<112xi32, #tpu.memory_space<hbm>>
          tpu.enqueue_dma source(%dma_start3A_103 : memref<112xi32, #tpu.memory_space<hbm>>) target(%arg8 : memref<112xi32, #tpu.memory_space<vmem>>) target_semaphore(%arg15 : memref<!tpu.dma_semaphore, #tpu.memory_space<semaphore_mem>>)
        } else {
        }
        %dma_wait3A_75 = arith.constant 0 : i32
        %dma_wait3A_76 = tpu.memref_slice %arg7[%add3A_67, %dma_wait3A_75] : memref<180x112xi32, #tpu.memory_space<vmem>> -> memref<1x112xi32, #tpu.memory_space<vmem>>
        %dma_wait3A_77 = tpu.memref_squeeze %dma_wait3A_76 : memref<1x112xi32, #tpu.memory_space<vmem>> -> memref<112xi32, #tpu.memory_space<vmem>>
        %dma_wait3A_78 = arith.constant 0 : i32
        %dma_wait3A_79 = arith.constant 0 : i32
        %dma_wait3A_80 = tpu.memref_slice %arg5[%dma_wait3A_78, %dma_wait3A_79] : memref<10112x64xf32, #tpu.memory_space<hbm>> -> memref<10112x64xf32, #tpu.memory_space<hbm>>
        tpu.wait_indirect_dma semaphore(%arg14 : memref<!tpu.dma_semaphore, #tpu.memory_space<semaphore_mem>>) src(%dma_wait3A_80 : memref<10112x64xf32, #tpu.memory_space<hbm>>) dst(%arg11 : memref<112x64xf32, #tpu.memory_space<vmem>>)
        %add3A_81 = arith.addi %mul3A_0, %add3A_67 : i32
        %dma_wait3A_82 = arith.constant 0 : i32
        %dma_wait3A_83 = tpu.memref_slice %arg3[%add3A_81, %dma_wait3A_82] : memref<2880x112xi32, #tpu.memory_space<hbm>> -> memref<1x112xi32, #tpu.memory_space<hbm>>
        %dma_wait3A_84 = tpu.memref_squeeze %dma_wait3A_83 : memref<1x112xi32, #tpu.memory_space<hbm>> -> memref<112xi32, #tpu.memory_space<hbm>>
        %dma_wait3A_85 = arith.constant 0 : i32
        %dma_wait3A_86 = tpu.memref_slice %arg3[%add3A_81, %dma_wait3A_85] : memref<2880x112xi32, #tpu.memory_space<hbm>> -> memref<1x112xi32, #tpu.memory_space<hbm>>
        %dma_wait3A_87 = tpu.memref_squeeze %dma_wait3A_86 : memref<1x112xi32, #tpu.memory_space<hbm>> -> memref<112xi32, #tpu.memory_space<hbm>>
        tpu.wait_dma2 semaphore(%arg16 : memref<!tpu.dma_semaphore, #tpu.memory_space<semaphore_mem>>) src(%dma_wait3A_87 : memref<112xi32, #tpu.memory_space<hbm>>) dst(%arg9 : memref<112xi32, #tpu.memory_space<vmem>>)
        "tpu.region"() ({
          %run_scoped3A = tpu.sem_alloc : memref<!tpu.dma_semaphore, #tpu.memory_space<semaphore_mem>>
          %dma_start3A_95 = arith.constant 0 : i32
          %dma_start3A_96 = arith.constant 0 : i32
          %dma_start3A_97 = tpu.memref_slice %arg12[%dma_start3A_95, %dma_start3A_96] : memref<10112x64xf32, #tpu.memory_space<vmem_shared>> -> memref<10112x64xf32, #tpu.memory_space<vmem_shared>>
          tpu.enqueue_indirect_dma source(%arg11 : memref<112x64xf32, #tpu.memory_space<vmem>>) target(%dma_start3A_97 : memref<10112x64xf32, #tpu.memory_space<vmem_shared>>) offsets(%arg9 : memref<112xi32, #tpu.memory_space<vmem>>) semaphore(%run_scoped3A : memref<!tpu.dma_semaphore, #tpu.memory_space<semaphore_mem>>) {add = true}
          %dma_wait3A_98 = arith.constant 0 : i32
          %dma_wait3A_99 = arith.constant 0 : i32
          %dma_wait3A_100 = tpu.memref_slice %arg12[%dma_wait3A_98, %dma_wait3A_99] : memref<10112x64xf32, #tpu.memory_space<vmem_shared>> -> memref<10112x64xf32, #tpu.memory_space<vmem_shared>>
          tpu.wait_indirect_dma semaphore(%run_scoped3A : memref<!tpu.dma_semaphore, #tpu.memory_space<semaphore_mem>>) src(%arg11 : memref<112x64xf32, #tpu.memory_space<vmem>>) dst(%dma_wait3A_100 : memref<10112x64xf32, #tpu.memory_space<vmem_shared>>)
          tpu.yield
        }) : () -> ()
        %add3A_88 = arith.constant 2 : i32
        %add3A_89 = arith.addi %add3A_67, %add3A_88 : i32
        %lt3A_90 = arith.constant 180 : i32
        %lt3A_91 = arith.cmpi slt, %add3A_89, %lt3A_90 : i32
        %convert_element_type3A_92 = arith.extui %lt3A_91 : i1 to i32
        %cond3A_93 = arith.constant 0 : i32
        %cond3A_94 = arith.cmpi ne, %convert_element_type3A_92, %cond3A_93 : i32
        scf.if %cond3A_94 {
          %add3A_95 = arith.constant 2 : i32
          %add3A_96 = arith.addi %add3A_67, %add3A_95 : i32
          %dma_start3A_97 = arith.constant 0 : i32
          %dma_start3A_98 = tpu.memref_slice %arg7[%add3A_96, %dma_start3A_97] : memref<180x112xi32, #tpu.memory_space<vmem>> -> memref<1x112xi32, #tpu.memory_space<vmem>>
          %dma_start3A_99 = tpu.memref_squeeze %dma_start3A_98 : memref<1x112xi32, #tpu.memory_space<vmem>> -> memref<112xi32, #tpu.memory_space<vmem>>
          %dma_start3A_100 = arith.constant 0 : i32
          %dma_start3A_101 = arith.constant 0 : i32
          %dma_start3A_102 = tpu.memref_slice %arg5[%dma_start3A_100, %dma_start3A_101] : memref<10112x64xf32, #tpu.memory_space<hbm>> -> memref<10112x64xf32, #tpu.memory_space<hbm>>
          tpu.enqueue_indirect_dma source(%dma_start3A_102 : memref<10112x64xf32, #tpu.memory_space<hbm>>) target(%arg11 : memref<112x64xf32, #tpu.memory_space<vmem>>) offsets(%dma_start3A_99 : memref<112xi32, #tpu.memory_space<vmem>>) semaphore(%arg14 : memref<!tpu.dma_semaphore, #tpu.memory_space<semaphore_mem>>)
        } else {
        }
      }
      %scan3A_32 = arith.constant 90 : i32
    } else {
    }
    %barrier3A_5 = arith.constant 0 : index
    tpu.barrier barrier_id(%barrier3A_5)
    %mul3A_6 = arith.constant 632 : i32
    %mul3A_7 = arith.muli %arg1, %mul3A_6 : i32
    %mul3A_8 = arith.constant 632 : i32
    %mul3A_9 = arith.muli %arg1, %mul3A_8 : i32
    "tpu.region"() ({
      %run_scoped3A = tpu.sem_alloc : memref<!tpu.dma_semaphore, #tpu.memory_space<semaphore_mem>>
      %dma_start3A = arith.constant 0 : i32
      %dma_start3A_10 = tpu.memref_slice %arg6[%arg0, %mul3A_9, %dma_start3A] : memref<2x10112x64xf32, #tpu.memory_space<hbm>> -> memref<1x632x64xf32, #tpu.memory_space<hbm>>
      %dma_start3A_11 = tpu.memref_squeeze %dma_start3A_10 : memref<1x632x64xf32, #tpu.memory_space<hbm>> -> memref<632x64xf32, #tpu.memory_space<hbm>>
      %dma_start3A_12 = arith.constant 0 : i32
      %dma_start3A_13 = tpu.memref_slice %arg12[%mul3A_7, %dma_start3A_12] : memref<10112x64xf32, #tpu.memory_space<vmem_shared>> -> memref<632x64xf32, #tpu.memory_space<vmem_shared>>
      tpu.enqueue_dma source(%dma_start3A_13 : memref<632x64xf32, #tpu.memory_space<vmem_shared>>) target(%dma_start3A_11 : memref<632x64xf32, #tpu.memory_space<hbm>>) target_semaphore(%run_scoped3A : memref<!tpu.dma_semaphore, #tpu.memory_space<semaphore_mem>>)
      %dma_wait3A = arith.constant 0 : i32
      %dma_wait3A_14 = tpu.memref_slice %arg6[%arg0, %mul3A_9, %dma_wait3A] : memref<2x10112x64xf32, #tpu.memory_space<hbm>> -> memref<1x632x64xf32, #tpu.memory_space<hbm>>
      %dma_wait3A_15 = tpu.memref_squeeze %dma_wait3A_14 : memref<1x632x64xf32, #tpu.memory_space<hbm>> -> memref<632x64xf32, #tpu.memory_space<hbm>>
      %dma_wait3A_16 = arith.constant 0 : i32
      %dma_wait3A_17 = tpu.memref_slice %arg12[%mul3A_7, %dma_wait3A_16] : memref<10112x64xf32, #tpu.memory_space<vmem_shared>> -> memref<632x64xf32, #tpu.memory_space<vmem_shared>>
      tpu.wait_dma2 semaphore(%run_scoped3A : memref<!tpu.dma_semaphore, #tpu.memory_space<semaphore_mem>>) src(%dma_wait3A_17 : memref<632x64xf32, #tpu.memory_space<vmem_shared>>) dst(%dma_wait3A_15 : memref<632x64xf32, #tpu.memory_space<hbm>>)
      tpu.yield
    }) : () -> ()
    return
  }
}

module attributes {stable_mosaic.version = 14 : i64} {
  func.func @_stage0_body(%arg0: i32, %arg1: memref<632x128xf32, #tpu.memory_space<vmem>>, %arg2: memref<2x632x16xf32, #tpu.memory_space<vmem>>, %arg3: memref<128x128xf32, #tpu.memory_space<vmem>>, %arg4: memref<632x128xf32, #tpu.memory_space<vmem>>) attributes {dimension_semantics = [#tpu.dimension_semantics<arbitrary>], iteration_bounds = array<i64: 16>, scalar_prefetch = 0 : i64, scratch_operands = 0 : i64, tpu.core_type = #tpu.core_type<tc>, window_params = [{transform_indices = @transform_0, window_bounds = array<i64: 632, 128>}, {transform_indices = @transform_1, window_bounds = array<i64: 2, 632, 16>}, {pipeline_mode = #tpu.pipeline_mode<synchronous>, transform_indices = @transform_2, window_bounds = array<i64: 128, 128>}, {transform_indices = @transform_3, window_bounds = array<i64: 632, 128>}]} {
    %get3A = arith.constant 0 : index
    %get3A_0 = arith.constant 0 : index
    %get3A_1 = arith.constant 0 : index
    %get3A_2 = vector.load %arg2[%get3A, %get3A_0, %get3A_1] : memref<2x632x16xf32, #tpu.memory_space<vmem>>, vector<1x632x1xf32>
    %get3A_3 = vector.shape_cast %get3A_2 : vector<1x632x1xf32> to vector<632x1xf32>
    %get3A_4 = arith.constant 1 : index
    %get3A_5 = arith.constant 0 : index
    %get3A_6 = arith.constant 0 : index
    %get3A_7 = vector.load %arg2[%get3A_4, %get3A_5, %get3A_6] : memref<2x632x16xf32, #tpu.memory_space<vmem>>, vector<1x632x1xf32>
    %get3A_8 = vector.shape_cast %get3A_7 : vector<1x632x1xf32> to vector<632x1xf32>
    %add3A = arith.addf %get3A_3, %get3A_8 : vector<632x1xf32>
    %get3A_9 = arith.constant 0 : index
    %get3A_10 = arith.constant 0 : index
    %get3A_11 = vector.load %arg1[%get3A_9, %get3A_10] : memref<632x128xf32, #tpu.memory_space<vmem>>, vector<632x128xf32>
    %gt3A = arith.constant 0.000000e+00 : f32
    %gt3A_12 = vector.broadcast %gt3A : f32 to vector<632x1xf32>
    %gt3A_13 = arith.cmpf ogt, %add3A, %gt3A_12 : vector<632x1xf32>
    %max3A = arith.constant 1.000000e+00 : f32
    %max3A_14 = vector.broadcast %max3A : f32 to vector<632x1xf32>
    %max3A_15 = arith.maximumf %add3A, %max3A_14 : vector<632x1xf32>
    %rsqrt3A = math.rsqrt %max3A_15 : vector<632x1xf32>
    %jit3A = arith.constant 0.000000e+00 : f32
    %broadcast_in_dim3A = vector.broadcast %jit3A : f32 to vector<632x1xf32>
    %select_n3A = arith.select %gt3A_13, %rsqrt3A, %broadcast_in_dim3A : vector<632x1xi1>, vector<632x1xf32>
    %mul3A = vector.broadcast %select_n3A : vector<632x1xf32> to vector<632x128xf32>
    %mul3A_16 = arith.mulf %get3A_11, %mul3A : vector<632x128xf32>
    %get3A_17 = arith.constant 0 : index
    %get3A_18 = arith.constant 0 : index
    %get3A_19 = vector.load %arg3[%get3A_17, %get3A_18] : memref<128x128xf32, #tpu.memory_space<vmem>>, vector<128x128xf32>
    %dot_general3A = arith.constant dense<0.000000e+00> : vector<632x128xf32>
    %dot_general3A_20 = tpu.matmul %mul3A_16, %get3A_19, %dot_general3A {dimension_numbers = #tpu.dot_dimension_numbers<[1], [0], [0], [1], [0, 0, 1, 1], [], []>, precision = #tpu.contract_precision<fp32>, transpose_lhs_hint = false} : vector<632x128xf32>, vector<128x128xf32>, vector<632x128xf32> -> vector<632x128xf32>
    %swap3A = arith.constant 0 : index
    %swap3A_21 = arith.constant 0 : index
    %swap3A_22 = vector.load %arg4[%swap3A, %swap3A_21] : memref<632x128xf32, #tpu.memory_space<vmem>>, vector<632x128xf32>
    tpu.vector_store %arg4[%swap3A, %swap3A_21], %dot_general3A_20 {strides = array<i32>} : memref<632x128xf32, #tpu.memory_space<vmem>>, vector<632x128xf32>,
    return
  }
  func.func @transform_0(%arg0: i32) -> (i32, i32) {
    %c0_i32 = arith.constant 0 : i32
    %c0_i32_0 = arith.constant 0 : i32
    return %arg0, %c0_i32 : i32, i32
  }
  func.func @transform_1(%arg0: i32) -> (i32, i32, i32) {
    %c0_i32 = arith.constant 0 : i32
    %c0_i32_0 = arith.constant 0 : i32
    %c0_i32_1 = arith.constant 0 : i32
    return %c0_i32, %arg0, %c0_i32_0 : i32, i32, i32
  }
  func.func @transform_2(%arg0: i32) -> (i32, i32) {
    %c0_i32 = arith.constant 0 : i32
    %c0_i32_0 = arith.constant 0 : i32
    %c0_i32_1 = arith.constant 0 : i32
    return %c0_i32, %c0_i32_0 : i32, i32
  }
  func.func @transform_3(%arg0: i32) -> (i32, i32) {
    %c0_i32 = arith.constant 0 : i32
    %c0_i32_0 = arith.constant 0 : i32
    return %arg0, %c0_i32 : i32, i32
  }
}

module attributes {stable_mosaic.version = 14 : i64} {
  func.func @_stage_mid_body(%arg0: i32, %arg1: memref<2x632x128xf32, #tpu.memory_space<vmem>>, %arg2: memref<2x632x16xf32, #tpu.memory_space<vmem>>, %arg3: memref<2x632x16xf32, #tpu.memory_space<vmem>>, %arg4: memref<1x128xf32, #tpu.memory_space<vmem>>, %arg5: memref<128x128xf32, #tpu.memory_space<vmem>>, %arg6: memref<632x128xf32, #tpu.memory_space<vmem>>) attributes {dimension_semantics = [#tpu.dimension_semantics<arbitrary>], iteration_bounds = array<i64: 16>, scalar_prefetch = 0 : i64, scratch_operands = 0 : i64, tpu.core_type = #tpu.core_type<tc>, window_params = [{transform_indices = @transform_0, window_bounds = array<i64: 2, 632, 128>}, {transform_indices = @transform_1, window_bounds = array<i64: 2, 632, 16>}, {transform_indices = @transform_2, window_bounds = array<i64: 2, 632, 16>}, {pipeline_mode = #tpu.pipeline_mode<synchronous>, transform_indices = @transform_3, window_bounds = array<i64: 1, 128>}, {pipeline_mode = #tpu.pipeline_mode<synchronous>, transform_indices = @transform_4, window_bounds = array<i64: 128, 128>}, {transform_indices = @transform_5, window_bounds = array<i64: 632, 128>}]} {
    %get3A = arith.constant 0 : index
    %get3A_0 = arith.constant 0 : index
    %get3A_1 = arith.constant 0 : index
    %get3A_2 = vector.load %arg2[%get3A, %get3A_0, %get3A_1] : memref<2x632x16xf32, #tpu.memory_space<vmem>>, vector<1x632x1xf32>
    %get3A_3 = vector.shape_cast %get3A_2 : vector<1x632x1xf32> to vector<632x1xf32>
    %get3A_4 = arith.constant 1 : index
    %get3A_5 = arith.constant 0 : index
    %get3A_6 = arith.constant 0 : index
    %get3A_7 = vector.load %arg2[%get3A_4, %get3A_5, %get3A_6] : memref<2x632x16xf32, #tpu.memory_space<vmem>>, vector<1x632x1xf32>
    %get3A_8 = vector.shape_cast %get3A_7 : vector<1x632x1xf32> to vector<632x1xf32>
    %add3A = arith.addf %get3A_3, %get3A_8 : vector<632x1xf32>
    %get3A_9 = arith.constant 0 : index
    %get3A_10 = arith.constant 0 : index
    %get3A_11 = arith.constant 0 : index
    %get3A_12 = vector.load %arg3[%get3A_9, %get3A_10, %get3A_11] : memref<2x632x16xf32, #tpu.memory_space<vmem>>, vector<1x632x1xf32>
    %get3A_13 = vector.shape_cast %get3A_12 : vector<1x632x1xf32> to vector<632x1xf32>
    %get3A_14 = arith.constant 1 : index
    %get3A_15 = arith.constant 0 : index
    %get3A_16 = arith.constant 0 : index
    %get3A_17 = vector.load %arg3[%get3A_14, %get3A_15, %get3A_16] : memref<2x632x16xf32, #tpu.memory_space<vmem>>, vector<1x632x1xf32>
    %get3A_18 = vector.shape_cast %get3A_17 : vector<1x632x1xf32> to vector<632x1xf32>
    %add3A_19 = arith.addf %get3A_13, %get3A_18 : vector<632x1xf32>
    %get3A_20 = arith.constant 0 : index
    %get3A_21 = arith.constant 0 : index
    %get3A_22 = arith.constant 0 : index
    %get3A_23 = vector.load %arg1[%get3A_20, %get3A_21, %get3A_22] : memref<2x632x128xf32, #tpu.memory_space<vmem>>, vector<1x632x128xf32>
    %get3A_24 = vector.shape_cast %get3A_23 : vector<1x632x128xf32> to vector<632x128xf32>
    %get3A_25 = arith.constant 1 : index
    %get3A_26 = arith.constant 0 : index
    %get3A_27 = arith.constant 0 : index
    %get3A_28 = vector.load %arg1[%get3A_25, %get3A_26, %get3A_27] : memref<2x632x128xf32, #tpu.memory_space<vmem>>, vector<1x632x128xf32>
    %get3A_29 = vector.shape_cast %get3A_28 : vector<1x632x128xf32> to vector<632x128xf32>
    %add3A_30 = arith.addf %get3A_24, %get3A_29 : vector<632x128xf32>
    %gt3A = arith.constant 0.000000e+00 : f32
    %gt3A_31 = vector.broadcast %gt3A : f32 to vector<632x1xf32>
    %gt3A_32 = arith.cmpf ogt, %add3A, %gt3A_31 : vector<632x1xf32>
    %max3A = arith.constant 1.000000e+00 : f32
    %max3A_33 = vector.broadcast %max3A : f32 to vector<632x1xf32>
    %max3A_34 = arith.maximumf %add3A, %max3A_33 : vector<632x1xf32>
    %rsqrt3A = math.rsqrt %max3A_34 : vector<632x1xf32>
    %jit3A = arith.constant 0.000000e+00 : f32
    %broadcast_in_dim3A = vector.broadcast %jit3A : f32 to vector<632x1xf32>
    %select_n3A = arith.select %gt3A_32, %rsqrt3A, %broadcast_in_dim3A : vector<632x1xi1>, vector<632x1xf32>
    %mul3A = vector.broadcast %select_n3A : vector<632x1xf32> to vector<632x128xf32>
    %mul3A_35 = arith.mulf %add3A_30, %mul3A : vector<632x128xf32>
    %get3A_36 = arith.constant 0 : index
    %get3A_37 = arith.constant 0 : index
    %get3A_38 = vector.load %arg4[%get3A_36, %get3A_37] : memref<1x128xf32, #tpu.memory_space<vmem>>, vector<1x128xf32>
    %add3A_39 = vector.broadcast %get3A_38 : vector<1x128xf32> to vector<632x128xf32>
    %add3A_40 = arith.addf %mul3A_35, %add3A_39 : vector<632x128xf32>
    %ge3A = arith.constant 0.000000e+00 : f32
    %ge3A_41 = vector.broadcast %ge3A : f32 to vector<632x128xf32>
    %ge3A_42 = arith.cmpf oge, %add3A_40, %ge3A_41 : vector<632x128xf32>
    %mul3A_43 = arith.constant 1.000000e-01 : f32
    %mul3A_44 = vector.broadcast %mul3A_43 : f32 to vector<632x128xf32>
    %mul3A_45 = arith.mulf %mul3A_44, %add3A_40 : vector<632x128xf32>
    %select_n3A_46 = arith.select %ge3A_42, %add3A_40, %mul3A_45 : vector<632x128xi1>, vector<632x128xf32>
    %gt3A_47 = arith.constant 0.000000e+00 : f32
    %gt3A_48 = vector.broadcast %gt3A_47 : f32 to vector<632x1xf32>
    %gt3A_49 = arith.cmpf ogt, %add3A_19, %gt3A_48 : vector<632x1xf32>
    %max3A_50 = arith.constant 1.000000e+00 : f32
    %max3A_51 = vector.broadcast %max3A_50 : f32 to vector<632x1xf32>
    %max3A_52 = arith.maximumf %add3A_19, %max3A_51 : vector<632x1xf32>
    %rsqrt3A_53 = math.rsqrt %max3A_52 : vector<632x1xf32>
    %jit3A_54 = arith.constant 0.000000e+00 : f32
    %broadcast_in_dim3A_55 = vector.broadcast %jit3A_54 : f32 to vector<632x1xf32>
    %select_n3A_56 = arith.select %gt3A_49, %rsqrt3A_53, %broadcast_in_dim3A_55 : vector<632x1xi1>, vector<632x1xf32>
    %mul3A_57 = vector.broadcast %select_n3A_56 : vector<632x1xf32> to vector<632x128xf32>
    %mul3A_58 = arith.mulf %select_n3A_46, %mul3A_57 : vector<632x128xf32>
    %get3A_59 = arith.constant 0 : index
    %get3A_60 = arith.constant 0 : index
    %get3A_61 = vector.load %arg5[%get3A_59, %get3A_60] : memref<128x128xf32, #tpu.memory_space<vmem>>, vector<128x128xf32>
    %dot_general3A = arith.constant dense<0.000000e+00> : vector<632x128xf32>
    %dot_general3A_62 = tpu.matmul %mul3A_58, %get3A_61, %dot_general3A {dimension_numbers = #tpu.dot_dimension_numbers<[1], [0], [0], [1], [0, 0, 1, 1], [], []>, precision = #tpu.contract_precision<fp32>, transpose_lhs_hint = false} : vector<632x128xf32>, vector<128x128xf32>, vector<632x128xf32> -> vector<632x128xf32>
    %swap3A = arith.constant 0 : index
    %swap3A_63 = arith.constant 0 : index
    %swap3A_64 = vector.load %arg6[%swap3A, %swap3A_63] : memref<632x128xf32, #tpu.memory_space<vmem>>, vector<632x128xf32>
    tpu.vector_store %arg6[%swap3A, %swap3A_63], %dot_general3A_62 {strides = array<i32>} : memref<632x128xf32, #tpu.memory_space<vmem>>, vector<632x128xf32>,
    return
  }
  func.func @transform_0(%arg0: i32) -> (i32, i32, i32) {
    %c0_i32 = arith.constant 0 : i32
    %c0_i32_0 = arith.constant 0 : i32
    %c0_i32_1 = arith.constant 0 : i32
    return %c0_i32, %arg0, %c0_i32_0 : i32, i32, i32
  }
  func.func @transform_1(%arg0: i32) -> (i32, i32, i32) {
    %c0_i32 = arith.constant 0 : i32
    %c0_i32_0 = arith.constant 0 : i32
    %c0_i32_1 = arith.constant 0 : i32
    return %c0_i32, %arg0, %c0_i32_0 : i32, i32, i32
  }
  func.func @transform_2(%arg0: i32) -> (i32, i32, i32) {
    %c0_i32 = arith.constant 0 : i32
    %c0_i32_0 = arith.constant 0 : i32
    %c0_i32_1 = arith.constant 0 : i32
    return %c0_i32, %arg0, %c0_i32_0 : i32, i32, i32
  }
  func.func @transform_3(%arg0: i32) -> (i32, i32) {
    %c0_i32 = arith.constant 0 : i32
    %c0_i32_0 = arith.constant 0 : i32
    %c0_i32_1 = arith.constant 0 : i32
    return %c0_i32, %c0_i32_0 : i32, i32
  }
  func.func @transform_4(%arg0: i32) -> (i32, i32) {
    %c0_i32 = arith.constant 0 : i32
    %c0_i32_0 = arith.constant 0 : i32
    %c0_i32_1 = arith.constant 0 : i32
    return %c0_i32, %c0_i32_0 : i32, i32
  }
  func.func @transform_5(%arg0: i32) -> (i32, i32) {
    %c0_i32 = arith.constant 0 : i32
    %c0_i32_0 = arith.constant 0 : i32
    return %arg0, %c0_i32 : i32, i32
  }
}

module attributes {stable_mosaic.version = 14 : i64} {
  func.func @_stage_mid_body(%arg0: i32, %arg1: memref<2x632x128xf32, #tpu.memory_space<vmem>>, %arg2: memref<2x632x16xf32, #tpu.memory_space<vmem>>, %arg3: memref<2x632x16xf32, #tpu.memory_space<vmem>>, %arg4: memref<1x128xf32, #tpu.memory_space<vmem>>, %arg5: memref<128x64xf32, #tpu.memory_space<vmem>>, %arg6: memref<632x64xf32, #tpu.memory_space<vmem>>) attributes {dimension_semantics = [#tpu.dimension_semantics<arbitrary>], iteration_bounds = array<i64: 16>, scalar_prefetch = 0 : i64, scratch_operands = 0 : i64, tpu.core_type = #tpu.core_type<tc>, window_params = [{transform_indices = @transform_0, window_bounds = array<i64: 2, 632, 128>}, {transform_indices = @transform_1, window_bounds = array<i64: 2, 632, 16>}, {transform_indices = @transform_2, window_bounds = array<i64: 2, 632, 16>}, {pipeline_mode = #tpu.pipeline_mode<synchronous>, transform_indices = @transform_3, window_bounds = array<i64: 1, 128>}, {pipeline_mode = #tpu.pipeline_mode<synchronous>, transform_indices = @transform_4, window_bounds = array<i64: 128, 64>}, {transform_indices = @transform_5, window_bounds = array<i64: 632, 64>}]} {
    %get3A = arith.constant 0 : index
    %get3A_0 = arith.constant 0 : index
    %get3A_1 = arith.constant 0 : index
    %get3A_2 = vector.load %arg2[%get3A, %get3A_0, %get3A_1] : memref<2x632x16xf32, #tpu.memory_space<vmem>>, vector<1x632x1xf32>
    %get3A_3 = vector.shape_cast %get3A_2 : vector<1x632x1xf32> to vector<632x1xf32>
    %get3A_4 = arith.constant 1 : index
    %get3A_5 = arith.constant 0 : index
    %get3A_6 = arith.constant 0 : index
    %get3A_7 = vector.load %arg2[%get3A_4, %get3A_5, %get3A_6] : memref<2x632x16xf32, #tpu.memory_space<vmem>>, vector<1x632x1xf32>
    %get3A_8 = vector.shape_cast %get3A_7 : vector<1x632x1xf32> to vector<632x1xf32>
    %add3A = arith.addf %get3A_3, %get3A_8 : vector<632x1xf32>
    %get3A_9 = arith.constant 0 : index
    %get3A_10 = arith.constant 0 : index
    %get3A_11 = arith.constant 0 : index
    %get3A_12 = vector.load %arg3[%get3A_9, %get3A_10, %get3A_11] : memref<2x632x16xf32, #tpu.memory_space<vmem>>, vector<1x632x1xf32>
    %get3A_13 = vector.shape_cast %get3A_12 : vector<1x632x1xf32> to vector<632x1xf32>
    %get3A_14 = arith.constant 1 : index
    %get3A_15 = arith.constant 0 : index
    %get3A_16 = arith.constant 0 : index
    %get3A_17 = vector.load %arg3[%get3A_14, %get3A_15, %get3A_16] : memref<2x632x16xf32, #tpu.memory_space<vmem>>, vector<1x632x1xf32>
    %get3A_18 = vector.shape_cast %get3A_17 : vector<1x632x1xf32> to vector<632x1xf32>
    %add3A_19 = arith.addf %get3A_13, %get3A_18 : vector<632x1xf32>
    %get3A_20 = arith.constant 0 : index
    %get3A_21 = arith.constant 0 : index
    %get3A_22 = arith.constant 0 : index
    %get3A_23 = vector.load %arg1[%get3A_20, %get3A_21, %get3A_22] : memref<2x632x128xf32, #tpu.memory_space<vmem>>, vector<1x632x128xf32>
    %get3A_24 = vector.shape_cast %get3A_23 : vector<1x632x128xf32> to vector<632x128xf32>
    %get3A_25 = arith.constant 1 : index
    %get3A_26 = arith.constant 0 : index
    %get3A_27 = arith.constant 0 : index
    %get3A_28 = vector.load %arg1[%get3A_25, %get3A_26, %get3A_27] : memref<2x632x128xf32, #tpu.memory_space<vmem>>, vector<1x632x128xf32>
    %get3A_29 = vector.shape_cast %get3A_28 : vector<1x632x128xf32> to vector<632x128xf32>
    %add3A_30 = arith.addf %get3A_24, %get3A_29 : vector<632x128xf32>
    %gt3A = arith.constant 0.000000e+00 : f32
    %gt3A_31 = vector.broadcast %gt3A : f32 to vector<632x1xf32>
    %gt3A_32 = arith.cmpf ogt, %add3A, %gt3A_31 : vector<632x1xf32>
    %max3A = arith.constant 1.000000e+00 : f32
    %max3A_33 = vector.broadcast %max3A : f32 to vector<632x1xf32>
    %max3A_34 = arith.maximumf %add3A, %max3A_33 : vector<632x1xf32>
    %rsqrt3A = math.rsqrt %max3A_34 : vector<632x1xf32>
    %jit3A = arith.constant 0.000000e+00 : f32
    %broadcast_in_dim3A = vector.broadcast %jit3A : f32 to vector<632x1xf32>
    %select_n3A = arith.select %gt3A_32, %rsqrt3A, %broadcast_in_dim3A : vector<632x1xi1>, vector<632x1xf32>
    %mul3A = vector.broadcast %select_n3A : vector<632x1xf32> to vector<632x128xf32>
    %mul3A_35 = arith.mulf %add3A_30, %mul3A : vector<632x128xf32>
    %get3A_36 = arith.constant 0 : index
    %get3A_37 = arith.constant 0 : index
    %get3A_38 = vector.load %arg4[%get3A_36, %get3A_37] : memref<1x128xf32, #tpu.memory_space<vmem>>, vector<1x128xf32>
    %add3A_39 = vector.broadcast %get3A_38 : vector<1x128xf32> to vector<632x128xf32>
    %add3A_40 = arith.addf %mul3A_35, %add3A_39 : vector<632x128xf32>
    %ge3A = arith.constant 0.000000e+00 : f32
    %ge3A_41 = vector.broadcast %ge3A : f32 to vector<632x128xf32>
    %ge3A_42 = arith.cmpf oge, %add3A_40, %ge3A_41 : vector<632x128xf32>
    %mul3A_43 = arith.constant 1.000000e-01 : f32
    %mul3A_44 = vector.broadcast %mul3A_43 : f32 to vector<632x128xf32>
    %mul3A_45 = arith.mulf %mul3A_44, %add3A_40 : vector<632x128xf32>
    %select_n3A_46 = arith.select %ge3A_42, %add3A_40, %mul3A_45 : vector<632x128xi1>, vector<632x128xf32>
    %gt3A_47 = arith.constant 0.000000e+00 : f32
    %gt3A_48 = vector.broadcast %gt3A_47 : f32 to vector<632x1xf32>
    %gt3A_49 = arith.cmpf ogt, %add3A_19, %gt3A_48 : vector<632x1xf32>
    %max3A_50 = arith.constant 1.000000e+00 : f32
    %max3A_51 = vector.broadcast %max3A_50 : f32 to vector<632x1xf32>
    %max3A_52 = arith.maximumf %add3A_19, %max3A_51 : vector<632x1xf32>
    %rsqrt3A_53 = math.rsqrt %max3A_52 : vector<632x1xf32>
    %jit3A_54 = arith.constant 0.000000e+00 : f32
    %broadcast_in_dim3A_55 = vector.broadcast %jit3A_54 : f32 to vector<632x1xf32>
    %select_n3A_56 = arith.select %gt3A_49, %rsqrt3A_53, %broadcast_in_dim3A_55 : vector<632x1xi1>, vector<632x1xf32>
    %mul3A_57 = vector.broadcast %select_n3A_56 : vector<632x1xf32> to vector<632x128xf32>
    %mul3A_58 = arith.mulf %select_n3A_46, %mul3A_57 : vector<632x128xf32>
    %get3A_59 = arith.constant 0 : index
    %get3A_60 = arith.constant 0 : index
    %get3A_61 = vector.load %arg5[%get3A_59, %get3A_60] : memref<128x64xf32, #tpu.memory_space<vmem>>, vector<128x64xf32>
    %dot_general3A = arith.constant dense<0.000000e+00> : vector<632x64xf32>
    %dot_general3A_62 = tpu.matmul %mul3A_58, %get3A_61, %dot_general3A {dimension_numbers = #tpu.dot_dimension_numbers<[1], [0], [0], [1], [0, 0, 1, 1], [], []>, precision = #tpu.contract_precision<fp32>, transpose_lhs_hint = false} : vector<632x128xf32>, vector<128x64xf32>, vector<632x64xf32> -> vector<632x64xf32>
    %swap3A = arith.constant 0 : index
    %swap3A_63 = arith.constant 0 : index
    %swap3A_64 = vector.load %arg6[%swap3A, %swap3A_63] : memref<632x64xf32, #tpu.memory_space<vmem>>, vector<632x64xf32>
    tpu.vector_store %arg6[%swap3A, %swap3A_63], %dot_general3A_62 {strides = array<i32>} : memref<632x64xf32, #tpu.memory_space<vmem>>, vector<632x64xf32>,
    return
  }
  func.func @transform_0(%arg0: i32) -> (i32, i32, i32) {
    %c0_i32 = arith.constant 0 : i32
    %c0_i32_0 = arith.constant 0 : i32
    %c0_i32_1 = arith.constant 0 : i32
    return %c0_i32, %arg0, %c0_i32_0 : i32, i32, i32
  }
  func.func @transform_1(%arg0: i32) -> (i32, i32, i32) {
    %c0_i32 = arith.constant 0 : i32
    %c0_i32_0 = arith.constant 0 : i32
    %c0_i32_1 = arith.constant 0 : i32
    return %c0_i32, %arg0, %c0_i32_0 : i32, i32, i32
  }
  func.func @transform_2(%arg0: i32) -> (i32, i32, i32) {
    %c0_i32 = arith.constant 0 : i32
    %c0_i32_0 = arith.constant 0 : i32
    %c0_i32_1 = arith.constant 0 : i32
    return %c0_i32, %arg0, %c0_i32_0 : i32, i32, i32
  }
  func.func @transform_3(%arg0: i32) -> (i32, i32) {
    %c0_i32 = arith.constant 0 : i32
    %c0_i32_0 = arith.constant 0 : i32
    %c0_i32_1 = arith.constant 0 : i32
    return %c0_i32, %c0_i32_0 : i32, i32
  }
  func.func @transform_4(%arg0: i32) -> (i32, i32) {
    %c0_i32 = arith.constant 0 : i32
    %c0_i32_0 = arith.constant 0 : i32
    %c0_i32_1 = arith.constant 0 : i32
    return %c0_i32, %c0_i32_0 : i32, i32
  }
  func.func @transform_5(%arg0: i32) -> (i32, i32) {
    %c0_i32 = arith.constant 0 : i32
    %c0_i32_0 = arith.constant 0 : i32
    return %arg0, %c0_i32 : i32, i32
  }
}

module attributes {stable_mosaic.version = 14 : i64} {
  func.func @_stage3_body(%arg0: i32, %arg1: memref<2x1000x64xf32, #tpu.memory_space<vmem>>, %arg2: memref<2x1000x16xf32, #tpu.memory_space<vmem>>, %arg3: memref<1x64xf32, #tpu.memory_space<vmem>>, %arg4: memref<1000x64xf32, #tpu.memory_space<vmem>>) attributes {dimension_semantics = [#tpu.dimension_semantics<arbitrary>], iteration_bounds = array<i64: 10>, scalar_prefetch = 0 : i64, scratch_operands = 0 : i64, tpu.core_type = #tpu.core_type<tc>, window_params = [{transform_indices = @transform_0, window_bounds = array<i64: 2, 1000, 64>}, {transform_indices = @transform_1, window_bounds = array<i64: 2, 1000, 16>}, {pipeline_mode = #tpu.pipeline_mode<synchronous>, transform_indices = @transform_2, window_bounds = array<i64: 1, 64>}, {transform_indices = @transform_3, window_bounds = array<i64: 1000, 64>}]} {
    %get3A = arith.constant 0 : index
    %get3A_0 = arith.constant 0 : index
    %get3A_1 = arith.constant 0 : index
    %get3A_2 = vector.load %arg2[%get3A, %get3A_0, %get3A_1] : memref<2x1000x16xf32, #tpu.memory_space<vmem>>, vector<1x1000x1xf32>
    %get3A_3 = vector.shape_cast %get3A_2 : vector<1x1000x1xf32> to vector<1000x1xf32>
    %get3A_4 = arith.constant 1 : index
    %get3A_5 = arith.constant 0 : index
    %get3A_6 = arith.constant 0 : index
    %get3A_7 = vector.load %arg2[%get3A_4, %get3A_5, %get3A_6] : memref<2x1000x16xf32, #tpu.memory_space<vmem>>, vector<1x1000x1xf32>
    %get3A_8 = vector.shape_cast %get3A_7 : vector<1x1000x1xf32> to vector<1000x1xf32>
    %add3A = arith.addf %get3A_3, %get3A_8 : vector<1000x1xf32>
    %get3A_9 = arith.constant 0 : index
    %get3A_10 = arith.constant 0 : index
    %get3A_11 = arith.constant 0 : index
    %get3A_12 = vector.load %arg1[%get3A_9, %get3A_10, %get3A_11] : memref<2x1000x64xf32, #tpu.memory_space<vmem>>, vector<1x1000x64xf32>
    %get3A_13 = vector.shape_cast %get3A_12 : vector<1x1000x64xf32> to vector<1000x64xf32>
    %get3A_14 = arith.constant 1 : index
    %get3A_15 = arith.constant 0 : index
    %get3A_16 = arith.constant 0 : index
    %get3A_17 = vector.load %arg1[%get3A_14, %get3A_15, %get3A_16] : memref<2x1000x64xf32, #tpu.memory_space<vmem>>, vector<1x1000x64xf32>
    %get3A_18 = vector.shape_cast %get3A_17 : vector<1x1000x64xf32> to vector<1000x64xf32>
    %add3A_19 = arith.addf %get3A_13, %get3A_18 : vector<1000x64xf32>
    %gt3A = arith.constant 0.000000e+00 : f32
    %gt3A_20 = vector.broadcast %gt3A : f32 to vector<1000x1xf32>
    %gt3A_21 = arith.cmpf ogt, %add3A, %gt3A_20 : vector<1000x1xf32>
    %max3A = arith.constant 1.000000e+00 : f32
    %max3A_22 = vector.broadcast %max3A : f32 to vector<1000x1xf32>
    %max3A_23 = arith.maximumf %add3A, %max3A_22 : vector<1000x1xf32>
    %rsqrt3A = math.rsqrt %max3A_23 : vector<1000x1xf32>
    %jit3A = arith.constant 0.000000e+00 : f32
    %broadcast_in_dim3A = vector.broadcast %jit3A : f32 to vector<1000x1xf32>
    %select_n3A = arith.select %gt3A_21, %rsqrt3A, %broadcast_in_dim3A : vector<1000x1xi1>, vector<1000x1xf32>
    %mul3A = vector.broadcast %select_n3A : vector<1000x1xf32> to vector<1000x64xf32>
    %mul3A_24 = arith.mulf %add3A_19, %mul3A : vector<1000x64xf32>
    %get3A_25 = arith.constant 0 : index
    %get3A_26 = arith.constant 0 : index
    %get3A_27 = vector.load %arg3[%get3A_25, %get3A_26] : memref<1x64xf32, #tpu.memory_space<vmem>>, vector<1x64xf32>
    %add3A_28 = vector.broadcast %get3A_27 : vector<1x64xf32> to vector<1000x64xf32>
    %add3A_29 = arith.addf %mul3A_24, %add3A_28 : vector<1000x64xf32>
    %reduce_max3A = arith.constant dense<0xFF800000> : vector<1000xf32>
    %reduce_max3A_30 = vector.multi_reduction <maximumf>, %add3A_29, %reduce_max3A [1] : vector<1000x64xf32> to vector<1000xf32>
    %broadcast_in_dim3A_31 = vector.shape_cast %reduce_max3A_30 : vector<1000xf32> to vector<1000x1xf32>
    %sub3A = vector.broadcast %broadcast_in_dim3A_31 : vector<1000x1xf32> to vector<1000x64xf32>
    %sub3A_32 = arith.subf %add3A_29, %sub3A : vector<1000x64xf32>
    %exp3A = math.exp %sub3A_32 : vector<1000x64xf32>
    %reduce_sum3A = arith.constant dense<0.000000e+00> : vector<1000xf32>
    %reduce_sum3A_33 = vector.multi_reduction <add>, %exp3A, %reduce_sum3A [1] : vector<1000x64xf32> to vector<1000xf32>
    %broadcast_in_dim3A_34 = vector.shape_cast %reduce_sum3A_33 : vector<1000xf32> to vector<1000x1xf32>
    %div3A = vector.broadcast %broadcast_in_dim3A_34 : vector<1000x1xf32> to vector<1000x64xf32>
    %div3A_35 = arith.divf %exp3A, %div3A : vector<1000x64xf32>
    %swap3A = arith.constant 0 : index
    %swap3A_36 = arith.constant 0 : index
    %swap3A_37 = vector.load %arg4[%swap3A, %swap3A_36] : memref<1000x64xf32, #tpu.memory_space<vmem>>, vector<1000x64xf32>
    tpu.vector_store %arg4[%swap3A, %swap3A_36], %div3A_35 {strides = array<i32>} : memref<1000x64xf32, #tpu.memory_space<vmem>>, vector<1000x64xf32>,
    return
  }
  func.func @transform_0(%arg0: i32) -> (i32, i32, i32) {
    %c0_i32 = arith.constant 0 : i32
    %c0_i32_0 = arith.constant 0 : i32
    %c0_i32_1 = arith.constant 0 : i32
    return %c0_i32, %arg0, %c0_i32_0 : i32, i32, i32
  }
  func.func @transform_1(%arg0: i32) -> (i32, i32, i32) {
    %c0_i32 = arith.constant 0 : i32
    %c0_i32_0 = arith.constant 0 : i32
    %c0_i32_1 = arith.constant 0 : i32
    return %c0_i32, %arg0, %c0_i32_0 : i32, i32, i32
  }
  func.func @transform_2(%arg0: i32) -> (i32, i32) {
    %c0_i32 = arith.constant 0 : i32
    %c0_i32_0 = arith.constant 0 : i32
    %c0_i32_1 = arith.constant 0 : i32
    return %c0_i32, %c0_i32_0 : i32, i32
  }
  func.func @transform_3(%arg0: i32) -> (i32, i32) {
    %c0_i32 = arith.constant 0 : i32
    %c0_i32_0 = arith.constant 0 : i32
    return %arg0, %c0_i32 : i32, i32
  }
}

</mosaic_0001>

<sc_bundles>
// kernel: kernel.10.cloned.1.call-start
scs
__scs_entry_jumppad:
0x0: {  	(pc) =	sbr.rel $0x88, $3  }
0x1: {  	(tag) =	ssettag $0x0;
	lr =	simm.s32 $0x1  }
0x2: {  	[smem:$0x3F99] =	sst lr;
	_ =	strace $0xD0000000  }
0x3: {  	_ = 	snop  }
0x4: {  	_ = 	snop  }
0x5: {  	_ = 	snop  }
0x6: {  	_ = 	snop  }
0x7: {  	_ = 	snop  }
__scs_overlays_trampoline_lowered:
0x8: {  	[smem:$0x3FA8] =	sst s0  }
0x9: {  	[smem:$0x3FA9] =	sst s1  }
0xa: {  	[smem:$0x3FAA] =	sst s2  }
0xb: {  	[smem:$0x3FAB] =	sst s3  }
0xc: {  	[smem:$0x3FAC] =	sst s4  }
0xd: {  	[smem:$0x3FAD] =	sst s5  }
0xe: {  	[smem:$0x3FAE] =	sst s6  }
0xf: {  	[smem:$0x3FAF] =	sst s7  }
0x10: {  	[smem:$0x3FB0] =	sst s8  }
0x11: {  	[smem:$0x3FB1] =	sst s9;
	s0 =	simm.s32 @!p0 $0x0  }
0x12: {  	s1 =	sld [smem:$0x3F97];
	s0 =	simm.s32 @p0 $0x1  }
0x13: {  	[smem:$0x3FB2] =	sst s0;
	s0 =	simm.s32 @!p1 $0x0  }
0x14: {  	s2 =	sld [smem:$0x3F96];
	s0 =	simm.s32 @p1 $0x1  }
0x15: {  	[smem:$0x3FB3] =	sst s0;
	s0 =	simm.s32 @!p2 $0x0  }
0x16: {  	s3 =	sld [smem:$0x3FDB];
	s0 =	simm.s32 @p2 $0x1  }
0x17: {  	s4 =	simm.s32 $0x1BF5;
	[smem:$0x3FB5] =	sst s0  }
0x18: {  	s0 =	sld [smem:$0x3F98];
	_ =	swait.ge [sflag:s4], $0x0  }
0x19: {  	s7 =	sld [smem:$0x3F99]  }
0x1a: {  	s8 =	sadd.s32 $0xFFFFE003, lr  }
0x1b: {  	s9 =	sadd.s32 $0xFFFFFEF7, lr;
	s5 =	simm.s32 $0xFFFFFFFF;
	p2 =	slt.u32 s8, $0xFFFFF086  }
0x1c: {  	p1 =	slt.u32 s9, $0xF7A;
	s5 =	simm.s32 @!p2 $0x0  }
0x1d: {  	s5 =	simm.s32 @p1 $0x1;
	p0 =	seq.s32 s7, s2  }
0x1e: {  	s7 =	smul.u32 @!p0 $0xF7A, s2;
	p2 =	seq.s32 @!p0 s5, $0x0  }
0x1f: {  	s9 =	smul.u32 $0xF7A, s1;
	s8 =	simm.s32 @!p0 $0x1BF5;
	p2 =	por !p2, p0  }
0x20: {  	[sflag:s8] =	ssyncset.s32 @!p0 $0xFFFFF086;
	s6 =	sadd.s32 @!p0 s3, s7;
	s7 =	simm.s32 @!p0 $0x108  }
0x21: {  	s3 =	sadd.s32 s3, s9;
	s6 =	sadd.s32 @!p0 $0x88, s6;
	s7 =	simm.s32 @p2 $0x1082  }
0x22: {  	[simem:s7], [sflag:s8] =	dma.local @!p0 [hbm:s6], $0xF7A  }
0x23: {  	s9 =	sor.u32 $0xD0000000, s2;
	s6 =	simm.s32 $0x108;
	_ =	swait.ge @!p0 [sflag:s8], $0x0  }
0x24: {  	s3 =	sadd.s32 $0x88, s3;
	s6 =	simm.s32 @!p1 $0x1082;
	[sflag:s4] =	ssyncset.s32 $0xFFFFF086  }
0x25: {  	[simem:s6], [sflag:s4] =	dma.local [hbm:s3], $0xF7A  }
0x26: {  	[smem:$0x3F99] =	sst s1;
	(tag) =	ssettag s2;
	_ =	strace s9  }
0x27: {  	s1 =	sld [smem:$0x3FA9]  }
0x28: {  	s2 =	sld [smem:$0x3FAA]  }
0x29: {  	s4 =	sld [smem:$0x3FAC]  }
0x2a: {  	p0 =	seq.s32 s5, $0x0;
	s5 =	sld [smem:$0x3FAD]  }
0x2b: {  	s6 =	sld [smem:$0x3FAE]  }
0x2c: {  	s7 =	sld [smem:$0x3FAF]  }
0x2d: {  	s3 =	simm.s32 $0x108;
	s8 =	sld [smem:$0x3FB0]  }
0x2e: {  	s3 =	simm.s32 @!p0 $0x1082;
	s9 =	sld [smem:$0x3FB1]  }
0x2f: {  	lr =	sadd.s32 s0, s3;
	s0 =	sld [smem:$0x3FA8]  }
0x30: {  	s3 =	sld [smem:$0x3FAB]  }
0x31: {  	[smem:$0x3FB4] =	sst s10  }
0x32: {  	s10 =	sld [smem:$0x3FB2];
	_ =	sdelay $0x3  }
0x33: {  	p0 =	seq.s32 s10, $0x1;
	s10 =	sld [smem:$0x3FB4];
	_ =	sdelay $0x3  }
0x34: {  	[smem:$0x3FB4] =	sst s10  }
0x35: {  	s10 =	sld [smem:$0x3FB3];
	_ =	sdelay $0x3  }
0x36: {  	p1 =	seq.s32 s10, $0x1;
	s10 =	sld [smem:$0x3FB4];
	_ =	sdelay $0x3  }
0x37: {  	[smem:$0x3FB4] =	sst s10  }
0x38: {  	s10 =	sld [smem:$0x3FB5]  }
0x39: {  	_ = 	snop;
	(pc) =	sbr.ind lr, $3  }
0x3a: {  	_ = 	snop  }
0x3b: {  	_ = 	snop  }
0x3c: {  	p2 =	seq.s32 s10, $0x1;
	s10 =	sld [smem:$0x3FB4]  }
0x3d: {  	_ =	shalt  }
0x3e: {  	_ =	shalt  }
0x3f: {  	_ =	shalt  }
0x40: {  	_ =	shalt  }
0x41: {  	_ =	shalt  }
0x42: {  	_ =	shalt  }
0x43: {  	_ =	shalt  }
0x44: {  	_ =	shalt  }
0x45: {  	_ =	shalt  }
0x46: {  	_ =	shalt  }
0x47: {  	_ =	shalt  }
0x48: {  	_ =	shalt  }
0x49: {  	_ =	shalt  }
0x4a: {  	_ =	shalt  }
0x4b: {  	_ =	shalt  }
0x4c: {  	_ =	shalt  }
0x4d: {  	_ =	shalt  }
0x4e: {  	_ =	shalt  }
0x4f: {  	_ =	shalt  }
0x50: {  	_ =	shalt  }
0x51: {  	_ =	shalt  }
0x52: {  	_ =	shalt  }
0x53: {  	_ =	shalt  }
0x54: {  	_ =	shalt  }
0x55: {  	_ =	shalt  }
0x56: {  	_ =	shalt  }
0x57: {  	_ =	shalt  }
0x58: {  	_ =	shalt  }
0x59: {  	_ =	shalt  }
0x5a: {  	_ =	shalt  }
0x5b: {  	_ =	shalt  }
0x5c: {  	_ =	shalt  }
0x5d: {  	_ =	shalt  }
0x5e: {  	_ =	shalt  }
0x5f: {  	_ =	shalt  }
0x60: {  	_ =	shalt  }
0x61: {  	_ =	shalt  }
0x62: {  	_ =	shalt  }
0x63: {  	_ =	shalt  }
0x64: {  	_ =	shalt  }
0x65: {  	_ =	shalt  }
0x66: {  	_ =	shalt  }
0x67: {  	_ =	shalt  }
0x68: {  	_ =	shalt  }
0x69: {  	_ =	shalt  }
0x6a: {  	_ =	shalt  }
0x6b: {  	_ =	shalt  }
0x6c: {  	_ =	shalt  }
0x6d: {  	_ =	shalt  }
0x6e: {  	_ =	shalt  }
0x6f: {  	_ =	shalt  }
0x70: {  	_ =	shalt  }
0x71: {  	_ =	shalt  }
0x72: {  	_ =	shalt  }
0x73: {  	_ =	shalt  }
0x74: {  	_ =	shalt  }
0x75: {  	_ =	shalt  }
0x76: {  	_ =	shalt  }
0x77: {  	_ =	shalt  }
0x78: {  	_ =	shalt  }
0x79: {  	_ =	shalt  }
0x7a: {  	_ =	shalt  }
0x7b: {  	_ =	shalt  }
0x7c: {  	_ =	shalt  }
0x7d: {  	_ =	shalt  }
0x7e: {  	_ =	shalt  }
0x7f: {  	_ =	shalt  }
0x80: {  	_ =	shalt  }
0x81: {  	_ =	shalt  }
0x82: {  	_ =	shalt  }
0x83: {  	_ =	shalt  }
0x84: {  	_ =	shalt  }
0x85: {  	_ =	shalt  }
0x86: {  	_ =	shalt  }
0x87: {  	_ =	shalt  }
.Lfunc_end0:
.L_simem_size_0:
called_computation_lowered:
.L_overlay_start_0:
0x88: {  	s2 =	sld [smem:$0x3FD9]  }
0x89: {  	s3 =	sld [smem:$0x3FFE];
	_ =	sdelay $0x1  }
0x8a: {  	s1 =	srdreg.scid  }
0x8b: {  	s0 =	sand.u32 $0x1, s1  }
0x8c: {  	s17 =	sshll.u32 s0, $0xA;
	s2 =	sadd.s32 s3, s2  }
0x8d: {  	s2 =	sadd.s32 s2, s17  }
0x8e: {  	[smem:$0x3FC0] =	sst s2  }
0x8f: {  	_ = 	snop  }
0x90: {  	s2 =	sld [smem:$0x3FD0];
	(tm) =	ssettm $0x1  }
0x91: {  	s18 =	sld [smem:$0x3FFB];
	_ =	sdelay $0x3  }
0x92: {  	_ =	strace s18  }
0x93: {  	s3 =	sld [smem:$0x3FFC];
	_ =	sdelay $0x3  }
0x94: {  	_ =	strace s3  }
0x95: {  	s3 =	sld [smem:$0x3FFD];
	_ =	sdelay $0x3  }
0x96: {  	_ =	strace s3  }
0x97: {  	_ =	strace $0x8FFFFFFF  }
0x98: {  	s19 =	sld [smem:$0x3FDB];
	_ =	sdelay $0x1  }
0x99: {  	s4 =	simm.s32 $_scs_section_size  }
0x9a: {  	s5 =	simm.s32 $_size__tile_overlayer_lowered;
	s6 =	simm.s32 $_tile_overlayer_lowered  }
0x9b: {  	s22 =	simm.s32 $0x1BFF;
	s21 =	sshll.u32 s6, $0x1;
	s3 =	sadd.s32 s4, s19  }
0x9c: {  	s7 =	simm.s32 $0x0;
	s20 =	sshll.u32 s5, $0x1;
	s5 =	sadd.s32 s21, s3  }
0x9d: {  	[timem:s7], [sflag:s22] =	dma.local [hbm:s5], s20  }
0x9e: {  	_ =	swait.ge [sflag:s22], s20  }
0x9f: {  	s4 =	ssub.s32 $0x0, s20;
	[sflag:s22] =	ssyncset.done $0x0  }
0xa0: {  	[sflag:s22] =	ssyncadd.s32 s4;
	_ =	sdelay $0x1  }
0xa1: {  	s23 =	simm.s32 $0x1B8B  }
0xa2: {  	_ =	swait.ge [sflag:s23], $0x1  }
0xa3: {  	[sflag:s23] =	ssyncset.done $0x0  }
0xa4: {  	s25 =	simm.s32 $0x1B8E;
	s24 =	sld [smem:$0x3FFE];
	[sflag:s23] =	ssyncadd.s32 $0xFFFFFFFF  }
0xa5: {  	s26 =	simm.s32 $execute0_lowered;
	[smem:$0x3FD2] =	sst s25  }
0xa6: {  	s5 =	sshll.u32 s26, $0x1;
	_ =	strace $0x80000046;
	[dreg:$0x1] =	wrdreg $0xFFFFFFFF  }
0xa7: {  	s28 =	simm.s32 $_size_execute0_lowered;
	s3 =	sadd.s32 s3, s5;
	[dreg:$0x0] =	wrdreg $0x0  }
0xa8: {  	s5 =	sshll.u32 s28, $0x1;
	[dreg:$0x2] =	wrdreg s3  }
0xa9: {  	[dreg:$0x3] =	wrdreg s5  }
0xaa: {  	[dreg:$0x4] =	wrdreg $0xC0  }
0xab: {  	_ =	task [dreg:s7], $0x5FFFF  }
0xac: {  	[dreg:$0x1] =	wrdreg $0xFFFFFFFF  }
0xad: {  	[dreg:$0x0] =	wrdreg $0x60  }
0xae: {  	[dreg:$0x2] =	wrdreg s24  }
0xaf: {  	[dreg:$0x3] =	wrdreg s2  }
0xb0: {  	[dreg:$0x4] =	wrdreg $0x55C00  }
0xb1: {  	[dreg:$0x5] =	wrdreg $0x7D400  }
0xb2: {  	[dreg:$0x6] =	wrdreg $0x9  }
0xb3: {  	_ =	task.clear_ibuf [dreg:s7], $0x7FFFF;
	_ =	strace $0x90000046  }
0xb4: {  	s29 =	simm.s32 $0x9;
	_ =	strace $0x80000048  }
0xb5: {  	_ =	swait.ge [sflag:s29], $0x1  }
0xb6: {  	[sflag:s29] =	ssyncadd.s32 $0xFFFFFFFF  }
0xb7: {  	_ =	strace $0x90000048  }
0xb8: {  	_ =	sfence  }
0xb9: {  	s30 =	sld [smem:$0x0];
	_ =	sdelay $0x2  }
0xba: {  	s31 =	sshll.u32 s1, $0xD;
	s1 =	sshrl.u32 s1, $0x2  }
0xbb: {  	s3 =	sand.u32 $0x4000, s31;
	s1 =	sadd.s32 s1, s30  }
0xbc: {  	s0 =	sor.u32 s3, s0;
	s1 =	sshll.u32 s1, $0x11  }
0xbd: {  	s0 =	sor.u32 s1, s0  }
0xbe: {  	s0 =	sadd.s32 $0x8F2B, s0  }
0xbf: {  	[sflag:s0] =	ssyncadd.remote.s32 $0x1  }
0xc0: {  	_ =	sfence.sel $0xFFFF  }
0xc1: {  	[dreg:$0x0] =	wrdreg $0xFFFFFFFF;
	(pc) =	sbr.abs _section_cstart, $3  }
0xc2: {  	[dreg:$0x1] =	wrdreg $0xFFFFFFFF  }
0xc3: {  	_ =	task.clear_ibuf [dreg:s7], $0x2FFFF;
	_ =	strace $0x9FFFFFFF  }
0xc4: {  	(tm) =	ssettm $0x7FFFFFFF  }
0xc5: {  	_ =	shalt  }
tec
execute0_lowered:
.L_overlay_start_1:
0x0: {  	(tag) =	ssettag $0x1  }
0x1: {  	s6 =	rddreg [dreg:$0x0]  }
0x2: {  	s8 =	rddreg [dreg:$0x1]  }
0x3: {  	s0 =	srdreg.scid;
	s2 =	rddreg [dreg:$0x2]  }
0x4: {  	s3 =	rddreg [dreg:$0x3];
	s4 =	simm.s32 $0x0;
	s16 =	simm.s32 $0x70  }
0x5: {  	s17 =	simm.s32 $0x4EC0;
	s5 =	sand.u32 $0x1, s0;
	s0 =	stileid.u32  }
0x6: {  	s18 =	simm.s32 $0x0;
	[smem:$0x7FF] =	sst s4;
	s9 =	smul.u32 $0x2780, s0  }
0x7: {  	s1 =	sshll.u32 s5, $0x4;
	s10 =	smul.u32 $0x27800, s5;
	s11 =	ssub.s32 $0x2, s5  }
0x8: {  	s5 =	sadd.s32 $0x16800, s6;
	s31 =	sshll.u32 s0, $0x6;
	s1 =	sor.u32 s0, s1  }
0x9: {  	s12 =	sshrl.u32 s11, $0x1;
	s7 =	smul.u32 $0x4EC, s1;
	s1 =	rddreg [dreg:$0x4]  }
0xa: {  	_ =	strace $0x80000047;
	s10 =	sadd.s32 s9, s10;
	s11 =	ssub.s32 s11, s12  }
0xb: {  	s14 =	sadd.s32 s9, s2;
	s15 =	sadd.s32 s9, s3;
	s12 =	simm.s32 $0x2760  }
0xc: {  	s10 =	sshrl.u32 s10, $0x3;
	s14 =	sshrl.u32 s14, $0x3;
	s15 =	sshrl.u32 s15, $0x3  }
0xd: {  	s7 =	sadd.s32 s7, s6;
	s13 =	sadd.s32 s10, s6;
	s8 =	sadd.s32 s8, s10  }
0xe: {  	s10 =	smax.u32 s11, $0x1;
	s11 =	simm.s32 $0x1;
	s6 =	sadd.s32 $0xCA00, s7  }
0xf: {  	v0 =	vimm.f32 $1.000000000e+00;
	s7 =	sadd.s32 $0x2C00, s7;
	s9 =	sadd.s32 $0x16E00, s13;
	s13 =	sor.u32 $0x1C01, s31  }
.LBB2_1:
0x10: {  	[tilespmem:s4], [sflag:$0x1] =	stream.linear.gather [hbm4b:s6+s4], $0x2760, $0x38;
	[tilespmem:$0xA4C0] =	vst v63  }
0x11: {  	_ =	swait.ge [sflag:s11], $0x2760  }
0x12: {  	[sflag:s11] =	ssyncset.done $0x0  }
0x13: {  	[sflag:s11] =	ssyncadd.s32 $0xFFFFD8A0  }
0x14: {  	[tilespmem:s12], [sflag:$0x1] =	stream.linear.gather [hbm4b:s7+s4], $0x2760, $0x38;
	[tilespmem:$0xA4C0] =	vst v63  }
0x15: {  	_ =	swait.ge [sflag:s11], $0x2760  }
0x16: {  	[sflag:s11] =	ssyncset.done $0x0  }
0x17: {  	[sflag:s11] =	ssyncadd.s32 $0xFFFFD8A0  }
0x18: {  	[spmem:s14], [sflag:s13] =	dma.local [hbm:s5], $0x4F0  }
0x19: {  	_ =	swait.ge [sflag:s11], $0x4F0  }
0x1a: {  	[sflag:s11] =	ssyncset.done $0x0  }
0x1b: {  	[sflag:s11] =	ssyncadd.s32 $0xFFFFFB10  }
0x1c: {  	[spmem:s15], [sflag:s13] =	dma.local [hbm:s5], $0x4F0  }
0x1d: {  	_ =	swait.ge [sflag:s11], $0x4F0  }
0x1e: {  	[sflag:s11] =	ssyncset.done $0x0  }
0x1f: {  	[sflag:s11] =	ssyncadd.s32 $0xFFFFFB10  }
0x20: {  	[tilespmem:$0x4EC0] =	vst v0  }
0x21: {  	[tilespmem:$0x4ED0] =	vst v0  }
0x22: {  	[tilespmem:$0x4EE0] =	vst v0  }
0x23: {  	[tilespmem:$0x4EF0] =	vst v0  }
0x24: {  	[tilespmem:$0x4F00] =	vst v0  }
0x25: {  	[tilespmem:$0x4F10] =	vst v0  }
0x26: {  	[tilespmem:$0x4F20] =	vst v0  }
0x27: {  	[tilespmem:$0x4F30] =	vst v0  }
0x28: {  	[tilespmem:$0x4F40] =	vst v0  }
0x29: {  	[tilespmem:$0x4F50] =	vst v0  }
0x2a: {  	[tilespmem:$0x4F60] =	vst v0  }
0x2b: {  	[tilespmem:$0x4F70] =	vst v0  }
0x2c: {  	[tilespmem:$0x4F80] =	vst v0  }
0x2d: {  	[tilespmem:$0x4F90] =	vst v0  }
0x2e: {  	[tilespmem:$0x4FA0] =	vst v0  }
0x2f: {  	[tilespmem:$0x4FB0] =	vst v0  }
0x30: {  	[tilespmem:$0x4FC0] =	vst v0  }
0x31: {  	[tilespmem:$0x4FD0] =	vst v0  }
0x32: {  	[tilespmem:$0x4FE0] =	vst v0  }
0x33: {  	[tilespmem:$0x4FF0] =	vst v0  }
0x34: {  	[tilespmem:$0x5000] =	vst v0  }
0x35: {  	[tilespmem:$0x5010] =	vst v0  }
0x36: {  	[tilespmem:$0x5020] =	vst v0  }
0x37: {  	[tilespmem:$0x5030] =	vst v0  }
0x38: {  	[tilespmem:$0x5040] =	vst v0  }
0x39: {  	[tilespmem:$0x5050] =	vst v0  }
0x3a: {  	[tilespmem:$0x5060] =	vst v0  }
0x3b: {  	[tilespmem:$0x5070] =	vst v0  }
0x3c: {  	[tilespmem:$0x5080] =	vst v0  }
0x3d: {  	[tilespmem:$0x5090] =	vst v0  }
0x3e: {  	[tilespmem:$0x50A0] =	vst v0  }
0x3f: {  	[tilespmem:$0x50B0] =	vst v0  }
0x40: {  	[tilespmem:$0x50C0] =	vst v0  }
0x41: {  	[tilespmem:$0x50D0] =	vst v0  }
0x42: {  	[tilespmem:$0x50E0] =	vst v0  }
0x43: {  	[tilespmem:$0x50F0] =	vst v0  }
0x44: {  	[tilespmem:$0x5100] =	vst v0  }
0x45: {  	[tilespmem:$0x5110] =	vst v0  }
0x46: {  	[tilespmem:$0x5120] =	vst v0  }
0x47: {  	[tilespmem:$0x5130] =	vst v0  }
0x48: {  	[tilespmem:$0x5140] =	vst v0  }
0x49: {  	[tilespmem:$0x5150] =	vst v0  }
0x4a: {  	[tilespmem:$0x5160] =	vst v0  }
0x4b: {  	[tilespmem:$0x5170] =	vst v0  }
0x4c: {  	[tilespmem:$0x5180] =	vst v0  }
0x4d: {  	[tilespmem:$0x5190] =	vst v0  }
0x4e: {  	[tilespmem:$0x51A0] =	vst v0  }
0x4f: {  	[tilespmem:$0x51B0] =	vst v0  }
0x50: {  	[tilespmem:$0x51C0] =	vst v0  }
0x51: {  	[tilespmem:$0x51D0] =	vst v0  }
0x52: {  	[tilespmem:$0x51E0] =	vst v0  }
0x53: {  	[tilespmem:$0x51F0] =	vst v0  }
0x54: {  	[tilespmem:$0x5200] =	vst v0  }
0x55: {  	[tilespmem:$0x5210] =	vst v0  }
0x56: {  	[tilespmem:$0x5220] =	vst v0  }
0x57: {  	[tilespmem:$0x5230] =	vst v0  }
0x58: {  	[tilespmem:$0x5240] =	vst v0  }
0x59: {  	[tilespmem:$0x5250] =	vst v0  }
0x5a: {  	[tilespmem:$0x5260] =	vst v0  }
0x5b: {  	[tilespmem:$0x5270] =	vst v0  }
0x5c: {  	[tilespmem:$0x5280] =	vst v0  }
0x5d: {  	[tilespmem:$0x5290] =	vst v0  }
0x5e: {  	[tilespmem:$0x52A0] =	vst v0  }
0x5f: {  	[tilespmem:$0x52B0] =	vst v0  }
0x60: {  	[tilespmem:$0x52C0] =	vst v0  }
0x61: {  	[tilespmem:$0x52D0] =	vst v0  }
0x62: {  	[tilespmem:$0x52E0] =	vst v0  }
0x63: {  	[tilespmem:$0x52F0] =	vst v0  }
0x64: {  	[tilespmem:$0x5300] =	vst v0  }
0x65: {  	[tilespmem:$0x5310] =	vst v0  }
0x66: {  	[tilespmem:$0x5320] =	vst v0  }
0x67: {  	[tilespmem:$0x5330] =	vst v0  }
0x68: {  	[tilespmem:$0x5340] =	vst v0  }
0x69: {  	[tilespmem:$0x5350] =	vst v0  }
0x6a: {  	[tilespmem:$0x5360] =	vst v0  }
0x6b: {  	[tilespmem:$0x5370] =	vst v0  }
0x6c: {  	[tilespmem:$0x5380] =	vst v0  }
0x6d: {  	[tilespmem:$0x5390] =	vst v0  }
0x6e: {  	[tilespmem:$0x53A0] =	vst v0  }
0x6f: {  	[tilespmem:$0x53B0] =	vst v0  }
0x70: {  	[tilespmem:$0x53C0] =	vst v0  }
0x71: {  	[tilespmem:$0x53D0] =	vst v0  }
0x72: {  	[tilespmem:$0x53E0] =	vst v0  }
0x73: {  	[tilespmem:$0x53F0] =	vst v0  }
0x74: {  	[tilespmem:$0x5400] =	vst v0  }
0x75: {  	[tilespmem:$0x5410] =	vst v0  }
0x76: {  	[tilespmem:$0x5420] =	vst v0  }
0x77: {  	[tilespmem:$0x5430] =	vst v0  }
0x78: {  	[tilespmem:$0x5440] =	vst v0  }
0x79: {  	[tilespmem:$0x5450] =	vst v0  }
0x7a: {  	[tilespmem:$0x5460] =	vst v0  }
0x7b: {  	[tilespmem:$0x5470] =	vst v0  }
0x7c: {  	[tilespmem:$0x5480] =	vst v0  }
0x7d: {  	[tilespmem:$0x5490] =	vst v0  }
0x7e: {  	[tilespmem:$0x54A0] =	vst v0  }
0x7f: {  	[tilespmem:$0x54B0] =	vst v0  }
0x80: {  	[tilespmem:$0x54C0] =	vst v0  }
0x81: {  	[tilespmem:$0x54D0] =	vst v0  }
0x82: {  	[tilespmem:$0x54E0] =	vst v0  }
0x83: {  	[tilespmem:$0x54F0] =	vst v0  }
0x84: {  	[tilespmem:$0x5500] =	vst v0  }
0x85: {  	[tilespmem:$0x5510] =	vst v0  }
0x86: {  	[tilespmem:$0x5520] =	vst v0  }
0x87: {  	[tilespmem:$0x5530] =	vst v0  }
0x88: {  	[tilespmem:$0x5540] =	vst v0  }
0x89: {  	[tilespmem:$0x5550] =	vst v0  }
0x8a: {  	[tilespmem:$0x5560] =	vst v0  }
0x8b: {  	[tilespmem:$0x5570] =	vst v0  }
0x8c: {  	[tilespmem:$0x5580] =	vst v0  }
0x8d: {  	[tilespmem:$0x5590] =	vst v0  }
0x8e: {  	[tilespmem:$0x55A0] =	vst v0  }
0x8f: {  	[tilespmem:$0x55B0] =	vst v0  }
0x90: {  	s19 =	simm.s32 $0x0;
	[bflag:$0x0] =	sbarrier.arrive $0xFFFF  }
0x91: {  	[spmem:s2] =	stream.indirect.scatter.add.f32 [tilespmem:s17], [sflag:$0x1], $0x10, s19, s16, $0xb8;
	[tilespmem:$0xA4C0] =	vst v63  }
0x92: {  	_ =	swait.ge [sflag:s11], $0x700  }
0x93: {  	[sflag:s11] =	ssyncset.done $0x0  }
0x94: {  	s31 =	simm.s32 $0x2760;
	[sflag:s11] =	ssyncadd.s32 $0xFFFFF900  }
0x95: {  	[spmem:s3] =	stream.indirect.scatter.add.f32 [tilespmem:s17], [sflag:$0x1], $0x10, s31, s16, $0xb8;
	[tilespmem:$0xA4C0] =	vst v63  }
0x96: {  	_ =	swait.ge [sflag:s11], $0x700  }
0x97: {  	s20 =	simm.s32 $0x380;
	s19 =	simm.s32 $0x1C0;
	[sflag:s11] =	ssyncset.done $0x0  }
.LBB2_2:
0x98: {  	s21 =	sshra.s32 s19, $0x2  }
0x99: {  	[sflag:s11] =	ssyncadd.s32 $0xFFFFF900;
	s19 =	smov.u32 s20;
	s22 =	sadd.s32 $0x1C0, s20  }
0x9a: {  	[spmem:s2] =	stream.indirect.scatter.add.f32 [tilespmem:s17], [sflag:$0x1], $0x10, s21, s16, $0xb8;
	[tilespmem:$0xA4C0] =	vst v63  }
0x9b: {  	p0 =	sne.s32 s20, $0x9BC0;
	_ =	swait.ge [sflag:s11], $0x700  }
.Ltmp0:
0x9c: {  	[sflag:s11] =	ssyncset.done $0x0;
	(pc) =	sbr.rel @p0 .LBB2_2-.Ltmp0, $4  }
0x9d: {  	s20 =	sadd.s32 $0x2760, s21;
	[sflag:s11] =	ssyncadd.s32 $0xFFFFF900  }
0x9e: {  	[spmem:s3] =	stream.indirect.scatter.add.f32 [tilespmem:s17], [sflag:$0x1], $0x10, s20, s16, $0xb8;
	[tilespmem:$0xA4C0] =	vst v63  }
0x9f: {  	_ =	swait.ge [sflag:s11], $0x700  }
0xa0: {  	s20 =	smov.u32 s22;
	[sflag:s11] =	ssyncset.done $0x0  }
0xa1: {  	s19 =	sshra.s32 s19, $0x2;
	[sflag:s11] =	ssyncadd.s32 $0xFFFFF900  }
0xa2: {  	[spmem:s2] =	stream.indirect.scatter.add.f32 [tilespmem:s17], [sflag:$0x1], $0x10, s19, s16, $0xb8;
	[tilespmem:$0xA4C0] =	vst v63  }
0xa3: {  	_ =	swait.ge [sflag:s11], $0x700  }
0xa4: {  	[sflag:s11] =	ssyncset.done $0x0  }
0xa5: {  	s19 =	sadd.s32 $0x2760, s19;
	[sflag:s11] =	ssyncadd.s32 $0xFFFFF900  }
0xa6: {  	[spmem:s3] =	stream.indirect.scatter.add.f32 [tilespmem:s17], [sflag:$0x1], $0x10, s19, s16, $0xb8;
	[tilespmem:$0xA4C0] =	vst v63  }
0xa7: {  	_ =	swait.ge [sflag:s11], $0x700  }
0xa8: {  	[sflag:s11] =	ssyncset.done $0x0  }
0xa9: {  	[sflag:s11] =	ssyncadd.s32 $0xFFFFF900  }
0xaa: {  	[bflag:$0x0] =	sbarrier.arrive $0xFFFF  }
0xab: {  	[hbm:s8], [sflag:s13] =	dma.local [spmem:s14], $0x4F0  }
0xac: {  	s18 =	sadd.s32 $0x1, s18;
	_ =	swait.ge [sflag:s11], $0x4F0  }
0xad: {  	p0 =	sne.s32 s18, s10;
	[sflag:s11] =	ssyncset.done $0x0  }
.Ltmp1:
0xae: {  	[sflag:s11] =	ssyncadd.s32 $0xFFFFFB10;
	(pc) =	sbr.rel @p0 .LBB2_1-.Ltmp1, $4  }
0xaf: {  	[hbm:s9], [sflag:s13] =	dma.local [spmem:s15], $0x4F0  }
0xb0: {  	_ =	swait.ge [sflag:s11], $0x4F0  }
0xb1: {  	[sflag:s11] =	ssyncset.done $0x0  }
0xb2: {  	[sflag:s11] =	ssyncadd.s32 $0xFFFFFB10  }
0xb3: {  	_ =	sfence.sel $0x180000  }
0xb4: {  	[bflag:$0x0] =	sbarrier.arrive $0xFFFF  }
0xb5: {  	p0 =	sne.s32 s0, $0x0;
	_ =	strace $0x90000047  }
0xb6: {  	s0 =	sadd.s32 @!p0 $0x100000, s1;
	[bflag:$0x2] =	sbarrier.arrive $0xFFFF  }
0xb7: {  	[sflag:s0] =	ssyncadd.tile.s32 @!p0 $0x1;
	_ =	shalt  }
.Lfunc_end2:
_tile_overlayer_lowered:
.L_overlay_start_2:
0xb8: {  	(tag) =	ssettag $0x2  }
0xb9: {  	s0 =	rddreg [dreg:$0x0];
	s2 =	stileid.u32  }
0xba: {  	s1 =	rddreg [dreg:$0x1];
	p0 =	sne.s32 s2, $0x0  }
0xbb: {  	s3 =	rddreg [dreg:$0x2];
	[bflag:$0x3] =	sbarrier.arrive $0xFFFF;
	s2 =	simm.s32 @!p0 $0x1C01  }
0xbc: {  	[timem:s3], [sflag:s2] =	dma.local @!p0 [hbm:s0], s1  }
0xbd: {  	s0 =	simm.s32 @!p0 $0x1  }
0xbe: {  	_ =	swait.ge @!p0 [sflag:s0], s1  }
0xbf: {  	s1 =	ssub.s32 @!p0 $0x0, s1;
	[sflag:s0] =	ssyncset.done @!p0 $0x0  }
0xc0: {  	[sflag:s0] =	ssyncadd.s32 @!p0 s1  }
0xc1: {  	[bflag:$0x3] =	sbarrier.arrive $0xFFFF  }
0xc2: {  	_ =	shalt  }

// kernel: kernel.13.cloned.1.call-start
scs
__scs_entry_jumppad:
0x0: {  	(pc) =	sbr.rel $0x88, $3  }
0x1: {  	(tag) =	ssettag $0x0;
	lr =	simm.s32 $0x1  }
0x2: {  	[smem:$0x3F99] =	sst lr;
	_ =	strace $0xD0000000  }
0x3: {  	_ = 	snop  }
0x4: {  	_ = 	snop  }
0x5: {  	_ = 	snop  }
0x6: {  	_ = 	snop  }
0x7: {  	_ = 	snop  }
__scs_overlays_trampoline_lowered:
0x8: {  	[smem:$0x3FA8] =	sst s0  }
0x9: {  	[smem:$0x3FA9] =	sst s1  }
0xa: {  	[smem:$0x3FAA] =	sst s2  }
0xb: {  	[smem:$0x3FAB] =	sst s3  }
0xc: {  	[smem:$0x3FAC] =	sst s4  }
0xd: {  	[smem:$0x3FAD] =	sst s5  }
0xe: {  	[smem:$0x3FAE] =	sst s6  }
0xf: {  	[smem:$0x3FAF] =	sst s7  }
0x10: {  	[smem:$0x3FB0] =	sst s8  }
0x11: {  	[smem:$0x3FB1] =	sst s9;
	s0 =	simm.s32 @!p0 $0x0  }
0x12: {  	s1 =	sld [smem:$0x3F97];
	s0 =	simm.s32 @p0 $0x1  }
0x13: {  	[smem:$0x3FB2] =	sst s0;
	s0 =	simm.s32 @!p1 $0x0  }
0x14: {  	s2 =	sld [smem:$0x3F96];
	s0 =	simm.s32 @p1 $0x1  }
0x15: {  	[smem:$0x3FB3] =	sst s0;
	s0 =	simm.s32 @!p2 $0x0  }
0x16: {  	s3 =	sld [smem:$0x3FDB];
	s0 =	simm.s32 @p2 $0x1  }
0x17: {  	s4 =	simm.s32 $0x1BF5;
	[smem:$0x3FB5] =	sst s0  }
0x18: {  	s0 =	sld [smem:$0x3F98];
	_ =	swait.ge [sflag:s4], $0x0  }
0x19: {  	s7 =	sld [smem:$0x3F99]  }
0x1a: {  	s8 =	sadd.s32 $0xFFFFE003, lr  }
0x1b: {  	s9 =	sadd.s32 $0xFFFFFEF7, lr;
	s5 =	simm.s32 $0xFFFFFFFF;
	p2 =	slt.u32 s8, $0xFFFFF086  }
0x1c: {  	p1 =	slt.u32 s9, $0xF7A;
	s5 =	simm.s32 @!p2 $0x0  }
0x1d: {  	s5 =	simm.s32 @p1 $0x1;
	p0 =	seq.s32 s7, s2  }
0x1e: {  	s7 =	smul.u32 @!p0 $0xF7A, s2;
	p2 =	seq.s32 @!p0 s5, $0x0  }
0x1f: {  	s9 =	smul.u32 $0xF7A, s1;
	s8 =	simm.s32 @!p0 $0x1BF5;
	p2 =	por !p2, p0  }
0x20: {  	[sflag:s8] =	ssyncset.s32 @!p0 $0xFFFFF086;
	s6 =	sadd.s32 @!p0 s3, s7;
	s7 =	simm.s32 @!p0 $0x108  }
0x21: {  	s3 =	sadd.s32 s3, s9;
	s6 =	sadd.s32 @!p0 $0x88, s6;
	s7 =	simm.s32 @p2 $0x1082  }
0x22: {  	[simem:s7], [sflag:s8] =	dma.local @!p0 [hbm:s6], $0xF7A  }
0x23: {  	s9 =	sor.u32 $0xD0000000, s2;
	s6 =	simm.s32 $0x108;
	_ =	swait.ge @!p0 [sflag:s8], $0x0  }
0x24: {  	s3 =	sadd.s32 $0x88, s3;
	s6 =	simm.s32 @!p1 $0x1082;
	[sflag:s4] =	ssyncset.s32 $0xFFFFF086  }
0x25: {  	[simem:s6], [sflag:s4] =	dma.local [hbm:s3], $0xF7A  }
0x26: {  	[smem:$0x3F99] =	sst s1;
	(tag) =	ssettag s2;
	_ =	strace s9  }
0x27: {  	s1 =	sld [smem:$0x3FA9]  }
0x28: {  	s2 =	sld [smem:$0x3FAA]  }
0x29: {  	s4 =	sld [smem:$0x3FAC]  }
0x2a: {  	p0 =	seq.s32 s5, $0x0;
	s5 =	sld [smem:$0x3FAD]  }
0x2b: {  	s6 =	sld [smem:$0x3FAE]  }
0x2c: {  	s7 =	sld [smem:$0x3FAF]  }
0x2d: {  	s3 =	simm.s32 $0x108;
	s8 =	sld [smem:$0x3FB0]  }
0x2e: {  	s3 =	simm.s32 @!p0 $0x1082;
	s9 =	sld [smem:$0x3FB1]  }
0x2f: {  	lr =	sadd.s32 s0, s3;
	s0 =	sld [smem:$0x3FA8]  }
0x30: {  	s3 =	sld [smem:$0x3FAB]  }
0x31: {  	[smem:$0x3FB4] =	sst s10  }
0x32: {  	s10 =	sld [smem:$0x3FB2];
	_ =	sdelay $0x3  }
0x33: {  	p0 =	seq.s32 s10, $0x1;
	s10 =	sld [smem:$0x3FB4];
	_ =	sdelay $0x3  }
0x34: {  	[smem:$0x3FB4] =	sst s10  }
0x35: {  	s10 =	sld [smem:$0x3FB3];
	_ =	sdelay $0x3  }
0x36: {  	p1 =	seq.s32 s10, $0x1;
	s10 =	sld [smem:$0x3FB4];
	_ =	sdelay $0x3  }
0x37: {  	[smem:$0x3FB4] =	sst s10  }
0x38: {  	s10 =	sld [smem:$0x3FB5]  }
0x39: {  	_ = 	snop;
	(pc) =	sbr.ind lr, $3  }
0x3a: {  	_ = 	snop  }
0x3b: {  	_ = 	snop  }
0x3c: {  	p2 =	seq.s32 s10, $0x1;
	s10 =	sld [smem:$0x3FB4]  }
0x3d: {  	_ =	shalt  }
0x3e: {  	_ =	shalt  }
0x3f: {  	_ =	shalt  }
0x40: {  	_ =	shalt  }
0x41: {  	_ =	shalt  }
0x42: {  	_ =	shalt  }
0x43: {  	_ =	shalt  }
0x44: {  	_ =	shalt  }
0x45: {  	_ =	shalt  }
0x46: {  	_ =	shalt  }
0x47: {  	_ =	shalt  }
0x48: {  	_ =	shalt  }
0x49: {  	_ =	shalt  }
0x4a: {  	_ =	shalt  }
0x4b: {  	_ =	shalt  }
0x4c: {  	_ =	shalt  }
0x4d: {  	_ =	shalt  }
0x4e: {  	_ =	shalt  }
0x4f: {  	_ =	shalt  }
0x50: {  	_ =	shalt  }
0x51: {  	_ =	shalt  }
0x52: {  	_ =	shalt  }
0x53: {  	_ =	shalt  }
0x54: {  	_ =	shalt  }
0x55: {  	_ =	shalt  }
0x56: {  	_ =	shalt  }
0x57: {  	_ =	shalt  }
0x58: {  	_ =	shalt  }
0x59: {  	_ =	shalt  }
0x5a: {  	_ =	shalt  }
0x5b: {  	_ =	shalt  }
0x5c: {  	_ =	shalt  }
0x5d: {  	_ =	shalt  }
0x5e: {  	_ =	shalt  }
0x5f: {  	_ =	shalt  }
0x60: {  	_ =	shalt  }
0x61: {  	_ =	shalt  }
0x62: {  	_ =	shalt  }
0x63: {  	_ =	shalt  }
0x64: {  	_ =	shalt  }
0x65: {  	_ =	shalt  }
0x66: {  	_ =	shalt  }
0x67: {  	_ =	shalt  }
0x68: {  	_ =	shalt  }
0x69: {  	_ =	shalt  }
0x6a: {  	_ =	shalt  }
0x6b: {  	_ =	shalt  }
0x6c: {  	_ =	shalt  }
0x6d: {  	_ =	shalt  }
0x6e: {  	_ =	shalt  }
0x6f: {  	_ =	shalt  }
0x70: {  	_ =	shalt  }
0x71: {  	_ =	shalt  }
0x72: {  	_ =	shalt  }
0x73: {  	_ =	shalt  }
0x74: {  	_ =	shalt  }
0x75: {  	_ =	shalt  }
0x76: {  	_ =	shalt  }
0x77: {  	_ =	shalt  }
0x78: {  	_ =	shalt  }
0x79: {  	_ =	shalt  }
0x7a: {  	_ =	shalt  }
0x7b: {  	_ =	shalt  }
0x7c: {  	_ =	shalt  }
0x7d: {  	_ =	shalt  }
0x7e: {  	_ =	shalt  }
0x7f: {  	_ =	shalt  }
0x80: {  	_ =	shalt  }
0x81: {  	_ =	shalt  }
0x82: {  	_ =	shalt  }
0x83: {  	_ =	shalt  }
0x84: {  	_ =	shalt  }
0x85: {  	_ =	shalt  }
0x86: {  	_ =	shalt  }
0x87: {  	_ =	shalt  }
.Lfunc_end0:
.L_simem_size_0:
called_computation.1_lowered:
.L_overlay_start_0:
0x88: {  	s2 =	sld [smem:$0x3FD9]  }
0x89: {  	s3 =	sld [smem:$0x3FFE];
	_ =	sdelay $0x1  }
0x8a: {  	s1 =	srdreg.scid  }
0x8b: {  	s0 =	sand.u32 $0x1, s1  }
0x8c: {  	s17 =	sshll.u32 s0, $0xA;
	s2 =	sadd.s32 s3, s2  }
0x8d: {  	s2 =	sadd.s32 s2, s17  }
0x8e: {  	[smem:$0x3FC0] =	sst s2  }
0x8f: {  	_ = 	snop  }
0x90: {  	s2 =	sld [smem:$0x3FD0];
	(tm) =	ssettm $0x1  }
0x91: {  	s18 =	sld [smem:$0x3FFB];
	_ =	sdelay $0x3  }
0x92: {  	_ =	strace s18  }
0x93: {  	s3 =	sld [smem:$0x3FFC];
	_ =	sdelay $0x3  }
0x94: {  	_ =	strace s3  }
0x95: {  	s3 =	sld [smem:$0x3FFD];
	_ =	sdelay $0x3  }
0x96: {  	_ =	strace s3  }
0x97: {  	_ =	strace $0x8FFFFFFF  }
0x98: {  	s19 =	sld [smem:$0x3FDB];
	_ =	sdelay $0x1  }
0x99: {  	s4 =	simm.s32 $_scs_section_size  }
0x9a: {  	s5 =	simm.s32 $_size__tile_overlayer_lowered;
	s6 =	simm.s32 $_tile_overlayer_lowered  }
0x9b: {  	s22 =	simm.s32 $0x1BFF;
	s21 =	sshll.u32 s6, $0x1;
	s3 =	sadd.s32 s4, s19  }
0x9c: {  	s7 =	simm.s32 $0x0;
	s20 =	sshll.u32 s5, $0x1;
	s5 =	sadd.s32 s21, s3  }
0x9d: {  	[timem:s7], [sflag:s22] =	dma.local [hbm:s5], s20  }
0x9e: {  	_ =	swait.ge [sflag:s22], s20  }
0x9f: {  	s4 =	ssub.s32 $0x0, s20;
	[sflag:s22] =	ssyncset.done $0x0  }
0xa0: {  	[sflag:s22] =	ssyncadd.s32 s4;
	_ =	sdelay $0x1  }
0xa1: {  	s23 =	simm.s32 $0x1B8B  }
0xa2: {  	_ =	swait.ge [sflag:s23], $0x1  }
0xa3: {  	[sflag:s23] =	ssyncset.done $0x0  }
0xa4: {  	s25 =	simm.s32 $0x1B8E;
	s24 =	sld [smem:$0x3FFE];
	[sflag:s23] =	ssyncadd.s32 $0xFFFFFFFF  }
0xa5: {  	s26 =	simm.s32 $execute0_lowered;
	[smem:$0x3FD2] =	sst s25  }
0xa6: {  	s5 =	sshll.u32 s26, $0x1;
	_ =	strace $0x80000049;
	[dreg:$0x1] =	wrdreg $0xFFFFFFFF  }
0xa7: {  	s28 =	simm.s32 $_size_execute0_lowered;
	s3 =	sadd.s32 s3, s5;
	[dreg:$0x0] =	wrdreg $0x0  }
0xa8: {  	s5 =	sshll.u32 s28, $0x1;
	[dreg:$0x2] =	wrdreg s3  }
0xa9: {  	[dreg:$0x3] =	wrdreg s5  }
0xaa: {  	[dreg:$0x4] =	wrdreg $0xC0  }
0xab: {  	_ =	task [dreg:s7], $0x5FFFF  }
0xac: {  	[dreg:$0x1] =	wrdreg $0xFFFFFFFF  }
0xad: {  	[dreg:$0x0] =	wrdreg $0x60  }
0xae: {  	[dreg:$0x2] =	wrdreg s24  }
0xaf: {  	[dreg:$0x3] =	wrdreg s2  }
0xb0: {  	[dreg:$0x4] =	wrdreg $0xBFA00  }
0xb1: {  	[dreg:$0x5] =	wrdreg $0x9  }
0xb2: {  	_ =	task.clear_ibuf [dreg:s7], $0x6FFFF;
	_ =	strace $0x90000049  }
0xb3: {  	s29 =	simm.s32 $0x9;
	_ =	strace $0x8000004B  }
0xb4: {  	_ =	swait.ge [sflag:s29], $0x1  }
0xb5: {  	[sflag:s29] =	ssyncadd.s32 $0xFFFFFFFF  }
0xb6: {  	_ =	strace $0x9000004B  }
0xb7: {  	_ =	sfence  }
0xb8: {  	s30 =	sld [smem:$0x0];
	_ =	sdelay $0x2  }
0xb9: {  	s31 =	sshll.u32 s1, $0xD;
	s1 =	sshrl.u32 s1, $0x2  }
0xba: {  	s3 =	sand.u32 $0x4000, s31;
	s1 =	sadd.s32 s1, s30  }
0xbb: {  	s0 =	sor.u32 s3, s0;
	s1 =	sshll.u32 s1, $0x11  }
0xbc: {  	s0 =	sor.u32 s1, s0  }
0xbd: {  	s0 =	sadd.s32 $0x8F2B, s0  }
0xbe: {  	[sflag:s0] =	ssyncadd.remote.s32 $0x1  }
0xbf: {  	_ =	sfence.sel $0xFFFF  }
0xc0: {  	[dreg:$0x0] =	wrdreg $0xFFFFFFFF;
	(pc) =	sbr.abs _section_cstart, $3  }
0xc1: {  	[dreg:$0x1] =	wrdreg $0xFFFFFFFF  }
0xc2: {  	_ =	task.clear_ibuf [dreg:s7], $0x2FFFF;
	_ =	strace $0x9FFFFFFF  }
0xc3: {  	(tm) =	ssettm $0x7FFFFFFF  }
tec
execute0_lowered:
.L_overlay_start_1:
0x0: {  	(tag) =	ssettag $0x1  }
0x1: {  	s6 =	rddreg [dreg:$0x0]  }
0x2: {  	s2 =	rddreg [dreg:$0x1]  }
0x3: {  	s3 =	rddreg [dreg:$0x2]  }
0x4: {  	s0 =	rddreg [dreg:$0x3];
	s1 =	stileid.u32  }
0x5: {  	s5 =	srdreg.scid;
	s4 =	simm.s32 $0x0;
	s15 =	simm.s32 $0x70  }
0x6: {  	s16 =	simm.s32 $0x4FA0;
	s17 =	simm.s32 $0x87A0;
	s18 =	simm.s32 $0x4F30  }
0x7: {  	s19 =	simm.s32 $0x1;
	s20 =	simm.s32 $0x3;
	s21 =	simm.s32 $0x2  }
0x8: {  	s22 =	simm.s32 $0x4;
	s23 =	simm.s32 $0x0;
	s7 =	smul.u32 $0x9D8, s1  }
0x9: {  	s11 =	sand.u32 $0x1, s5;
	s8 =	smul.u32 $0x13C00, s1;
	[smem:$0x7FF] =	sst s4  }
0xa: {  	s10 =	sadd.s32 $0x2C00, s6;
	s14 =	smul.u32 $0x4EC0, s1;
	s31 =	sshll.u32 s1, $0x6  }
0xb: {  	s5 =	smul.u32 $0x13C000, s11;
	_ =	strace $0x8000004A;
	s13 =	ssub.s32 $0x2, s11  }
0xc: {  	p0 =	sne.s32 s11, $0x0;
	s11 =	simm.s32 $0x5;
	s9 =	sadd.s32 s7, s6  }
0xd: {  	s28 =	sshrl.u32 s13, $0x1;
	s29 =	sshrl.u32 s14, $0x3;
	s30 =	sadd.s32 s8, s3  }
.Ltmp0:
0xe: {  	s7 =	sadd.s32 s10, s7;
	s14 =	simm.s32 $0x4EC0;
	(pc) =	sbr.rel .LBB2_1-.Ltmp0, $4  }
0xf: {  	s5 =	sadd.s32 s8, s5;
	s13 =	ssub.s32 s13, s28;
	s10 =	sadd.s32 s10, s29  }
0x10: {  	s12 =	sshrl.u32 s5, $0x3;
	s5 =	sadd.s32 $0x6FC00, s6;
	s10 =	sadd.s32 $0x9CA, s10  }
0x11: {  	s12 =	sadd.s32 s12, s6;
	s6 =	sadd.s32 $0xCA00, s9;
	s9 =	smax.u32 s13, $0x1  }
0x12: {  	s13 =	sshrl.u32 s30, $0x3;
	s8 =	sadd.s32 $0x97400, s12;
	s12 =	sor.u32 $0x1C05, s31  }
.LBB2_4:
0x13: {  	[tilespmem:s17], [sflag:$0x2] =	stream.indirect.gather [hbm4b:s5+s15], $0x80, s26, s15, $0xb8;
	[tilespmem:$0x1FBA0] =	vst v63  }
0x14: {  	s29 =	sadd.s32 $0x9CA, s25  }
0x15: {  	[tilespmem:s18], [sflag:$0x4] =	stream.linear.gather [hbm4b:s29+s4], $0x70, $0x38;
	[tilespmem:$0x1FBA0] =	vst v63  }
0x16: {  	_ =	swait.ge [sflag:s19], $0x3800  }
0x17: {  	[sflag:s19] =	ssyncset.done $0x0  }
0x18: {  	[sflag:s19] =	ssyncadd.s32 $0xFFFFC800  }
0x19: {  	_ =	swait.ge [sflag:s20], $0x70  }
0x1a: {  	[sflag:s20] =	ssyncset.done $0x0  }
0x1b: {  	[sflag:s20] =	ssyncadd.s32 $0xFFFFFF90  }
0x1c: {  	[spmem:s3] =	stream.indirect.scatter.add.f32 [tilespmem:s16], [sflag:$0x5], $0x80, s14, s15, $0xb8;
	[tilespmem:$0x1FBA0] =	vst v63  }
0x1d: {  	_ =	swait.ge [sflag:s11], $0x3800  }
0x1e: {  	[sflag:s11] =	ssyncset.done $0x0  }
0x1f: {  	s30 =	sadd.s32 $0xFFFFFF90, s24;
	[sflag:s11] =	ssyncadd.s32 $0xFFFFC800  }
0x20: {  	[tilespmem:s16], [sflag:$0x1] =	stream.indirect.gather [hbm4b:s5+s15], $0x80, s30, s15, $0xb8;
	[tilespmem:$0x1FBA0] =	vst v63  }
0x21: {  	s31 =	sadd.s32 $0x9D8, s25  }
0x22: {  	[tilespmem:s14], [sflag:$0x3] =	stream.linear.gather [hbm4b:s31+s4], $0x70, $0x38;
	[tilespmem:$0x1FBA0] =	vst v63  }
0x23: {  	_ =	swait.ge [sflag:s21], $0x3800  }
0x24: {  	[sflag:s21] =	ssyncset.done $0x0  }
0x25: {  	[sflag:s21] =	ssyncadd.s32 $0xFFFFC800  }
0x26: {  	_ =	swait.ge [sflag:s22], $0x70  }
0x27: {  	[sflag:s22] =	ssyncset.done $0x0  }
0x28: {  	[sflag:s22] =	ssyncadd.s32 $0xFFFFFF90  }
0x29: {  	[spmem:s3] =	stream.indirect.scatter.add.f32 [tilespmem:s17], [sflag:$0x5], $0x80, s18, s15, $0xb8;
	[tilespmem:$0x1FBA0] =	vst v63  }
0x2a: {  	_ =	swait.ge [sflag:s11], $0x3800  }
0x2b: {  	[sflag:s11] =	ssyncset.done $0x0  }
0x2c: {  	[sflag:s11] =	ssyncadd.s32 $0xFFFFC800  }
0x2d: {  	[tilespmem:s17], [sflag:$0x2] =	stream.indirect.gather [hbm4b:s5+s15], $0x80, s24, s15, $0xb8;
	[tilespmem:$0x1FBA0] =	vst v63  }
0x2e: {  	_ = 	snop  }
0x2f: {  	[tilespmem:s18], [sflag:$0x4] =	stream.linear.gather [hbm4b:s10+s4], $0x70, $0x38;
	[tilespmem:$0x1FBA0] =	vst v63  }
0x30: {  	_ =	swait.ge [sflag:s19], $0x3800  }
0x31: {  	[sflag:s19] =	ssyncset.done $0x0  }
0x32: {  	[sflag:s19] =	ssyncadd.s32 $0xFFFFC800  }
0x33: {  	_ =	swait.ge [sflag:s20], $0x70  }
0x34: {  	[sflag:s20] =	ssyncset.done $0x0  }
0x35: {  	[sflag:s20] =	ssyncadd.s32 $0xFFFFFF90  }
0x36: {  	[spmem:s3] =	stream.indirect.scatter.add.f32 [tilespmem:s16], [sflag:$0x5], $0x80, s14, s15, $0xb8;
	[tilespmem:$0x1FBA0] =	vst v63  }
0x37: {  	_ =	swait.ge [sflag:s11], $0x3800  }
0x38: {  	[sflag:s11] =	ssyncset.done $0x0  }
0x39: {  	[sflag:s11] =	ssyncadd.s32 $0xFFFFC800  }
0x3a: {  	_ =	swait.ge [sflag:s21], $0x3800  }
0x3b: {  	[sflag:s21] =	ssyncset.done $0x0  }
0x3c: {  	[sflag:s21] =	ssyncadd.s32 $0xFFFFC800  }
0x3d: {  	_ =	swait.ge [sflag:s22], $0x70  }
0x3e: {  	[sflag:s22] =	ssyncset.done $0x0  }
0x3f: {  	[sflag:s22] =	ssyncadd.s32 $0xFFFFFF90  }
0x40: {  	[spmem:s3] =	stream.indirect.scatter.add.f32 [tilespmem:s17], [sflag:$0x5], $0x80, s18, s15, $0xb8;
	[tilespmem:$0x1FBA0] =	vst v63  }
0x41: {  	_ =	swait.ge [sflag:s11], $0x3800  }
0x42: {  	[sflag:s11] =	ssyncset.done $0x0  }
0x43: {  	[sflag:s11] =	ssyncadd.s32 $0xFFFFC800  }
.LBB2_5:
0x44: {  	s23 =	sadd.s32 $0x1, s23  }
0x45: {  	p1 =	sne.s32 s23, s9  }
.Ltmp1:
0x46: {  	[bflag:$0x0] =	sbarrier.arrive $0xFFFF;
	(pc) =	sbr.rel @!p1 .LBB2_6-.Ltmp1, $4  }
0x47: {  	[hbm:s8], [sflag:s12] =	dma.local [spmem:s13], $0x2780  }
0x48: {  	_ =	swait.ge [sflag:s11], $0x2780  }
0x49: {  	[sflag:s11] =	ssyncset.done $0x0  }
0x4a: {  	[sflag:s11] =	ssyncadd.s32 $0xFFFFD880  }
.LBB2_1:
0x4b: {  	[tilespmem:s4], [sflag:$0x5] =	stream.linear.gather [hbm4b:s6+s4], $0x4EC0, $0x38;
	[tilespmem:$0x1FBA0] =	vst v63  }
0x4c: {  	_ =	swait.ge [sflag:s11], $0x4EC0  }
0x4d: {  	[sflag:s11] =	ssyncset.done $0x0  }
0x4e: {  	[sflag:s11] =	ssyncadd.s32 $0xFFFFB140  }
0x4f: {  	[spmem:s13], [sflag:s12] =	dma.local [hbm:s2], $0x2780  }
.Ltmp2:
0x50: {  	_ =	swait.ge [sflag:s11], $0x2780;
	(pc) =	sbr.rel @p0 .LBB2_5-.Ltmp2, $3  }
0x51: {  	[sflag:s11] =	ssyncset.done $0x0  }
0x52: {  	[sflag:s11] =	ssyncadd.s32 $0xFFFFD880  }
0x53: {  	[bflag:$0x0] =	sbarrier.arrive $0xFFFF;
	_ =	sdelay $0x1  }
0x54: {  	[tilespmem:s14], [sflag:$0x3] =	stream.linear.gather [hbm4b:s7+s4], $0x70, $0x38;
	[tilespmem:$0x1FBA0] =	vst v63  }
0x55: {  	_ = 	snop  }
0x56: {  	[tilespmem:s16], [sflag:$0x1] =	stream.indirect.gather [hbm4b:s5+s15], $0x80, s4, s15, $0xb8;
	[tilespmem:$0x1FBA0] =	vst v63  }
0x57: {  	s24 =	sadd.s32 $0xFFFFF644, s7  }
0x58: {  	[tilespmem:s17], [sflag:$0x2] =	stream.indirect.gather [hbm4b:s5+s15], $0x80, s15, s15, $0xb8;
	[tilespmem:$0x1FBA0] =	vst v63  }
0x59: {  	s25 =	sadd.s32 $0x9CA, s24  }
0x5a: {  	[tilespmem:s18], [sflag:$0x4] =	stream.linear.gather [hbm4b:s25+s4], $0x70, $0x38;
	[tilespmem:$0x1FBA0] =	vst v63  }
0x5b: {  	_ =	swait.ge [sflag:s19], $0x3800  }
0x5c: {  	[sflag:s19] =	ssyncset.done $0x0  }
0x5d: {  	[sflag:s19] =	ssyncadd.s32 $0xFFFFC800  }
0x5e: {  	_ =	swait.ge [sflag:s20], $0x70  }
0x5f: {  	[sflag:s20] =	ssyncset.done $0x0  }
0x60: {  	[sflag:s20] =	ssyncadd.s32 $0xFFFFFF90  }
0x61: {  	[spmem:s3] =	stream.indirect.scatter.add.f32 [tilespmem:s16], [sflag:$0x5], $0x80, s14, s15, $0xb8;
	[tilespmem:$0x1FBA0] =	vst v63  }
0x62: {  	_ =	swait.ge [sflag:s11], $0x3800  }
0x63: {  	[sflag:s11] =	ssyncset.done $0x0  }
0x64: {  	s31 =	simm.s32 $0xE0;
	[sflag:s11] =	ssyncadd.s32 $0xFFFFC800  }
0x65: {  	[tilespmem:s16], [sflag:$0x1] =	stream.indirect.gather [hbm4b:s5+s15], $0x80, s31, s15, $0xb8;
	[tilespmem:$0x1FBA0] =	vst v63  }
0x66: {  	s24 =	sadd.s32 $0x9D8, s24  }
0x67: {  	[tilespmem:s14], [sflag:$0x3] =	stream.linear.gather [hbm4b:s24+s4], $0x70, $0x38;
	[tilespmem:$0x1FBA0] =	vst v63  }
0x68: {  	_ =	swait.ge [sflag:s21], $0x3800  }
0x69: {  	[sflag:s21] =	ssyncset.done $0x0  }
0x6a: {  	[sflag:s21] =	ssyncadd.s32 $0xFFFFC800  }
0x6b: {  	_ =	swait.ge [sflag:s22], $0x70  }
0x6c: {  	[sflag:s22] =	ssyncset.done $0x0  }
0x6d: {  	[sflag:s22] =	ssyncadd.s32 $0xFFFFFF90  }
0x6e: {  	[spmem:s3] =	stream.indirect.scatter.add.f32 [tilespmem:s17], [sflag:$0x5], $0x80, s18, s15, $0xb8;
	[tilespmem:$0x1FBA0] =	vst v63  }
0x6f: {  	_ =	swait.ge [sflag:s11], $0x3800  }
0x70: {  	s26 =	simm.s32 $0x150;
	s28 =	simm.s32 $0xFFFFF67C;
	[sflag:s11] =	ssyncset.done $0x0  }
0x71: {  	s25 =	sadd.s32 $0xFFFFF660, s7;
	s24 =	simm.s32 $0x230;
	[sflag:s11] =	ssyncadd.s32 $0xFFFFC800  }
.LBB2_3:
0x72: {  	[tilespmem:s17], [sflag:$0x2] =	stream.indirect.gather [hbm4b:s5+s15], $0x80, s26, s15, $0xb8;
	[tilespmem:$0x1FBA0] =	vst v63  }
0x73: {  	s29 =	smov.u32 s28;
	s26 =	smov.u32 s24  }
0x74: {  	s30 =	sadd.s32 $0x1C, s28;
	s31 =	sadd.s32 $0x9CA, s25;
	s29 =	sadd.s32 s29, s7  }
0x75: {  	[tilespmem:s18], [sflag:$0x4] =	stream.linear.gather [hbm4b:s31+s4], $0x70, $0x38;
	[tilespmem:$0x1FBA0] =	vst v63  }
0x76: {  	p1 =	sne.s32 s28, $0xFFFFFFE4;
	_ =	swait.ge [sflag:s19], $0x3800  }
0x77: {  	[sflag:s19] =	ssyncset.done $0x0  }
0x78: {  	[sflag:s19] =	ssyncadd.s32 $0xFFFFC800  }
0x79: {  	_ =	swait.ge [sflag:s20], $0x70  }
0x7a: {  	[sflag:s20] =	ssyncset.done $0x0  }
0x7b: {  	[sflag:s20] =	ssyncadd.s32 $0xFFFFFF90  }
0x7c: {  	[spmem:s3] =	stream.indirect.scatter.add.f32 [tilespmem:s16], [sflag:$0x5], $0x80, s14, s15, $0xb8;
	[tilespmem:$0x1FBA0] =	vst v63  }
0x7d: {  	_ =	swait.ge [sflag:s11], $0x3800  }
0x7e: {  	[sflag:s11] =	ssyncset.done $0x0  }
0x7f: {  	s28 =	sadd.s32 $0xFFFFFF90, s24;
	[sflag:s11] =	ssyncadd.s32 $0xFFFFC800  }
0x80: {  	[tilespmem:s16], [sflag:$0x1] =	stream.indirect.gather [hbm4b:s5+s15], $0x80, s28, s15, $0xb8;
	[tilespmem:$0x1FBA0] =	vst v63  }
0x81: {  	s28 =	sadd.s32 $0x9D8, s25;
	s25 =	smov.u32 s29  }
0x82: {  	[tilespmem:s14], [sflag:$0x3] =	stream.linear.gather [hbm4b:s28+s4], $0x70, $0x38;
	[tilespmem:$0x1FBA0] =	vst v63  }
0x83: {  	_ =	swait.ge [sflag:s21], $0x3800  }
0x84: {  	[sflag:s21] =	ssyncset.done $0x0  }
0x85: {  	[sflag:s21] =	ssyncadd.s32 $0xFFFFC800  }
0x86: {  	_ =	swait.ge [sflag:s22], $0x70  }
0x87: {  	[sflag:s22] =	ssyncset.done $0x0  }
.Ltmp3:
0x88: {  	[sflag:s22] =	ssyncadd.s32 $0xFFFFFF90;
	(pc) =	sbr.rel @p1 .LBB2_3-.Ltmp3, $4  }
0x89: {  	[spmem:s3] =	stream.indirect.scatter.add.f32 [tilespmem:s17], [sflag:$0x5], $0x80, s18, s15, $0xb8;
	[tilespmem:$0x1FBA0] =	vst v63  }
0x8a: {  	_ =	swait.ge [sflag:s11], $0x3800  }
0x8b: {  	[sflag:s11] =	ssyncset.done $0x0  }
0x8c: {  	s24 =	sadd.s32 $0xE0, s24;
	s28 =	smov.u32 s30;
	[sflag:s11] =	ssyncadd.s32 $0xFFFFC800  }
.Ltmp4:
0x8d: {  	_ = 	snop;
	(pc) =	sbr.rel .LBB2_4-.Ltmp4, $1  }
0x8e: {  	_ =	sdelay $0x3  }
.LBB2_6:
0x8f: {  	_ =	sfence.sel $0x180000  }
0x90: {  	[bflag:$0x0] =	sbarrier.arrive $0xFFFF  }
0x91: {  	p0 =	sne.s32 s1, $0x0;
	_ =	strace $0x9000004A  }
0x92: {  	s0 =	sadd.s32 @!p0 $0x100000, s0;
	[bflag:$0x2] =	sbarrier.arrive $0xFFFF  }
0x93: {  	[sflag:s0] =	ssyncadd.tile.s32 @!p0 $0x1;
	_ =	shalt  }
.Lfunc_end2:
_tile_overlayer_lowered:
.L_overlay_start_2:
0x94: {  	(tag) =	ssettag $0x2  }
0x95: {  	s0 =	rddreg [dreg:$0x0];
	s2 =	stileid.u32  }
0x96: {  	s1 =	rddreg [dreg:$0x1];
	p0 =	sne.s32 s2, $0x0  }
0x97: {  	s3 =	rddreg [dreg:$0x2];
	[bflag:$0x3] =	sbarrier.arrive $0xFFFF;
	s2 =	simm.s32 @!p0 $0x1C05  }
0x98: {  	[timem:s3], [sflag:s2] =	dma.local @!p0 [hbm:s0], s1  }
0x99: {  	s0 =	simm.s32 @!p0 $0x5  }
0x9a: {  	_ =	swait.ge @!p0 [sflag:s0], s1  }
0x9b: {  	s1 =	ssub.s32 @!p0 $0x0, s1;
	[sflag:s0] =	ssyncset.done @!p0 $0x0  }
0x9c: {  	[sflag:s0] =	ssyncadd.s32 @!p0 s1  }
0x9d: {  	[bflag:$0x3] =	sbarrier.arrive $0xFFFF  }
0x9e: {  	_ =	shalt  }

// kernel: kernel.16.cloned.1.call-start
scs
__scs_entry_jumppad:
0x0: {  	(pc) =	sbr.rel $0x88, $3  }
0x1: {  	(tag) =	ssettag $0x0;
	lr =	simm.s32 $0x1  }
0x2: {  	[smem:$0x3F99] =	sst lr;
	_ =	strace $0xD0000000  }
0x3: {  	_ = 	snop  }
0x4: {  	_ = 	snop  }
0x5: {  	_ = 	snop  }
0x6: {  	_ = 	snop  }
0x7: {  	_ = 	snop  }
__scs_overlays_trampoline_lowered:
0x8: {  	[smem:$0x3FA8] =	sst s0  }
0x9: {  	[smem:$0x3FA9] =	sst s1  }
0xa: {  	[smem:$0x3FAA] =	sst s2  }
0xb: {  	[smem:$0x3FAB] =	sst s3  }
0xc: {  	[smem:$0x3FAC] =	sst s4  }
0xd: {  	[smem:$0x3FAD] =	sst s5  }
0xe: {  	[smem:$0x3FAE] =	sst s6  }
0xf: {  	[smem:$0x3FAF] =	sst s7  }
0x10: {  	[smem:$0x3FB0] =	sst s8  }
0x11: {  	[smem:$0x3FB1] =	sst s9;
	s0 =	simm.s32 @!p0 $0x0  }
0x12: {  	s1 =	sld [smem:$0x3F97];
	s0 =	simm.s32 @p0 $0x1  }
0x13: {  	[smem:$0x3FB2] =	sst s0;
	s0 =	simm.s32 @!p1 $0x0  }
0x14: {  	s2 =	sld [smem:$0x3F96];
	s0 =	simm.s32 @p1 $0x1  }
0x15: {  	[smem:$0x3FB3] =	sst s0;
	s0 =	simm.s32 @!p2 $0x0  }
0x16: {  	s3 =	sld [smem:$0x3FDB];
	s0 =	simm.s32 @p2 $0x1  }
0x17: {  	s4 =	simm.s32 $0x1BF5;
	[smem:$0x3FB5] =	sst s0  }
0x18: {  	s0 =	sld [smem:$0x3F98];
	_ =	swait.ge [sflag:s4], $0x0  }
0x19: {  	s7 =	sld [smem:$0x3F99]  }
0x1a: {  	s8 =	sadd.s32 $0xFFFFE003, lr  }
0x1b: {  	s9 =	sadd.s32 $0xFFFFFEF7, lr;
	s5 =	simm.s32 $0xFFFFFFFF;
	p2 =	slt.u32 s8, $0xFFFFF086  }
0x1c: {  	p1 =	slt.u32 s9, $0xF7A;
	s5 =	simm.s32 @!p2 $0x0  }
0x1d: {  	s5 =	simm.s32 @p1 $0x1;
	p0 =	seq.s32 s7, s2  }
0x1e: {  	s7 =	smul.u32 @!p0 $0xF7A, s2;
	p2 =	seq.s32 @!p0 s5, $0x0  }
0x1f: {  	s9 =	smul.u32 $0xF7A, s1;
	s8 =	simm.s32 @!p0 $0x1BF5;
	p2 =	por !p2, p0  }
0x20: {  	[sflag:s8] =	ssyncset.s32 @!p0 $0xFFFFF086;
	s6 =	sadd.s32 @!p0 s3, s7;
	s7 =	simm.s32 @!p0 $0x108  }
0x21: {  	s3 =	sadd.s32 s3, s9;
	s6 =	sadd.s32 @!p0 $0x88, s6;
	s7 =	simm.s32 @p2 $0x1082  }
0x22: {  	[simem:s7], [sflag:s8] =	dma.local @!p0 [hbm:s6], $0xF7A  }
0x23: {  	s9 =	sor.u32 $0xD0000000, s2;
	s6 =	simm.s32 $0x108;
	_ =	swait.ge @!p0 [sflag:s8], $0x0  }
0x24: {  	s3 =	sadd.s32 $0x88, s3;
	s6 =	simm.s32 @!p1 $0x1082;
	[sflag:s4] =	ssyncset.s32 $0xFFFFF086  }
0x25: {  	[simem:s6], [sflag:s4] =	dma.local [hbm:s3], $0xF7A  }
0x26: {  	[smem:$0x3F99] =	sst s1;
	(tag) =	ssettag s2;
	_ =	strace s9  }
0x27: {  	s1 =	sld [smem:$0x3FA9]  }
0x28: {  	s2 =	sld [smem:$0x3FAA]  }
0x29: {  	s4 =	sld [smem:$0x3FAC]  }
0x2a: {  	p0 =	seq.s32 s5, $0x0;
	s5 =	sld [smem:$0x3FAD]  }
0x2b: {  	s6 =	sld [smem:$0x3FAE]  }
0x2c: {  	s7 =	sld [smem:$0x3FAF]  }
0x2d: {  	s3 =	simm.s32 $0x108;
	s8 =	sld [smem:$0x3FB0]  }
0x2e: {  	s3 =	simm.s32 @!p0 $0x1082;
	s9 =	sld [smem:$0x3FB1]  }
0x2f: {  	lr =	sadd.s32 s0, s3;
	s0 =	sld [smem:$0x3FA8]  }
0x30: {  	s3 =	sld [smem:$0x3FAB]  }
0x31: {  	[smem:$0x3FB4] =	sst s10  }
0x32: {  	s10 =	sld [smem:$0x3FB2];
	_ =	sdelay $0x3  }
0x33: {  	p0 =	seq.s32 s10, $0x1;
	s10 =	sld [smem:$0x3FB4];
	_ =	sdelay $0x3  }
0x34: {  	[smem:$0x3FB4] =	sst s10  }
0x35: {  	s10 =	sld [smem:$0x3FB3];
	_ =	sdelay $0x3  }
0x36: {  	p1 =	seq.s32 s10, $0x1;
	s10 =	sld [smem:$0x3FB4];
	_ =	sdelay $0x3  }
0x37: {  	[smem:$0x3FB4] =	sst s10  }
0x38: {  	s10 =	sld [smem:$0x3FB5]  }
0x39: {  	_ = 	snop;
	(pc) =	sbr.ind lr, $3  }
0x3a: {  	_ = 	snop  }
0x3b: {  	_ = 	snop  }
0x3c: {  	p2 =	seq.s32 s10, $0x1;
	s10 =	sld [smem:$0x3FB4]  }
0x3d: {  	_ =	shalt  }
0x3e: {  	_ =	shalt  }
0x3f: {  	_ =	shalt  }
0x40: {  	_ =	shalt  }
0x41: {  	_ =	shalt  }
0x42: {  	_ =	shalt  }
0x43: {  	_ =	shalt  }
0x44: {  	_ =	shalt  }
0x45: {  	_ =	shalt  }
0x46: {  	_ =	shalt  }
0x47: {  	_ =	shalt  }
0x48: {  	_ =	shalt  }
0x49: {  	_ =	shalt  }
0x4a: {  	_ =	shalt  }
0x4b: {  	_ =	shalt  }
0x4c: {  	_ =	shalt  }
0x4d: {  	_ =	shalt  }
0x4e: {  	_ =	shalt  }
0x4f: {  	_ =	shalt  }
0x50: {  	_ =	shalt  }
0x51: {  	_ =	shalt  }
0x52: {  	_ =	shalt  }
0x53: {  	_ =	shalt  }
0x54: {  	_ =	shalt  }
0x55: {  	_ =	shalt  }
0x56: {  	_ =	shalt  }
0x57: {  	_ =	shalt  }
0x58: {  	_ =	shalt  }
0x59: {  	_ =	shalt  }
0x5a: {  	_ =	shalt  }
0x5b: {  	_ =	shalt  }
0x5c: {  	_ =	shalt  }
0x5d: {  	_ =	shalt  }
0x5e: {  	_ =	shalt  }
0x5f: {  	_ =	shalt  }
0x60: {  	_ =	shalt  }
0x61: {  	_ =	shalt  }
0x62: {  	_ =	shalt  }
0x63: {  	_ =	shalt  }
0x64: {  	_ =	shalt  }
0x65: {  	_ =	shalt  }
0x66: {  	_ =	shalt  }
0x67: {  	_ =	shalt  }
0x68: {  	_ =	shalt  }
0x69: {  	_ =	shalt  }
0x6a: {  	_ =	shalt  }
0x6b: {  	_ =	shalt  }
0x6c: {  	_ =	shalt  }
0x6d: {  	_ =	shalt  }
0x6e: {  	_ =	shalt  }
0x6f: {  	_ =	shalt  }
0x70: {  	_ =	shalt  }
0x71: {  	_ =	shalt  }
0x72: {  	_ =	shalt  }
0x73: {  	_ =	shalt  }
0x74: {  	_ =	shalt  }
0x75: {  	_ =	shalt  }
0x76: {  	_ =	shalt  }
0x77: {  	_ =	shalt  }
0x78: {  	_ =	shalt  }
0x79: {  	_ =	shalt  }
0x7a: {  	_ =	shalt  }
0x7b: {  	_ =	shalt  }
0x7c: {  	_ =	shalt  }
0x7d: {  	_ =	shalt  }
0x7e: {  	_ =	shalt  }
0x7f: {  	_ =	shalt  }
0x80: {  	_ =	shalt  }
0x81: {  	_ =	shalt  }
0x82: {  	_ =	shalt  }
0x83: {  	_ =	shalt  }
0x84: {  	_ =	shalt  }
0x85: {  	_ =	shalt  }
0x86: {  	_ =	shalt  }
0x87: {  	_ =	shalt  }
.Lfunc_end0:
.L_simem_size_0:
called_computation.2_lowered:
.L_overlay_start_0:
0x88: {  	s2 =	sld [smem:$0x3FD9]  }
0x89: {  	s3 =	sld [smem:$0x3FFE];
	_ =	sdelay $0x1  }
0x8a: {  	s1 =	srdreg.scid  }
0x8b: {  	s0 =	sand.u32 $0x1, s1  }
0x8c: {  	s17 =	sshll.u32 s0, $0xA;
	s2 =	sadd.s32 s3, s2  }
0x8d: {  	s2 =	sadd.s32 s2, s17  }
0x8e: {  	[smem:$0x3FC0] =	sst s2  }
0x8f: {  	_ = 	snop  }
0x90: {  	s2 =	sld [smem:$0x3FD0];
	(tm) =	ssettm $0x1  }
0x91: {  	s18 =	sld [smem:$0x3FFB];
	_ =	sdelay $0x3  }
0x92: {  	_ =	strace s18  }
0x93: {  	s3 =	sld [smem:$0x3FFC];
	_ =	sdelay $0x3  }
0x94: {  	_ =	strace s3  }
0x95: {  	s3 =	sld [smem:$0x3FFD];
	_ =	sdelay $0x3  }
0x96: {  	_ =	strace s3  }
0x97: {  	_ =	strace $0x8FFFFFFF  }
0x98: {  	s19 =	sld [smem:$0x3FDB];
	_ =	sdelay $0x1  }
0x99: {  	s4 =	simm.s32 $_scs_section_size  }
0x9a: {  	s5 =	simm.s32 $_size__tile_overlayer_lowered;
	s6 =	simm.s32 $_tile_overlayer_lowered  }
0x9b: {  	s22 =	simm.s32 $0x1BFF;
	s21 =	sshll.u32 s6, $0x1;
	s3 =	sadd.s32 s4, s19  }
0x9c: {  	s7 =	simm.s32 $0x0;
	s20 =	sshll.u32 s5, $0x1;
	s5 =	sadd.s32 s21, s3  }
0x9d: {  	[timem:s7], [sflag:s22] =	dma.local [hbm:s5], s20  }
0x9e: {  	_ =	swait.ge [sflag:s22], s20  }
0x9f: {  	s4 =	ssub.s32 $0x0, s20;
	[sflag:s22] =	ssyncset.done $0x0  }
0xa0: {  	[sflag:s22] =	ssyncadd.s32 s4;
	_ =	sdelay $0x1  }
0xa1: {  	s23 =	simm.s32 $0x1B8B  }
0xa2: {  	_ =	swait.ge [sflag:s23], $0x1  }
0xa3: {  	[sflag:s23] =	ssyncset.done $0x0  }
0xa4: {  	s25 =	simm.s32 $0x1B8E;
	s24 =	sld [smem:$0x3FFE];
	[sflag:s23] =	ssyncadd.s32 $0xFFFFFFFF  }
0xa5: {  	s26 =	simm.s32 $execute0_lowered;
	[smem:$0x3FD2] =	sst s25  }
0xa6: {  	s5 =	sshll.u32 s26, $0x1;
	_ =	strace $0x8000004C;
	[dreg:$0x1] =	wrdreg $0xFFFFFFFF  }
0xa7: {  	s28 =	simm.s32 $_size_execute0_lowered;
	s3 =	sadd.s32 s3, s5;
	[dreg:$0x0] =	wrdreg $0x0  }
0xa8: {  	s5 =	sshll.u32 s28, $0x1;
	[dreg:$0x2] =	wrdreg s3  }
0xa9: {  	[dreg:$0x3] =	wrdreg s5  }
0xaa: {  	[dreg:$0x4] =	wrdreg $0xC0  }
0xab: {  	_ =	task [dreg:s7], $0x5FFFF  }
0xac: {  	[dreg:$0x1] =	wrdreg $0xFFFFFFFF  }
0xad: {  	[dreg:$0x0] =	wrdreg $0x60  }
0xae: {  	[dreg:$0x2] =	wrdreg s24  }
0xaf: {  	[dreg:$0x3] =	wrdreg s2  }
0xb0: {  	[dreg:$0x4] =	wrdreg $0xBFA00  }
0xb1: {  	[dreg:$0x5] =	wrdreg $0x9  }
0xb2: {  	_ =	task.clear_ibuf [dreg:s7], $0x6FFFF;
	_ =	strace $0x9000004C  }
0xb3: {  	s29 =	simm.s32 $0x9;
	_ =	strace $0x8000004E  }
0xb4: {  	_ =	swait.ge [sflag:s29], $0x1  }
0xb5: {  	[sflag:s29] =	ssyncadd.s32 $0xFFFFFFFF  }
0xb6: {  	_ =	strace $0x9000004E  }
0xb7: {  	_ =	sfence  }
0xb8: {  	s30 =	sld [smem:$0x0];
	_ =	sdelay $0x2  }
0xb9: {  	s31 =	sshll.u32 s1, $0xD;
	s1 =	sshrl.u32 s1, $0x2  }
0xba: {  	s3 =	sand.u32 $0x4000, s31;
	s1 =	sadd.s32 s1, s30  }
0xbb: {  	s0 =	sor.u32 s3, s0;
	s1 =	sshll.u32 s1, $0x11  }
0xbc: {  	s0 =	sor.u32 s1, s0  }
0xbd: {  	s0 =	sadd.s32 $0x8F2B, s0  }
0xbe: {  	[sflag:s0] =	ssyncadd.remote.s32 $0x1  }
0xbf: {  	_ =	sfence.sel $0xFFFF  }
0xc0: {  	[dreg:$0x0] =	wrdreg $0xFFFFFFFF;
	(pc) =	sbr.abs _section_cstart, $3  }
0xc1: {  	[dreg:$0x1] =	wrdreg $0xFFFFFFFF  }
0xc2: {  	_ =	task.clear_ibuf [dreg:s7], $0x2FFFF;
	_ =	strace $0x9FFFFFFF  }
0xc3: {  	(tm) =	ssettm $0x7FFFFFFF  }
tec
execute0_lowered:
.L_overlay_start_1:
0x0: {  	(tag) =	ssettag $0x1  }
0x1: {  	s6 =	rddreg [dreg:$0x0]  }
0x2: {  	s2 =	rddreg [dreg:$0x1]  }
0x3: {  	s3 =	rddreg [dreg:$0x2]  }
0x4: {  	s0 =	rddreg [dreg:$0x3];
	s1 =	stileid.u32  }
0x5: {  	s5 =	srdreg.scid;
	s4 =	simm.s32 $0x0;
	s15 =	simm.s32 $0x70  }
0x6: {  	s16 =	simm.s32 $0x4FA0;
	s17 =	simm.s32 $0x87A0;
	s18 =	simm.s32 $0x4F30  }
0x7: {  	s19 =	simm.s32 $0x1;
	s20 =	simm.s32 $0x3;
	s21 =	simm.s32 $0x2  }
0x8: {  	s22 =	simm.s32 $0x4;
	s23 =	simm.s32 $0x0;
	s7 =	smul.u32 $0x9D8, s1  }
0x9: {  	s11 =	sand.u32 $0x1, s5;
	s8 =	smul.u32 $0x13C00, s1;
	[smem:$0x7FF] =	sst s4  }
0xa: {  	s10 =	sadd.s32 $0x2C00, s6;
	s14 =	smul.u32 $0x4EC0, s1;
	s31 =	sshll.u32 s1, $0x6  }
0xb: {  	s5 =	smul.u32 $0x13C000, s11;
	_ =	strace $0x8000004D;
	s13 =	ssub.s32 $0x2, s11  }
0xc: {  	p0 =	sne.s32 s11, $0x0;
	s11 =	simm.s32 $0x5;
	s9 =	sadd.s32 s7, s6  }
0xd: {  	s28 =	sshrl.u32 s13, $0x1;
	s29 =	sshrl.u32 s14, $0x3;
	s30 =	sadd.s32 s8, s3  }
.Ltmp0:
0xe: {  	s7 =	sadd.s32 s10, s7;
	s14 =	simm.s32 $0x4EC0;
	(pc) =	sbr.rel .LBB2_1-.Ltmp0, $4  }
0xf: {  	s5 =	sadd.s32 s8, s5;
	s13 =	ssub.s32 s13, s28;
	s10 =	sadd.s32 s10, s29  }
0x10: {  	s12 =	sshrl.u32 s5, $0x3;
	s5 =	sadd.s32 $0x6FC00, s6;
	s10 =	sadd.s32 $0x9CA, s10  }
0x11: {  	s12 =	sadd.s32 s12, s6;
	s6 =	sadd.s32 $0xCA00, s9;
	s9 =	smax.u32 s13, $0x1  }
0x12: {  	s13 =	sshrl.u32 s30, $0x3;
	s8 =	sadd.s32 $0x97400, s12;
	s12 =	sor.u32 $0x1C05, s31  }
.LBB2_4:
0x13: {  	[tilespmem:s17], [sflag:$0x2] =	stream.indirect.gather [hbm4b:s5+s15], $0x80, s26, s15, $0xb8;
	[tilespmem:$0x1FBA0] =	vst v63  }
0x14: {  	s29 =	sadd.s32 $0x9CA, s25  }
0x15: {  	[tilespmem:s18], [sflag:$0x4] =	stream.linear.gather [hbm4b:s29+s4], $0x70, $0x38;
	[tilespmem:$0x1FBA0] =	vst v63  }
0x16: {  	_ =	swait.ge [sflag:s19], $0x3800  }
0x17: {  	[sflag:s19] =	ssyncset.done $0x0  }
0x18: {  	[sflag:s19] =	ssyncadd.s32 $0xFFFFC800  }
0x19: {  	_ =	swait.ge [sflag:s20], $0x70  }
0x1a: {  	[sflag:s20] =	ssyncset.done $0x0  }
0x1b: {  	[sflag:s20] =	ssyncadd.s32 $0xFFFFFF90  }
0x1c: {  	[spmem:s3] =	stream.indirect.scatter.add.f32 [tilespmem:s16], [sflag:$0x5], $0x80, s14, s15, $0xb8;
	[tilespmem:$0x1FBA0] =	vst v63  }
0x1d: {  	_ =	swait.ge [sflag:s11], $0x3800  }
0x1e: {  	[sflag:s11] =	ssyncset.done $0x0  }
0x1f: {  	s30 =	sadd.s32 $0xFFFFFF90, s24;
	[sflag:s11] =	ssyncadd.s32 $0xFFFFC800  }
0x20: {  	[tilespmem:s16], [sflag:$0x1] =	stream.indirect.gather [hbm4b:s5+s15], $0x80, s30, s15, $0xb8;
	[tilespmem:$0x1FBA0] =	vst v63  }
0x21: {  	s31 =	sadd.s32 $0x9D8, s25  }
0x22: {  	[tilespmem:s14], [sflag:$0x3] =	stream.linear.gather [hbm4b:s31+s4], $0x70, $0x38;
	[tilespmem:$0x1FBA0] =	vst v63  }
0x23: {  	_ =	swait.ge [sflag:s21], $0x3800  }
0x24: {  	[sflag:s21] =	ssyncset.done $0x0  }
0x25: {  	[sflag:s21] =	ssyncadd.s32 $0xFFFFC800  }
0x26: {  	_ =	swait.ge [sflag:s22], $0x70  }
0x27: {  	[sflag:s22] =	ssyncset.done $0x0  }
0x28: {  	[sflag:s22] =	ssyncadd.s32 $0xFFFFFF90  }
0x29: {  	[spmem:s3] =	stream.indirect.scatter.add.f32 [tilespmem:s17], [sflag:$0x5], $0x80, s18, s15, $0xb8;
	[tilespmem:$0x1FBA0] =	vst v63  }
0x2a: {  	_ =	swait.ge [sflag:s11], $0x3800  }
0x2b: {  	[sflag:s11] =	ssyncset.done $0x0  }
0x2c: {  	[sflag:s11] =	ssyncadd.s32 $0xFFFFC800  }
0x2d: {  	[tilespmem:s17], [sflag:$0x2] =	stream.indirect.gather [hbm4b:s5+s15], $0x80, s24, s15, $0xb8;
	[tilespmem:$0x1FBA0] =	vst v63  }
0x2e: {  	_ = 	snop  }
0x2f: {  	[tilespmem:s18], [sflag:$0x4] =	stream.linear.gather [hbm4b:s10+s4], $0x70, $0x38;
	[tilespmem:$0x1FBA0] =	vst v63  }
0x30: {  	_ =	swait.ge [sflag:s19], $0x3800  }
0x31: {  	[sflag:s19] =	ssyncset.done $0x0  }
0x32: {  	[sflag:s19] =	ssyncadd.s32 $0xFFFFC800  }
0x33: {  	_ =	swait.ge [sflag:s20], $0x70  }
0x34: {  	[sflag:s20] =	ssyncset.done $0x0  }
0x35: {  	[sflag:s20] =	ssyncadd.s32 $0xFFFFFF90  }
0x36: {  	[spmem:s3] =	stream.indirect.scatter.add.f32 [tilespmem:s16], [sflag:$0x5], $0x80, s14, s15, $0xb8;
	[tilespmem:$0x1FBA0] =	vst v63  }
0x37: {  	_ =	swait.ge [sflag:s11], $0x3800  }
0x38: {  	[sflag:s11] =	ssyncset.done $0x0  }
0x39: {  	[sflag:s11] =	ssyncadd.s32 $0xFFFFC800  }
0x3a: {  	_ =	swait.ge [sflag:s21], $0x3800  }
0x3b: {  	[sflag:s21] =	ssyncset.done $0x0  }
0x3c: {  	[sflag:s21] =	ssyncadd.s32 $0xFFFFC800  }
0x3d: {  	_ =	swait.ge [sflag:s22], $0x70  }
0x3e: {  	[sflag:s22] =	ssyncset.done $0x0  }
0x3f: {  	[sflag:s22] =	ssyncadd.s32 $0xFFFFFF90  }
0x40: {  	[spmem:s3] =	stream.indirect.scatter.add.f32 [tilespmem:s17], [sflag:$0x5], $0x80, s18, s15, $0xb8;
	[tilespmem:$0x1FBA0] =	vst v63  }
0x41: {  	_ =	swait.ge [sflag:s11], $0x3800  }
0x42: {  	[sflag:s11] =	ssyncset.done $0x0  }
0x43: {  	[sflag:s11] =	ssyncadd.s32 $0xFFFFC800  }
.LBB2_5:
0x44: {  	s23 =	sadd.s32 $0x1, s23  }
0x45: {  	p1 =	sne.s32 s23, s9  }
.Ltmp1:
0x46: {  	[bflag:$0x0] =	sbarrier.arrive $0xFFFF;
	(pc) =	sbr.rel @!p1 .LBB2_6-.Ltmp1, $4  }
0x47: {  	[hbm:s8], [sflag:s12] =	dma.local [spmem:s13], $0x2780  }
0x48: {  	_ =	swait.ge [sflag:s11], $0x2780  }
0x49: {  	[sflag:s11] =	ssyncset.done $0x0  }
0x4a: {  	[sflag:s11] =	ssyncadd.s32 $0xFFFFD880  }
.LBB2_1:
0x4b: {  	[tilespmem:s4], [sflag:$0x5] =	stream.linear.gather [hbm4b:s6+s4], $0x4EC0, $0x38;
	[tilespmem:$0x1FBA0] =	vst v63  }
0x4c: {  	_ =	swait.ge [sflag:s11], $0x4EC0  }
0x4d: {  	[sflag:s11] =	ssyncset.done $0x0  }
0x4e: {  	[sflag:s11] =	ssyncadd.s32 $0xFFFFB140  }
0x4f: {  	[spmem:s13], [sflag:s12] =	dma.local [hbm:s2], $0x2780  }
.Ltmp2:
0x50: {  	_ =	swait.ge [sflag:s11], $0x2780;
	(pc) =	sbr.rel @p0 .LBB2_5-.Ltmp2, $3  }
0x51: {  	[sflag:s11] =	ssyncset.done $0x0  }
0x52: {  	[sflag:s11] =	ssyncadd.s32 $0xFFFFD880  }
0x53: {  	[bflag:$0x0] =	sbarrier.arrive $0xFFFF;
	_ =	sdelay $0x1  }
0x54: {  	[tilespmem:s14], [sflag:$0x3] =	stream.linear.gather [hbm4b:s7+s4], $0x70, $0x38;
	[tilespmem:$0x1FBA0] =	vst v63  }
0x55: {  	_ = 	snop  }
0x56: {  	[tilespmem:s16], [sflag:$0x1] =	stream.indirect.gather [hbm4b:s5+s15], $0x80, s4, s15, $0xb8;
	[tilespmem:$0x1FBA0] =	vst v63  }
0x57: {  	s24 =	sadd.s32 $0xFFFFF644, s7  }
0x58: {  	[tilespmem:s17], [sflag:$0x2] =	stream.indirect.gather [hbm4b:s5+s15], $0x80, s15, s15, $0xb8;
	[tilespmem:$0x1FBA0] =	vst v63  }
0x59: {  	s25 =	sadd.s32 $0x9CA, s24  }
0x5a: {  	[tilespmem:s18], [sflag:$0x4] =	stream.linear.gather [hbm4b:s25+s4], $0x70, $0x38;
	[tilespmem:$0x1FBA0] =	vst v63  }
0x5b: {  	_ =	swait.ge [sflag:s19], $0x3800  }
0x5c: {  	[sflag:s19] =	ssyncset.done $0x0  }
0x5d: {  	[sflag:s19] =	ssyncadd.s32 $0xFFFFC800  }
0x5e: {  	_ =	swait.ge [sflag:s20], $0x70  }
0x5f: {  	[sflag:s20] =	ssyncset.done $0x0  }
0x60: {  	[sflag:s20] =	ssyncadd.s32 $0xFFFFFF90  }
0x61: {  	[spmem:s3] =	stream.indirect.scatter.add.f32 [tilespmem:s16], [sflag:$0x5], $0x80, s14, s15, $0xb8;
	[tilespmem:$0x1FBA0] =	vst v63  }
0x62: {  	_ =	swait.ge [sflag:s11], $0x3800  }
0x63: {  	[sflag:s11] =	ssyncset.done $0x0  }
0x64: {  	s31 =	simm.s32 $0xE0;
	[sflag:s11] =	ssyncadd.s32 $0xFFFFC800  }
0x65: {  	[tilespmem:s16], [sflag:$0x1] =	stream.indirect.gather [hbm4b:s5+s15], $0x80, s31, s15, $0xb8;
	[tilespmem:$0x1FBA0] =	vst v63  }
0x66: {  	s24 =	sadd.s32 $0x9D8, s24  }
0x67: {  	[tilespmem:s14], [sflag:$0x3] =	stream.linear.gather [hbm4b:s24+s4], $0x70, $0x38;
	[tilespmem:$0x1FBA0] =	vst v63  }
0x68: {  	_ =	swait.ge [sflag:s21], $0x3800  }
0x69: {  	[sflag:s21] =	ssyncset.done $0x0  }
0x6a: {  	[sflag:s21] =	ssyncadd.s32 $0xFFFFC800  }
0x6b: {  	_ =	swait.ge [sflag:s22], $0x70  }
0x6c: {  	[sflag:s22] =	ssyncset.done $0x0  }
0x6d: {  	[sflag:s22] =	ssyncadd.s32 $0xFFFFFF90  }
0x6e: {  	[spmem:s3] =	stream.indirect.scatter.add.f32 [tilespmem:s17], [sflag:$0x5], $0x80, s18, s15, $0xb8;
	[tilespmem:$0x1FBA0] =	vst v63  }
0x6f: {  	_ =	swait.ge [sflag:s11], $0x3800  }
0x70: {  	s26 =	simm.s32 $0x150;
	s28 =	simm.s32 $0xFFFFF67C;
	[sflag:s11] =	ssyncset.done $0x0  }
0x71: {  	s25 =	sadd.s32 $0xFFFFF660, s7;
	s24 =	simm.s32 $0x230;
	[sflag:s11] =	ssyncadd.s32 $0xFFFFC800  }
.LBB2_3:
0x72: {  	[tilespmem:s17], [sflag:$0x2] =	stream.indirect.gather [hbm4b:s5+s15], $0x80, s26, s15, $0xb8;
	[tilespmem:$0x1FBA0] =	vst v63  }
0x73: {  	s29 =	smov.u32 s28;
	s26 =	smov.u32 s24  }
0x74: {  	s30 =	sadd.s32 $0x1C, s28;
	s31 =	sadd.s32 $0x9CA, s25;
	s29 =	sadd.s32 s29, s7  }
0x75: {  	[tilespmem:s18], [sflag:$0x4] =	stream.linear.gather [hbm4b:s31+s4], $0x70, $0x38;
	[tilespmem:$0x1FBA0] =	vst v63  }
0x76: {  	p1 =	sne.s32 s28, $0xFFFFFFE4;
	_ =	swait.ge [sflag:s19], $0x3800  }
0x77: {  	[sflag:s19] =	ssyncset.done $0x0  }
0x78: {  	[sflag:s19] =	ssyncadd.s32 $0xFFFFC800  }
0x79: {  	_ =	swait.ge [sflag:s20], $0x70  }
0x7a: {  	[sflag:s20] =	ssyncset.done $0x0  }
0x7b: {  	[sflag:s20] =	ssyncadd.s32 $0xFFFFFF90  }
0x7c: {  	[spmem:s3] =	stream.indirect.scatter.add.f32 [tilespmem:s16], [sflag:$0x5], $0x80, s14, s15, $0xb8;
	[tilespmem:$0x1FBA0] =	vst v63  }
0x7d: {  	_ =	swait.ge [sflag:s11], $0x3800  }
0x7e: {  	[sflag:s11] =	ssyncset.done $0x0  }
0x7f: {  	s28 =	sadd.s32 $0xFFFFFF90, s24;
	[sflag:s11] =	ssyncadd.s32 $0xFFFFC800  }
0x80: {  	[tilespmem:s16], [sflag:$0x1] =	stream.indirect.gather [hbm4b:s5+s15], $0x80, s28, s15, $0xb8;
	[tilespmem:$0x1FBA0] =	vst v63  }
0x81: {  	s28 =	sadd.s32 $0x9D8, s25;
	s25 =	smov.u32 s29  }
0x82: {  	[tilespmem:s14], [sflag:$0x3] =	stream.linear.gather [hbm4b:s28+s4], $0x70, $0x38;
	[tilespmem:$0x1FBA0] =	vst v63  }
0x83: {  	_ =	swait.ge [sflag:s21], $0x3800  }
0x84: {  	[sflag:s21] =	ssyncset.done $0x0  }
0x85: {  	[sflag:s21] =	ssyncadd.s32 $0xFFFFC800  }
0x86: {  	_ =	swait.ge [sflag:s22], $0x70  }
0x87: {  	[sflag:s22] =	ssyncset.done $0x0  }
.Ltmp3:
0x88: {  	[sflag:s22] =	ssyncadd.s32 $0xFFFFFF90;
	(pc) =	sbr.rel @p1 .LBB2_3-.Ltmp3, $4  }
0x89: {  	[spmem:s3] =	stream.indirect.scatter.add.f32 [tilespmem:s17], [sflag:$0x5], $0x80, s18, s15, $0xb8;
	[tilespmem:$0x1FBA0] =	vst v63  }
0x8a: {  	_ =	swait.ge [sflag:s11], $0x3800  }
0x8b: {  	[sflag:s11] =	ssyncset.done $0x0  }
0x8c: {  	s24 =	sadd.s32 $0xE0, s24;
	s28 =	smov.u32 s30;
	[sflag:s11] =	ssyncadd.s32 $0xFFFFC800  }
.Ltmp4:
0x8d: {  	_ = 	snop;
	(pc) =	sbr.rel .LBB2_4-.Ltmp4, $1  }
0x8e: {  	_ =	sdelay $0x3  }
.LBB2_6:
0x8f: {  	_ =	sfence.sel $0x180000  }
0x90: {  	[bflag:$0x0] =	sbarrier.arrive $0xFFFF  }
0x91: {  	p0 =	sne.s32 s1, $0x0;
	_ =	strace $0x9000004D  }
0x92: {  	s0 =	sadd.s32 @!p0 $0x100000, s0;
	[bflag:$0x2] =	sbarrier.arrive $0xFFFF  }
0x93: {  	[sflag:s0] =	ssyncadd.tile.s32 @!p0 $0x1;
	_ =	shalt  }
.Lfunc_end2:
_tile_overlayer_lowered:
.L_overlay_start_2:
0x94: {  	(tag) =	ssettag $0x2  }
0x95: {  	s0 =	rddreg [dreg:$0x0];
	s2 =	stileid.u32  }
0x96: {  	s1 =	rddreg [dreg:$0x1];
	p0 =	sne.s32 s2, $0x0  }
0x97: {  	s3 =	rddreg [dreg:$0x2];
	[bflag:$0x3] =	sbarrier.arrive $0xFFFF;
	s2 =	simm.s32 @!p0 $0x1C05  }
0x98: {  	[timem:s3], [sflag:s2] =	dma.local @!p0 [hbm:s0], s1  }
0x99: {  	s0 =	simm.s32 @!p0 $0x5  }
0x9a: {  	_ =	swait.ge @!p0 [sflag:s0], s1  }
0x9b: {  	s1 =	ssub.s32 @!p0 $0x0, s1;
	[sflag:s0] =	ssyncset.done @!p0 $0x0  }
0x9c: {  	[sflag:s0] =	ssyncadd.s32 @!p0 s1  }
0x9d: {  	[bflag:$0x3] =	sbarrier.arrive $0xFFFF  }
0x9e: {  	_ =	shalt  }

// kernel: kernel.19.cloned.1.call-start
scs
__scs_entry_jumppad:
0x0: {  	(pc) =	sbr.rel $0x88, $3  }
0x1: {  	(tag) =	ssettag $0x0;
	lr =	simm.s32 $0x1  }
0x2: {  	[smem:$0x3F99] =	sst lr;
	_ =	strace $0xD0000000  }
0x3: {  	_ = 	snop  }
0x4: {  	_ = 	snop  }
0x5: {  	_ = 	snop  }
0x6: {  	_ = 	snop  }
0x7: {  	_ = 	snop  }
__scs_overlays_trampoline_lowered:
0x8: {  	[smem:$0x3FA8] =	sst s0  }
0x9: {  	[smem:$0x3FA9] =	sst s1  }
0xa: {  	[smem:$0x3FAA] =	sst s2  }
0xb: {  	[smem:$0x3FAB] =	sst s3  }
0xc: {  	[smem:$0x3FAC] =	sst s4  }
0xd: {  	[smem:$0x3FAD] =	sst s5  }
0xe: {  	[smem:$0x3FAE] =	sst s6  }
0xf: {  	[smem:$0x3FAF] =	sst s7  }
0x10: {  	[smem:$0x3FB0] =	sst s8  }
0x11: {  	[smem:$0x3FB1] =	sst s9;
	s0 =	simm.s32 @!p0 $0x0  }
0x12: {  	s1 =	sld [smem:$0x3F97];
	s0 =	simm.s32 @p0 $0x1  }
0x13: {  	[smem:$0x3FB2] =	sst s0;
	s0 =	simm.s32 @!p1 $0x0  }
0x14: {  	s2 =	sld [smem:$0x3F96];
	s0 =	simm.s32 @p1 $0x1  }
0x15: {  	[smem:$0x3FB3] =	sst s0;
	s0 =	simm.s32 @!p2 $0x0  }
0x16: {  	s3 =	sld [smem:$0x3FDB];
	s0 =	simm.s32 @p2 $0x1  }
0x17: {  	s4 =	simm.s32 $0x1BF5;
	[smem:$0x3FB5] =	sst s0  }
0x18: {  	s0 =	sld [smem:$0x3F98];
	_ =	swait.ge [sflag:s4], $0x0  }
0x19: {  	s7 =	sld [smem:$0x3F99]  }
0x1a: {  	s8 =	sadd.s32 $0xFFFFE003, lr  }
0x1b: {  	s9 =	sadd.s32 $0xFFFFFEF7, lr;
	s5 =	simm.s32 $0xFFFFFFFF;
	p2 =	slt.u32 s8, $0xFFFFF086  }
0x1c: {  	p1 =	slt.u32 s9, $0xF7A;
	s5 =	simm.s32 @!p2 $0x0  }
0x1d: {  	s5 =	simm.s32 @p1 $0x1;
	p0 =	seq.s32 s7, s2  }
0x1e: {  	s7 =	smul.u32 @!p0 $0xF7A, s2;
	p2 =	seq.s32 @!p0 s5, $0x0  }
0x1f: {  	s9 =	smul.u32 $0xF7A, s1;
	s8 =	simm.s32 @!p0 $0x1BF5;
	p2 =	por !p2, p0  }
0x20: {  	[sflag:s8] =	ssyncset.s32 @!p0 $0xFFFFF086;
	s6 =	sadd.s32 @!p0 s3, s7;
	s7 =	simm.s32 @!p0 $0x108  }
0x21: {  	s3 =	sadd.s32 s3, s9;
	s6 =	sadd.s32 @!p0 $0x88, s6;
	s7 =	simm.s32 @p2 $0x1082  }
0x22: {  	[simem:s7], [sflag:s8] =	dma.local @!p0 [hbm:s6], $0xF7A  }
0x23: {  	s9 =	sor.u32 $0xD0000000, s2;
	s6 =	simm.s32 $0x108;
	_ =	swait.ge @!p0 [sflag:s8], $0x0  }
0x24: {  	s3 =	sadd.s32 $0x88, s3;
	s6 =	simm.s32 @!p1 $0x1082;
	[sflag:s4] =	ssyncset.s32 $0xFFFFF086  }
0x25: {  	[simem:s6], [sflag:s4] =	dma.local [hbm:s3], $0xF7A  }
0x26: {  	[smem:$0x3F99] =	sst s1;
	(tag) =	ssettag s2;
	_ =	strace s9  }
0x27: {  	s1 =	sld [smem:$0x3FA9]  }
0x28: {  	s2 =	sld [smem:$0x3FAA]  }
0x29: {  	s4 =	sld [smem:$0x3FAC]  }
0x2a: {  	p0 =	seq.s32 s5, $0x0;
	s5 =	sld [smem:$0x3FAD]  }
0x2b: {  	s6 =	sld [smem:$0x3FAE]  }
0x2c: {  	s7 =	sld [smem:$0x3FAF]  }
0x2d: {  	s3 =	simm.s32 $0x108;
	s8 =	sld [smem:$0x3FB0]  }
0x2e: {  	s3 =	simm.s32 @!p0 $0x1082;
	s9 =	sld [smem:$0x3FB1]  }
0x2f: {  	lr =	sadd.s32 s0, s3;
	s0 =	sld [smem:$0x3FA8]  }
0x30: {  	s3 =	sld [smem:$0x3FAB]  }
0x31: {  	[smem:$0x3FB4] =	sst s10  }
0x32: {  	s10 =	sld [smem:$0x3FB2];
	_ =	sdelay $0x3  }
0x33: {  	p0 =	seq.s32 s10, $0x1;
	s10 =	sld [smem:$0x3FB4];
	_ =	sdelay $0x3  }
0x34: {  	[smem:$0x3FB4] =	sst s10  }
0x35: {  	s10 =	sld [smem:$0x3FB3];
	_ =	sdelay $0x3  }
0x36: {  	p1 =	seq.s32 s10, $0x1;
	s10 =	sld [smem:$0x3FB4];
	_ =	sdelay $0x3  }
0x37: {  	[smem:$0x3FB4] =	sst s10  }
0x38: {  	s10 =	sld [smem:$0x3FB5]  }
0x39: {  	_ = 	snop;
	(pc) =	sbr.ind lr, $3  }
0x3a: {  	_ = 	snop  }
0x3b: {  	_ = 	snop  }
0x3c: {  	p2 =	seq.s32 s10, $0x1;
	s10 =	sld [smem:$0x3FB4]  }
0x3d: {  	_ =	shalt  }
0x3e: {  	_ =	shalt  }
0x3f: {  	_ =	shalt  }
0x40: {  	_ =	shalt  }
0x41: {  	_ =	shalt  }
0x42: {  	_ =	shalt  }
0x43: {  	_ =	shalt  }
0x44: {  	_ =	shalt  }
0x45: {  	_ =	shalt  }
0x46: {  	_ =	shalt  }
0x47: {  	_ =	shalt  }
0x48: {  	_ =	shalt  }
0x49: {  	_ =	shalt  }
0x4a: {  	_ =	shalt  }
0x4b: {  	_ =	shalt  }
0x4c: {  	_ =	shalt  }
0x4d: {  	_ =	shalt  }
0x4e: {  	_ =	shalt  }
0x4f: {  	_ =	shalt  }
0x50: {  	_ =	shalt  }
0x51: {  	_ =	shalt  }
0x52: {  	_ =	shalt  }
0x53: {  	_ =	shalt  }
0x54: {  	_ =	shalt  }
0x55: {  	_ =	shalt  }
0x56: {  	_ =	shalt  }
0x57: {  	_ =	shalt  }
0x58: {  	_ =	shalt  }
0x59: {  	_ =	shalt  }
0x5a: {  	_ =	shalt  }
0x5b: {  	_ =	shalt  }
0x5c: {  	_ =	shalt  }
0x5d: {  	_ =	shalt  }
0x5e: {  	_ =	shalt  }
0x5f: {  	_ =	shalt  }
0x60: {  	_ =	shalt  }
0x61: {  	_ =	shalt  }
0x62: {  	_ =	shalt  }
0x63: {  	_ =	shalt  }
0x64: {  	_ =	shalt  }
0x65: {  	_ =	shalt  }
0x66: {  	_ =	shalt  }
0x67: {  	_ =	shalt  }
0x68: {  	_ =	shalt  }
0x69: {  	_ =	shalt  }
0x6a: {  	_ =	shalt  }
0x6b: {  	_ =	shalt  }
0x6c: {  	_ =	shalt  }
0x6d: {  	_ =	shalt  }
0x6e: {  	_ =	shalt  }
0x6f: {  	_ =	shalt  }
0x70: {  	_ =	shalt  }
0x71: {  	_ =	shalt  }
0x72: {  	_ =	shalt  }
0x73: {  	_ =	shalt  }
0x74: {  	_ =	shalt  }
0x75: {  	_ =	shalt  }
0x76: {  	_ =	shalt  }
0x77: {  	_ =	shalt  }
0x78: {  	_ =	shalt  }
0x79: {  	_ =	shalt  }
0x7a: {  	_ =	shalt  }
0x7b: {  	_ =	shalt  }
0x7c: {  	_ =	shalt  }
0x7d: {  	_ =	shalt  }
0x7e: {  	_ =	shalt  }
0x7f: {  	_ =	shalt  }
0x80: {  	_ =	shalt  }
0x81: {  	_ =	shalt  }
0x82: {  	_ =	shalt  }
0x83: {  	_ =	shalt  }
0x84: {  	_ =	shalt  }
0x85: {  	_ =	shalt  }
0x86: {  	_ =	shalt  }
0x87: {  	_ =	shalt  }
.Lfunc_end0:
.L_simem_size_0:
called_computation.3_lowered:
.L_overlay_start_0:
0x88: {  	s2 =	sld [smem:$0x3FD9]  }
0x89: {  	s3 =	sld [smem:$0x3FFE];
	_ =	sdelay $0x1  }
0x8a: {  	s1 =	srdreg.scid  }
0x8b: {  	s0 =	sand.u32 $0x1, s1  }
0x8c: {  	s17 =	sshll.u32 s0, $0xA;
	s2 =	sadd.s32 s3, s2  }
0x8d: {  	s2 =	sadd.s32 s2, s17  }
0x8e: {  	[smem:$0x3FC0] =	sst s2  }
0x8f: {  	_ = 	snop  }
0x90: {  	s2 =	sld [smem:$0x3FD0];
	(tm) =	ssettm $0x1  }
0x91: {  	s18 =	sld [smem:$0x3FFB];
	_ =	sdelay $0x3  }
0x92: {  	_ =	strace s18  }
0x93: {  	s3 =	sld [smem:$0x3FFC];
	_ =	sdelay $0x3  }
0x94: {  	_ =	strace s3  }
0x95: {  	s3 =	sld [smem:$0x3FFD];
	_ =	sdelay $0x3  }
0x96: {  	_ =	strace s3  }
0x97: {  	_ =	strace $0x8FFFFFFF  }
0x98: {  	s19 =	sld [smem:$0x3FDB];
	_ =	sdelay $0x1  }
0x99: {  	s4 =	simm.s32 $_scs_section_size  }
0x9a: {  	s5 =	simm.s32 $_size__tile_overlayer_lowered;
	s6 =	simm.s32 $_tile_overlayer_lowered  }
0x9b: {  	s22 =	simm.s32 $0x1BFF;
	s21 =	sshll.u32 s6, $0x1;
	s3 =	sadd.s32 s4, s19  }
0x9c: {  	s7 =	simm.s32 $0x0;
	s20 =	sshll.u32 s5, $0x1;
	s5 =	sadd.s32 s21, s3  }
0x9d: {  	[timem:s7], [sflag:s22] =	dma.local [hbm:s5], s20  }
0x9e: {  	_ =	swait.ge [sflag:s22], s20  }
0x9f: {  	s4 =	ssub.s32 $0x0, s20;
	[sflag:s22] =	ssyncset.done $0x0  }
0xa0: {  	[sflag:s22] =	ssyncadd.s32 s4;
	_ =	sdelay $0x1  }
0xa1: {  	s23 =	simm.s32 $0x1B8B  }
0xa2: {  	_ =	swait.ge [sflag:s23], $0x1  }
0xa3: {  	[sflag:s23] =	ssyncset.done $0x0  }
0xa4: {  	s25 =	simm.s32 $0x1B8E;
	s24 =	sld [smem:$0x3FFE];
	[sflag:s23] =	ssyncadd.s32 $0xFFFFFFFF  }
0xa5: {  	s26 =	simm.s32 $execute0_lowered;
	[smem:$0x3FD2] =	sst s25  }
0xa6: {  	s5 =	sshll.u32 s26, $0x1;
	_ =	strace $0x8000004F;
	[dreg:$0x1] =	wrdreg $0xFFFFFFFF  }
0xa7: {  	s28 =	simm.s32 $_size_execute0_lowered;
	s3 =	sadd.s32 s3, s5;
	[dreg:$0x0] =	wrdreg $0x0  }
0xa8: {  	s5 =	sshll.u32 s28, $0x1;
	[dreg:$0x2] =	wrdreg s3  }
0xa9: {  	[dreg:$0x3] =	wrdreg s5  }
0xaa: {  	[dreg:$0x4] =	wrdreg $0xC0  }
0xab: {  	_ =	task [dreg:s7], $0x5FFFF  }
0xac: {  	[dreg:$0x1] =	wrdreg $0xFFFFFFFF  }
0xad: {  	[dreg:$0x0] =	wrdreg $0x60  }
0xae: {  	[dreg:$0x2] =	wrdreg s24  }
0xaf: {  	[dreg:$0x3] =	wrdreg s2  }
0xb0: {  	[dreg:$0x4] =	wrdreg $0x87A00  }
0xb1: {  	[dreg:$0x5] =	wrdreg $0x9  }
0xb2: {  	_ =	task.clear_ibuf [dreg:s7], $0x6FFFF;
	_ =	strace $0x9000004F  }
0xb3: {  	s29 =	simm.s32 $0x9;
	_ =	strace $0x80000051  }
0xb4: {  	_ =	swait.ge [sflag:s29], $0x1  }
0xb5: {  	[sflag:s29] =	ssyncadd.s32 $0xFFFFFFFF  }
0xb6: {  	_ =	strace $0x90000051  }
0xb7: {  	_ =	sfence  }
0xb8: {  	s30 =	sld [smem:$0x0];
	_ =	sdelay $0x2  }
0xb9: {  	s31 =	sshll.u32 s1, $0xD;
	s1 =	sshrl.u32 s1, $0x2  }
0xba: {  	s3 =	sand.u32 $0x4000, s31;
	s1 =	sadd.s32 s1, s30  }
0xbb: {  	s0 =	sor.u32 s3, s0;
	s1 =	sshll.u32 s1, $0x11  }
0xbc: {  	s0 =	sor.u32 s1, s0  }
0xbd: {  	s0 =	sadd.s32 $0x8F2B, s0  }
0xbe: {  	[sflag:s0] =	ssyncadd.remote.s32 $0x1  }
0xbf: {  	_ =	sfence.sel $0xFFFF  }
0xc0: {  	[dreg:$0x0] =	wrdreg $0xFFFFFFFF;
	(pc) =	sbr.abs _section_cstart, $3  }
0xc1: {  	[dreg:$0x1] =	wrdreg $0xFFFFFFFF  }
0xc2: {  	_ =	task.clear_ibuf [dreg:s7], $0x2FFFF;
	_ =	strace $0x9FFFFFFF  }
0xc3: {  	(tm) =	ssettm $0x7FFFFFFF  }
tec
execute0_lowered:
.L_overlay_start_1:
0x0: {  	(tag) =	ssettag $0x1  }
0x1: {  	s6 =	rddreg [dreg:$0x0]  }
0x2: {  	s2 =	rddreg [dreg:$0x1]  }
0x3: {  	s3 =	rddreg [dreg:$0x2]  }
0x4: {  	s0 =	rddreg [dreg:$0x3];
	s1 =	stileid.u32  }
0x5: {  	s5 =	srdreg.scid;
	s4 =	simm.s32 $0x0;
	s15 =	simm.s32 $0x70  }
0x6: {  	s16 =	simm.s32 $0x4FA0;
	s17 =	simm.s32 $0x6BA0;
	s18 =	simm.s32 $0x4F30  }
0x7: {  	s19 =	simm.s32 $0x1;
	s20 =	simm.s32 $0x3;
	s21 =	simm.s32 $0x2  }
0x8: {  	s22 =	simm.s32 $0x4;
	s23 =	simm.s32 $0x0;
	s7 =	smul.u32 $0x9D8, s1  }
0x9: {  	s11 =	sand.u32 $0x1, s5;
	s8 =	smul.u32 $0x9E00, s1;
	[smem:$0x7FF] =	sst s4  }
0xa: {  	s10 =	sadd.s32 $0x2C00, s6;
	s14 =	smul.u32 $0x4EC0, s1;
	s31 =	sshll.u32 s1, $0x6  }
0xb: {  	s5 =	smul.u32 $0x9E000, s11;
	_ =	strace $0x80000050;
	s13 =	ssub.s32 $0x2, s11  }
0xc: {  	p0 =	sne.s32 s11, $0x0;
	s11 =	simm.s32 $0x5;
	s9 =	sadd.s32 s7, s6  }
0xd: {  	s28 =	sshrl.u32 s13, $0x1;
	s29 =	sshrl.u32 s14, $0x3;
	s30 =	sadd.s32 s8, s3  }
.Ltmp0:
0xe: {  	s7 =	sadd.s32 s10, s7;
	s14 =	simm.s32 $0x4EC0;
	(pc) =	sbr.rel .LBB2_1-.Ltmp0, $4  }
0xf: {  	s5 =	sadd.s32 s8, s5;
	s13 =	ssub.s32 s13, s28;
	s10 =	sadd.s32 s10, s29  }
0x10: {  	s12 =	sshrl.u32 s5, $0x3;
	s5 =	sadd.s32 $0x16800, s6;
	s10 =	sadd.s32 $0x9CA, s10  }
0x11: {  	s12 =	sadd.s32 s12, s6;
	s6 =	sadd.s32 $0xCA00, s9;
	s9 =	smax.u32 s13, $0x1  }
0x12: {  	s13 =	sshrl.u32 s30, $0x3;
	s8 =	sadd.s32 $0x17C00, s12;
	s12 =	sor.u32 $0x1C05, s31  }
.LBB2_4:
0x13: {  	[tilespmem:s17], [sflag:$0x2] =	stream.indirect.gather [hbm4b:s2+s15], $0x40, s26, s15, $0xb8;
	[tilespmem:$0x125A0] =	vst v63  }
0x14: {  	s29 =	sadd.s32 $0x9CA, s25  }
0x15: {  	[tilespmem:s18], [sflag:$0x4] =	stream.linear.gather [hbm4b:s29+s4], $0x70, $0x38;
	[tilespmem:$0x125A0] =	vst v63  }
0x16: {  	_ =	swait.ge [sflag:s19], $0x1C00  }
0x17: {  	[sflag:s19] =	ssyncset.done $0x0  }
0x18: {  	[sflag:s19] =	ssyncadd.s32 $0xFFFFE400  }
0x19: {  	_ =	swait.ge [sflag:s20], $0x70  }
0x1a: {  	[sflag:s20] =	ssyncset.done $0x0  }
0x1b: {  	[sflag:s20] =	ssyncadd.s32 $0xFFFFFF90  }
0x1c: {  	[spmem:s3] =	stream.indirect.scatter.add.f32 [tilespmem:s16], [sflag:$0x5], $0x40, s14, s15, $0xb8;
	[tilespmem:$0x125A0] =	vst v63  }
0x1d: {  	_ =	swait.ge [sflag:s11], $0x1C00  }
0x1e: {  	[sflag:s11] =	ssyncset.done $0x0  }
0x1f: {  	s30 =	sadd.s32 $0xFFFFFF90, s24;
	[sflag:s11] =	ssyncadd.s32 $0xFFFFE400  }
0x20: {  	[tilespmem:s16], [sflag:$0x1] =	stream.indirect.gather [hbm4b:s2+s15], $0x40, s30, s15, $0xb8;
	[tilespmem:$0x125A0] =	vst v63  }
0x21: {  	s31 =	sadd.s32 $0x9D8, s25  }
0x22: {  	[tilespmem:s14], [sflag:$0x3] =	stream.linear.gather [hbm4b:s31+s4], $0x70, $0x38;
	[tilespmem:$0x125A0] =	vst v63  }
0x23: {  	_ =	swait.ge [sflag:s21], $0x1C00  }
0x24: {  	[sflag:s21] =	ssyncset.done $0x0  }
0x25: {  	[sflag:s21] =	ssyncadd.s32 $0xFFFFE400  }
0x26: {  	_ =	swait.ge [sflag:s22], $0x70  }
0x27: {  	[sflag:s22] =	ssyncset.done $0x0  }
0x28: {  	[sflag:s22] =	ssyncadd.s32 $0xFFFFFF90  }
0x29: {  	[spmem:s3] =	stream.indirect.scatter.add.f32 [tilespmem:s17], [sflag:$0x5], $0x40, s18, s15, $0xb8;
	[tilespmem:$0x125A0] =	vst v63  }
0x2a: {  	_ =	swait.ge [sflag:s11], $0x1C00  }
0x2b: {  	[sflag:s11] =	ssyncset.done $0x0  }
0x2c: {  	[sflag:s11] =	ssyncadd.s32 $0xFFFFE400  }
0x2d: {  	[tilespmem:s17], [sflag:$0x2] =	stream.indirect.gather [hbm4b:s2+s15], $0x40, s24, s15, $0xb8;
	[tilespmem:$0x125A0] =	vst v63  }
0x2e: {  	_ = 	snop  }
0x2f: {  	[tilespmem:s18], [sflag:$0x4] =	stream.linear.gather [hbm4b:s10+s4], $0x70, $0x38;
	[tilespmem:$0x125A0] =	vst v63  }
0x30: {  	_ =	swait.ge [sflag:s19], $0x1C00  }
0x31: {  	[sflag:s19] =	ssyncset.done $0x0  }
0x32: {  	[sflag:s19] =	ssyncadd.s32 $0xFFFFE400  }
0x33: {  	_ =	swait.ge [sflag:s20], $0x70  }
0x34: {  	[sflag:s20] =	ssyncset.done $0x0  }
0x35: {  	[sflag:s20] =	ssyncadd.s32 $0xFFFFFF90  }
0x36: {  	[spmem:s3] =	stream.indirect.scatter.add.f32 [tilespmem:s16], [sflag:$0x5], $0x40, s14, s15, $0xb8;
	[tilespmem:$0x125A0] =	vst v63  }
0x37: {  	_ =	swait.ge [sflag:s11], $0x1C00  }
0x38: {  	[sflag:s11] =	ssyncset.done $0x0  }
0x39: {  	[sflag:s11] =	ssyncadd.s32 $0xFFFFE400  }
0x3a: {  	_ =	swait.ge [sflag:s21], $0x1C00  }
0x3b: {  	[sflag:s21] =	ssyncset.done $0x0  }
0x3c: {  	[sflag:s21] =	ssyncadd.s32 $0xFFFFE400  }
0x3d: {  	_ =	swait.ge [sflag:s22], $0x70  }
0x3e: {  	[sflag:s22] =	ssyncset.done $0x0  }
0x3f: {  	[sflag:s22] =	ssyncadd.s32 $0xFFFFFF90  }
0x40: {  	[spmem:s3] =	stream.indirect.scatter.add.f32 [tilespmem:s17], [sflag:$0x5], $0x40, s18, s15, $0xb8;
	[tilespmem:$0x125A0] =	vst v63  }
0x41: {  	_ =	swait.ge [sflag:s11], $0x1C00  }
0x42: {  	[sflag:s11] =	ssyncset.done $0x0  }
0x43: {  	[sflag:s11] =	ssyncadd.s32 $0xFFFFE400  }
.LBB2_5:
0x44: {  	s23 =	sadd.s32 $0x1, s23  }
0x45: {  	p1 =	sne.s32 s23, s9  }
.Ltmp1:
0x46: {  	[bflag:$0x0] =	sbarrier.arrive $0xFFFF;
	(pc) =	sbr.rel @!p1 .LBB2_6-.Ltmp1, $4  }
0x47: {  	[hbm:s8], [sflag:s12] =	dma.local [spmem:s13], $0x13C0  }
0x48: {  	_ =	swait.ge [sflag:s11], $0x13C0  }
0x49: {  	[sflag:s11] =	ssyncset.done $0x0  }
0x4a: {  	[sflag:s11] =	ssyncadd.s32 $0xFFFFEC40  }
.LBB2_1:
0x4b: {  	[tilespmem:s4], [sflag:$0x5] =	stream.linear.gather [hbm4b:s6+s4], $0x4EC0, $0x38;
	[tilespmem:$0x125A0] =	vst v63  }
0x4c: {  	_ =	swait.ge [sflag:s11], $0x4EC0  }
0x4d: {  	[sflag:s11] =	ssyncset.done $0x0  }
0x4e: {  	[sflag:s11] =	ssyncadd.s32 $0xFFFFB140  }
0x4f: {  	[spmem:s13], [sflag:s12] =	dma.local [hbm:s5], $0x13C0  }
.Ltmp2:
0x50: {  	_ =	swait.ge [sflag:s11], $0x13C0;
	(pc) =	sbr.rel @p0 .LBB2_5-.Ltmp2, $3  }
0x51: {  	[sflag:s11] =	ssyncset.done $0x0  }
0x52: {  	[sflag:s11] =	ssyncadd.s32 $0xFFFFEC40  }
0x53: {  	[bflag:$0x0] =	sbarrier.arrive $0xFFFF;
	_ =	sdelay $0x1  }
0x54: {  	[tilespmem:s14], [sflag:$0x3] =	stream.linear.gather [hbm4b:s7+s4], $0x70, $0x38;
	[tilespmem:$0x125A0] =	vst v63  }
0x55: {  	_ = 	snop  }
0x56: {  	[tilespmem:s16], [sflag:$0x1] =	stream.indirect.gather [hbm4b:s2+s15], $0x40, s4, s15, $0xb8;
	[tilespmem:$0x125A0] =	vst v63  }
0x57: {  	s24 =	sadd.s32 $0xFFFFF644, s7  }
0x58: {  	[tilespmem:s17], [sflag:$0x2] =	stream.indirect.gather [hbm4b:s2+s15], $0x40, s15, s15, $0xb8;
	[tilespmem:$0x125A0] =	vst v63  }
0x59: {  	s25 =	sadd.s32 $0x9CA, s24  }
0x5a: {  	[tilespmem:s18], [sflag:$0x4] =	stream.linear.gather [hbm4b:s25+s4], $0x70, $0x38;
	[tilespmem:$0x125A0] =	vst v63  }
0x5b: {  	_ =	swait.ge [sflag:s19], $0x1C00  }
0x5c: {  	[sflag:s19] =	ssyncset.done $0x0  }
0x5d: {  	[sflag:s19] =	ssyncadd.s32 $0xFFFFE400  }
0x5e: {  	_ =	swait.ge [sflag:s20], $0x70  }
0x5f: {  	[sflag:s20] =	ssyncset.done $0x0  }
0x60: {  	[sflag:s20] =	ssyncadd.s32 $0xFFFFFF90  }
0x61: {  	[spmem:s3] =	stream.indirect.scatter.add.f32 [tilespmem:s16], [sflag:$0x5], $0x40, s14, s15, $0xb8;
	[tilespmem:$0x125A0] =	vst v63  }
0x62: {  	_ =	swait.ge [sflag:s11], $0x1C00  }
0x63: {  	[sflag:s11] =	ssyncset.done $0x0  }
0x64: {  	s31 =	simm.s32 $0xE0;
	[sflag:s11] =	ssyncadd.s32 $0xFFFFE400  }
0x65: {  	[tilespmem:s16], [sflag:$0x1] =	stream.indirect.gather [hbm4b:s2+s15], $0x40, s31, s15, $0xb8;
	[tilespmem:$0x125A0] =	vst v63  }
0x66: {  	s24 =	sadd.s32 $0x9D8, s24  }
0x67: {  	[tilespmem:s14], [sflag:$0x3] =	stream.linear.gather [hbm4b:s24+s4], $0x70, $0x38;
	[tilespmem:$0x125A0] =	vst v63  }
0x68: {  	_ =	swait.ge [sflag:s21], $0x1C00  }
0x69: {  	[sflag:s21] =	ssyncset.done $0x0  }
0x6a: {  	[sflag:s21] =	ssyncadd.s32 $0xFFFFE400  }
0x6b: {  	_ =	swait.ge [sflag:s22], $0x70  }
0x6c: {  	[sflag:s22] =	ssyncset.done $0x0  }
0x6d: {  	[sflag:s22] =	ssyncadd.s32 $0xFFFFFF90  }
0x6e: {  	[spmem:s3] =	stream.indirect.scatter.add.f32 [tilespmem:s17], [sflag:$0x5], $0x40, s18, s15, $0xb8;
	[tilespmem:$0x125A0] =	vst v63  }
0x6f: {  	_ =	swait.ge [sflag:s11], $0x1C00  }
0x70: {  	s26 =	simm.s32 $0x150;
	s28 =	simm.s32 $0xFFFFF67C;
	[sflag:s11] =	ssyncset.done $0x0  }
0x71: {  	s25 =	sadd.s32 $0xFFFFF660, s7;
	s24 =	simm.s32 $0x230;
	[sflag:s11] =	ssyncadd.s32 $0xFFFFE400  }
.LBB2_3:
0x72: {  	[tilespmem:s17], [sflag:$0x2] =	stream.indirect.gather [hbm4b:s2+s15], $0x40, s26, s15, $0xb8;
	[tilespmem:$0x125A0] =	vst v63  }
0x73: {  	s29 =	smov.u32 s28;
	s26 =	smov.u32 s24  }
0x74: {  	s30 =	sadd.s32 $0x1C, s28;
	s31 =	sadd.s32 $0x9CA, s25;
	s29 =	sadd.s32 s29, s7  }
0x75: {  	[tilespmem:s18], [sflag:$0x4] =	stream.linear.gather [hbm4b:s31+s4], $0x70, $0x38;
	[tilespmem:$0x125A0] =	vst v63  }
0x76: {  	p1 =	sne.s32 s28, $0xFFFFFFE4;
	_ =	swait.ge [sflag:s19], $0x1C00  }
0x77: {  	[sflag:s19] =	ssyncset.done $0x0  }
0x78: {  	[sflag:s19] =	ssyncadd.s32 $0xFFFFE400  }
0x79: {  	_ =	swait.ge [sflag:s20], $0x70  }
0x7a: {  	[sflag:s20] =	ssyncset.done $0x0  }
0x7b: {  	[sflag:s20] =	ssyncadd.s32 $0xFFFFFF90  }
0x7c: {  	[spmem:s3] =	stream.indirect.scatter.add.f32 [tilespmem:s16], [sflag:$0x5], $0x40, s14, s15, $0xb8;
	[tilespmem:$0x125A0] =	vst v63  }
0x7d: {  	_ =	swait.ge [sflag:s11], $0x1C00  }
0x7e: {  	[sflag:s11] =	ssyncset.done $0x0  }
0x7f: {  	s28 =	sadd.s32 $0xFFFFFF90, s24;
	[sflag:s11] =	ssyncadd.s32 $0xFFFFE400  }
0x80: {  	[tilespmem:s16], [sflag:$0x1] =	stream.indirect.gather [hbm4b:s2+s15], $0x40, s28, s15, $0xb8;
	[tilespmem:$0x125A0] =	vst v63  }
0x81: {  	s28 =	sadd.s32 $0x9D8, s25;
	s25 =	smov.u32 s29  }
0x82: {  	[tilespmem:s14], [sflag:$0x3] =	stream.linear.gather [hbm4b:s28+s4], $0x70, $0x38;
	[tilespmem:$0x125A0] =	vst v63  }
0x83: {  	_ =	swait.ge [sflag:s21], $0x1C00  }
0x84: {  	[sflag:s21] =	ssyncset.done $0x0  }
0x85: {  	[sflag:s21] =	ssyncadd.s32 $0xFFFFE400  }
0x86: {  	_ =	swait.ge [sflag:s22], $0x70  }
0x87: {  	[sflag:s22] =	ssyncset.done $0x0  }
.Ltmp3:
0x88: {  	[sflag:s22] =	ssyncadd.s32 $0xFFFFFF90;
	(pc) =	sbr.rel @p1 .LBB2_3-.Ltmp3, $4  }
0x89: {  	[spmem:s3] =	stream.indirect.scatter.add.f32 [tilespmem:s17], [sflag:$0x5], $0x40, s18, s15, $0xb8;
	[tilespmem:$0x125A0] =	vst v63  }
0x8a: {  	_ =	swait.ge [sflag:s11], $0x1C00  }
0x8b: {  	[sflag:s11] =	ssyncset.done $0x0  }
0x8c: {  	s24 =	sadd.s32 $0xE0, s24;
	s28 =	smov.u32 s30;
	[sflag:s11] =	ssyncadd.s32 $0xFFFFE400  }
.Ltmp4:
0x8d: {  	_ = 	snop;
	(pc) =	sbr.rel .LBB2_4-.Ltmp4, $1  }
0x8e: {  	_ =	sdelay $0x3  }
.LBB2_6:
0x8f: {  	_ =	sfence.sel $0x180000  }
0x90: {  	[bflag:$0x0] =	sbarrier.arrive $0xFFFF  }
0x91: {  	p0 =	sne.s32 s1, $0x0;
	_ =	strace $0x90000050  }
0x92: {  	s0 =	sadd.s32 @!p0 $0x100000, s0;
	[bflag:$0x2] =	sbarrier.arrive $0xFFFF  }
0x93: {  	[sflag:s0] =	ssyncadd.tile.s32 @!p0 $0x1;
	_ =	shalt  }
.Lfunc_end2:
_tile_overlayer_lowered:
.L_overlay_start_2:
0x94: {  	(tag) =	ssettag $0x2  }
0x95: {  	s0 =	rddreg [dreg:$0x0];
	s2 =	stileid.u32  }
0x96: {  	s1 =	rddreg [dreg:$0x1];
	p0 =	sne.s32 s2, $0x0  }
0x97: {  	s3 =	rddreg [dreg:$0x2];
	[bflag:$0x3] =	sbarrier.arrive $0xFFFF;
	s2 =	simm.s32 @!p0 $0x1C05  }
0x98: {  	[timem:s3], [sflag:s2] =	dma.local @!p0 [hbm:s0], s1  }
0x99: {  	s0 =	simm.s32 @!p0 $0x5  }
0x9a: {  	_ =	swait.ge @!p0 [sflag:s0], s1  }
0x9b: {  	s1 =	ssub.s32 @!p0 $0x0, s1;
	[sflag:s0] =	ssyncset.done @!p0 $0x0  }
0x9c: {  	[sflag:s0] =	ssyncadd.s32 @!p0 s1  }
0x9d: {  	[bflag:$0x3] =	sbarrier.arrive $0xFFFF  }
0x9e: {  	_ =	shalt  }

</sc_bundles>
